<compile_context>
chip_gen: v7x
topology: tpu7x:2x2x1
jax: 0.10.2.dev20260603
libtpu: 0.0.44.dev20260713+nightly
codegen_flags: <defaults>
</compile_context>

<pallas_src>
import functools

import jax
import jax.numpy as jnp
from jax import lax
from jax.experimental import pallas as pl
from jax.experimental.pallas import tpu as pltpu
from jax.experimental.pallas import tpu_sc as plsc

NC = 2
NS = 16
NW = NC * NS
CHUNK = 80
NBUF = 10
PREFETCH = 5
HIST_BR = 256


def _sc_partial_sums(feats, labels1d, zeros_acc, c):
    n, d = feats.shape
    nblk = n // CHUNK
    blk_per_tile = nblk // NW
    extra = nblk - blk_per_tile * NW
    mesh = plsc.VectorSubcoreMesh(
        core_axis_name="c", subcore_axis_name="s", num_cores=NC, num_subcores=NS)

    @functools.partial(
        pl.kernel,
        out_type=jax.ShapeDtypeStruct((NC, NS * c, d), jnp.float32),
        mesh=mesh,
        scratch_types=[
            pltpu.VMEM((NBUF, CHUNK), jnp.int32),
            pltpu.VMEM((NBUF, CHUNK, d), jnp.float32),
            pltpu.VMEM_SHARED((NS * c, d), jnp.float32),
            pltpu.SemaphoreType.DMA((NBUF,)),
            pltpu.SemaphoreType.DMA((NBUF,)),
            pltpu.SemaphoreType.DMA((NBUF,)),
        ],
    )
    def run(feats_hbm, labels_hbm, zacc_hbm, out_sums, idxb, bufb,
            shared_acc, lsem, fsem, ssem):
        cid = lax.axis_index("c")
        sid = lax.axis_index("s")
        wid = cid * NS + sid
        @pl.when(sid == 0)
        def _():
            pltpu.sync_copy(zacc_hbm, shared_acc)

        plsc.subcore_barrier()

        def start(j):
            p = lax.rem(j, NBUF)
            blk = wid * blk_per_tile + j
            pltpu.async_copy(
                labels_hbm.at[pl.ds(blk * CHUNK, CHUNK)], idxb.at[p],
                lsem.at[p])
            pltpu.async_copy(
                feats_hbm.at[pl.ds(blk * CHUNK, CHUNK)], bufb.at[p],
                fsem.at[p])

        def wait_scatter(p):
            pltpu.make_async_copy(
                bufb.at[p], shared_acc.at[idxb.at[p]], ssem.at[p]).wait()

        for j0 in range(PREFETCH):
            start(j0)

        def body(j, carry):
            p = lax.rem(j, NBUF)
            pltpu.make_async_copy(
                labels_hbm.at[pl.ds(0, CHUNK)], idxb.at[p], lsem.at[p]).wait()
            pltpu.make_async_copy(
                feats_hbm.at[pl.ds(0, CHUNK)], bufb.at[p], fsem.at[p]).wait()
            pltpu.async_copy(bufb.at[p], shared_acc.at[idxb.at[p]], ssem.at[p],
                             add=True)
            m = j + PREFETCH

            @pl.when(m < blk_per_tile)
            def _():
                q = lax.rem(m, NBUF)

                @pl.when(m >= NBUF)
                def _():
                    wait_scatter(q)

                start(m)

            return carry

        lax.fori_loop(0, blk_per_tile, body, 0)
        for t in range(NBUF):
            wait_scatter((blk_per_tile - NBUF + t) % NBUF)

        @pl.when(wid < extra)
        def _():
            blk = blk_per_tile * NW + wid
            pltpu.sync_copy(labels_hbm.at[pl.ds(blk * CHUNK, CHUNK)],
                            idxb.at[0])
            pltpu.sync_copy(feats_hbm.at[pl.ds(blk * CHUNK, CHUNK)],
                            bufb.at[0])
            pltpu.sync_copy(bufb.at[0], shared_acc.at[idxb.at[0]], add=True)

        plsc.subcore_barrier()

        @pl.when(sid == 0)
        def _():
            pltpu.sync_copy(shared_acc, out_sums.at[cid])

    return run(feats, labels1d, zeros_acc)


def _hist_kernel(lab_ref, out_ref):
    i = pl.program_id(0)
    lab = lab_ref[...]
    class_row = lax.broadcasted_iota(jnp.int32, (HIST_BR, 128), 1)
    acc = jnp.zeros((1, 128), jnp.float32)
    for k in range(128):
        col = jnp.broadcast_to(lab[:, k:k + 1], (HIST_BR, 128))
        oh = (col == class_row).astype(jnp.float32)
        acc = acc + jnp.sum(oh, axis=0, keepdims=True)

    @pl.when(i == 0)
    def _():
        out_ref[...] = jnp.zeros_like(out_ref)

    out_ref[...] += jnp.broadcast_to(acc, out_ref.shape)


def _tc_histogram(labels_pad2d):
    rows = labels_pad2d.shape[0]
    return pl.pallas_call(
        _hist_kernel,
        grid=(rows // HIST_BR,),
        in_specs=[pl.BlockSpec((HIST_BR, 128), lambda i: (i, 0))],
        out_specs=pl.BlockSpec((8, 128), lambda i: (0, 0)),
        out_shape=jax.ShapeDtypeStruct((8, 128), jnp.float32),
    )(labels_pad2d)


def _combine_kernel(psums_ref, hist_ref, proto_ref, plabel_ref, out_ref):
    sums = jnp.sum(psums_ref[...], axis=0)
    c = sums.shape[0]
    d = sums.shape[1]
    labels = plabel_ref[...]
    onehot_c = (labels[:, None] ==
                lax.broadcasted_iota(jnp.int32, (c, c), 1)).astype(jnp.float32)
    onehot_k = (labels[:, None] ==
                lax.broadcasted_iota(jnp.int32, (c, 128), 1)).astype(jnp.float32)
    hist_sq = jnp.broadcast_to(hist_ref[0:1, :], (128, 128))
    eye = (lax.broadcasted_iota(jnp.int32, (128, 128), 0) ==
           lax.broadcasted_iota(jnp.int32, (128, 128), 1))
    hist_col = jnp.sum(jnp.where(eye, hist_sq, 0.0), axis=1,
                       keepdims=True)
    sums_sel = jnp.dot(onehot_c, sums,
                       preferred_element_type=jnp.float32,
                       precision=lax.Precision.HIGHEST)
    cnts_sel = jnp.dot(onehot_k, hist_col,
                       preferred_element_type=jnp.float32,
                       precision=lax.Precision.HIGHEST)
    safe = jnp.maximum(cnts_sel, 1.0)
    proto_cur = sums_sel / safe
    present = (cnts_sel > 0).astype(jnp.float32)
    sq = (proto_ref[...] - proto_cur) ** 2
    per_class = jnp.sum(sq, axis=1, keepdims=True) * present
    denom = jnp.maximum(jnp.sum(present) * d, 1.0)
    out_ref[0, 0] = jnp.sum(per_class) / denom


def kernel(former_proto_list, former_proto_label, tf_feat_list, tf_label_list):
    n, d = tf_feat_list.shape
    c = former_proto_list.shape[0]
    nblk = n // CHUNK
    blk_per_tile = nblk // NW
    labels_i32 = tf_label_list.astype(jnp.int32)
    blk = jnp.arange(n, dtype=jnp.int32) // CHUNK
    wid = jnp.where(blk < blk_per_tile * NW, blk // blk_per_tile,
                    blk - blk_per_tile * NW)
    labels1d = labels_i32 + (wid % NS) * c
    zeros_acc = jnp.zeros((NS * c, d), jnp.float32)
    lrows = n // 128
    lrows_pad = ((lrows + HIST_BR - 1) // HIST_BR) * HIST_BR
    labels_pad = jnp.concatenate(
        [labels_i32, jnp.full((lrows_pad * 128 - n,), 127, jnp.int32)])
    hist = _tc_histogram(labels_pad.reshape(lrows_pad, 128))
    psums = _sc_partial_sums(tf_feat_list, labels1d, zeros_acc, c)
    psums = psums.reshape(NW, c, d)
    out = pl.pallas_call(
        _combine_kernel,
        out_shape=jax.ShapeDtypeStruct((1, 1), jnp.float32),
        out_specs=pl.BlockSpec(memory_space=pltpu.SMEM),
    )(psums, hist, former_proto_list, former_proto_label.astype(jnp.int32))
    return out[0, 0]

# --- scband reference (transcript-rebuilt; emitter-appended) ---
"""Pipeline reference for scband-proto-regularization-11244224381216 (READ-ONLY COPY).

The authoritative reference and input builder live on the scoring server;
editing this copy changes nothing except your own understanding.
"""

import jax, jax.numpy as jnp
import numpy as np

W = 1.0
NUM_CLASSES = 100
D = 128
N = 320000

def setup_inputs(seed: int = 0) -> dict:
    key = jax.random.key(seed)
    k1, k2, k3 = jax.random.split(key, 3)
    former_proto_list = jax.random.normal(k1, (NUM_CLASSES, D), dtype=jnp.float32)
    former_proto_label = jnp.arange(NUM_CLASSES)
    tf_feat_list = jax.random.normal(k2, (N, D), dtype=jnp.float32)
    tf_label_list = jax.random.randint(k3, (N,), 0, NUM_CLASSES)
    return {
        'former_proto_list': former_proto_list,
        'former_proto_label': former_proto_label,
        'tf_feat_list': tf_feat_list,
        'tf_label_list': tf_label_list,
    }

def reference(former_proto_list, former_proto_label, tf_feat_list, tf_label_list):
    # Faithful translation: for each former prototype label, gather all features
    # with matching label, take their mean (if any exist), then MSE against the
    # former prototype over the present classes only.
    num_segments = former_proto_list.shape[0]
    d = former_proto_list.shape[1]
    sums = jax.ops.segment_sum(tf_feat_list, tf_label_list, num_segments=num_segments)
    counts = jax.ops.segment_sum(
        jnp.ones((tf_label_list.shape[0],), dtype=jnp.float32),
        tf_label_list, num_segments=num_segments)
    sums_sel = jnp.take(sums, former_proto_label, axis=0)
    counts_sel = jnp.take(counts, former_proto_label, axis=0)
    safe_counts = jnp.maximum(counts_sel, 1.0)
    proto_current = sums_sel / safe_counts[:, None]
    present = (counts_sel > 0).astype(jnp.float32)
    sq = (former_proto_list - proto_current) ** 2
    per_class = jnp.sum(sq, axis=1) * present
    denom = jnp.maximum(jnp.sum(present) * d, 1.0)
    return W * jnp.sum(per_class) / denom

if __name__ == "__main__":
    import jax
    _d = setup_inputs()
    print(jax.jit(kernel)(*tuple(_d.values())))

</pallas_src>

<mosaic_0001>
#map = affine_map<(d0, d1) -> (0, 0)>
#map1 = affine_map<(d0, d1) -> (0)>
#map2 = affine_map<(d0, d1) -> (0, 0, 0)>
module attributes {stable_mosaic.version = 14 : i64} {
  func.func @run(%arg0: i32, %arg1: i32, %arg2: memref<320000x128xf32, #tpu.memory_space<hbm>>, %arg3: memref<320000xi32, #tpu.memory_space<hbm>>, %arg4: memref<1600x128xf32, #tpu.memory_space<hbm>>, %arg5: memref<2x1600x128xf32, #tpu.memory_space<hbm>>, %arg6: memref<10x80xi32, #tpu.memory_space<vmem>>, %arg7: memref<10x80x128xf32, #tpu.memory_space<vmem>>, %arg8: memref<1600x128xf32, #tpu.memory_space<vmem_shared>>, %arg9: memref<10x!tpu.dma_semaphore, #tpu.memory_space<semaphore_mem>>, %arg10: memref<10x!tpu.dma_semaphore, #tpu.memory_space<semaphore_mem>>, %arg11: memref<10x!tpu.dma_semaphore, #tpu.memory_space<semaphore_mem>>) attributes {dimension_semantics = [#tpu.dimension_semantics<core_parallel>, #tpu.dimension_semantics<subcore_parallel>], iteration_bounds = array<i64: 2, 16>, scalar_prefetch = 0 : i64, scratch_operands = 6 : i64, tpu.core_type = #tpu.core_type<sc_vector_subcore>, window_params = [{transform_indices = #map}, {transform_indices = #map1}, {transform_indices = #map}, {transform_indices = #map2}]} {
    %mul3A = arith.constant 16 : i32
    %mul3A_0 = arith.muli %arg0, %mul3A : i32
    %add3A = arith.addi %mul3A_0, %arg1 : i32
    %eq3A = arith.constant 0 : i32
    %eq3A_1 = arith.cmpi eq, %arg1, %eq3A : i32
    %convert_element_type3A = arith.extui %eq3A_1 : i1 to i32
    %cond3A = arith.constant 0 : i32
    %cond3A_2 = arith.cmpi ne, %convert_element_type3A, %cond3A : i32
    scf.if %cond3A_2 {
      "tpu.region"() ({
        %run_scoped3A = tpu.sem_alloc : memref<!tpu.dma_semaphore, #tpu.memory_space<semaphore_mem>>
        tpu.enqueue_dma source(%arg4 : memref<1600x128xf32, #tpu.memory_space<hbm>>) target(%arg8 : memref<1600x128xf32, #tpu.memory_space<vmem_shared>>) target_semaphore(%run_scoped3A : memref<!tpu.dma_semaphore, #tpu.memory_space<semaphore_mem>>)
        tpu.wait_dma2 semaphore(%run_scoped3A : memref<!tpu.dma_semaphore, #tpu.memory_space<semaphore_mem>>) src(%arg4 : memref<1600x128xf32, #tpu.memory_space<hbm>>) dst(%arg8 : memref<1600x128xf32, #tpu.memory_space<vmem_shared>>)
        tpu.yield
      }) : () -> ()
    } else {
    }
    %barrier3A = arith.constant 0 : index
    tpu.barrier barrier_id(%barrier3A)
    %rem3A = arith.constant 0 : i32
    %rem3A_3 = arith.constant 10 : i32
    %rem3A_4 = arith.remsi %rem3A, %rem3A_3 : i32
    %mul3A_5 = arith.constant 125 : i32
    %mul3A_6 = arith.muli %add3A, %mul3A_5 : i32
    %add3A_7 = arith.constant 0 : i32
    %add3A_8 = arith.addi %mul3A_6, %add3A_7 : i32
    %mul3A_9 = arith.constant 80 : i32
    %mul3A_10 = arith.muli %add3A_8, %mul3A_9 : i32
    %dma_start3A = arith.constant 0 : i32
    %dma_start3A_11 = tpu.memref_slice %arg6[%rem3A_4, %dma_start3A] : memref<10x80xi32, #tpu.memory_space<vmem>> -> memref<1x80xi32, #tpu.memory_space<vmem>>
    %dma_start3A_12 = tpu.memref_squeeze %dma_start3A_11 : memref<1x80xi32, #tpu.memory_space<vmem>> -> memref<80xi32, #tpu.memory_space<vmem>>
    %dma_start3A_13 = tpu.memref_slice %arg3[%mul3A_10] : memref<320000xi32, #tpu.memory_space<hbm>> -> memref<80xi32, #tpu.memory_space<hbm>>
    %dma_start3A_14 = tpu.memref_slice %arg9[%rem3A_4] : memref<10x!tpu.dma_semaphore, #tpu.memory_space<semaphore_mem>> -> memref<1x!tpu.dma_semaphore, #tpu.memory_space<semaphore_mem>>
    %dma_start3A_15 = tpu.memref_squeeze %dma_start3A_14 : memref<1x!tpu.dma_semaphore, #tpu.memory_space<semaphore_mem>> -> memref<!tpu.dma_semaphore, #tpu.memory_space<semaphore_mem>>
    %dma_start3A_16 = arith.constant 0 : i32
    %dma_start3A_17 = tpu.memref_slice %arg6[%rem3A_4, %dma_start3A_16] : memref<10x80xi32, #tpu.memory_space<vmem>> -> memref<1x80xi32, #tpu.memory_space<vmem>>
    %dma_start3A_18 = tpu.memref_squeeze %dma_start3A_17 : memref<1x80xi32, #tpu.memory_space<vmem>> -> memref<80xi32, #tpu.memory_space<vmem>>
    %dma_start3A_19 = tpu.memref_slice %arg3[%mul3A_10] : memref<320000xi32, #tpu.memory_space<hbm>> -> memref<80xi32, #tpu.memory_space<hbm>>
    tpu.enqueue_dma source(%dma_start3A_19 : memref<80xi32, #tpu.memory_space<hbm>>) target(%dma_start3A_18 : memref<80xi32, #tpu.memory_space<vmem>>) target_semaphore(%dma_start3A_15 : memref<!tpu.dma_semaphore, #tpu.memory_space<semaphore_mem>>)
    %mul3A_20 = arith.constant 80 : i32
    %mul3A_21 = arith.muli %add3A_8, %mul3A_20 : i32
    %dma_start3A_22 = arith.constant 0 : i32
    %dma_start3A_23 = arith.constant 0 : i32
    %dma_start3A_24 = tpu.memref_slice %arg7[%rem3A_4, %dma_start3A_22, %dma_start3A_23] : memref<10x80x128xf32, #tpu.memory_space<vmem>> -> memref<1x80x128xf32, #tpu.memory_space<vmem>>
    %dma_start3A_25 = tpu.memref_squeeze %dma_start3A_24 : memref<1x80x128xf32, #tpu.memory_space<vmem>> -> memref<80x128xf32, #tpu.memory_space<vmem>>
    %dma_start3A_26 = arith.constant 0 : i32
    %dma_start3A_27 = tpu.memref_slice %arg2[%mul3A_21, %dma_start3A_26] : memref<320000x128xf32, #tpu.memory_space<hbm>> -> memref<80x128xf32, #tpu.memory_space<hbm>>
    %dma_start3A_28 = tpu.memref_slice %arg10[%rem3A_4] : memref<10x!tpu.dma_semaphore, #tpu.memory_space<semaphore_mem>> -> memref<1x!tpu.dma_semaphore, #tpu.memory_space<semaphore_mem>>
    %dma_start3A_29 = tpu.memref_squeeze %dma_start3A_28 : memref<1x!tpu.dma_semaphore, #tpu.memory_space<semaphore_mem>> -> memref<!tpu.dma_semaphore, #tpu.memory_space<semaphore_mem>>
    %dma_start3A_30 = arith.constant 0 : i32
    %dma_start3A_31 = arith.constant 0 : i32
    %dma_start3A_32 = tpu.memref_slice %arg7[%rem3A_4, %dma_start3A_30, %dma_start3A_31] : memref<10x80x128xf32, #tpu.memory_space<vmem>> -> memref<1x80x128xf32, #tpu.memory_space<vmem>>
    %dma_start3A_33 = tpu.memref_squeeze %dma_start3A_32 : memref<1x80x128xf32, #tpu.memory_space<vmem>> -> memref<80x128xf32, #tpu.memory_space<vmem>>
    %dma_start3A_34 = arith.constant 0 : i32
    %dma_start3A_35 = tpu.memref_slice %arg2[%mul3A_21, %dma_start3A_34] : memref<320000x128xf32, #tpu.memory_space<hbm>> -> memref<80x128xf32, #tpu.memory_space<hbm>>
    tpu.enqueue_dma source(%dma_start3A_35 : memref<80x128xf32, #tpu.memory_space<hbm>>) target(%dma_start3A_33 : memref<80x128xf32, #tpu.memory_space<vmem>>) target_semaphore(%dma_start3A_29 : memref<!tpu.dma_semaphore, #tpu.memory_space<semaphore_mem>>)
    %rem3A_36 = arith.constant 1 : i32
    %rem3A_37 = arith.constant 10 : i32
    %rem3A_38 = arith.remsi %rem3A_36, %rem3A_37 : i32
    %mul3A_39 = arith.constant 125 : i32
    %mul3A_40 = arith.muli %add3A, %mul3A_39 : i32
    %add3A_41 = arith.constant 1 : i32
    %add3A_42 = arith.addi %mul3A_40, %add3A_41 : i32
    %mul3A_43 = arith.constant 80 : i32
    %mul3A_44 = arith.muli %add3A_42, %mul3A_43 : i32
    %dma_start3A_45 = arith.constant 0 : i32
    %dma_start3A_46 = tpu.memref_slice %arg6[%rem3A_38, %dma_start3A_45] : memref<10x80xi32, #tpu.memory_space<vmem>> -> memref<1x80xi32, #tpu.memory_space<vmem>>
    %dma_start3A_47 = tpu.memref_squeeze %dma_start3A_46 : memref<1x80xi32, #tpu.memory_space<vmem>> -> memref<80xi32, #tpu.memory_space<vmem>>
    %dma_start3A_48 = tpu.memref_slice %arg3[%mul3A_44] : memref<320000xi32, #tpu.memory_space<hbm>> -> memref<80xi32, #tpu.memory_space<hbm>>
    %dma_start3A_49 = tpu.memref_slice %arg9[%rem3A_38] : memref<10x!tpu.dma_semaphore, #tpu.memory_space<semaphore_mem>> -> memref<1x!tpu.dma_semaphore, #tpu.memory_space<semaphore_mem>>
    %dma_start3A_50 = tpu.memref_squeeze %dma_start3A_49 : memref<1x!tpu.dma_semaphore, #tpu.memory_space<semaphore_mem>> -> memref<!tpu.dma_semaphore, #tpu.memory_space<semaphore_mem>>
    %dma_start3A_51 = arith.constant 0 : i32
    %dma_start3A_52 = tpu.memref_slice %arg6[%rem3A_38, %dma_start3A_51] : memref<10x80xi32, #tpu.memory_space<vmem>> -> memref<1x80xi32, #tpu.memory_space<vmem>>
    %dma_start3A_53 = tpu.memref_squeeze %dma_start3A_52 : memref<1x80xi32, #tpu.memory_space<vmem>> -> memref<80xi32, #tpu.memory_space<vmem>>
    %dma_start3A_54 = tpu.memref_slice %arg3[%mul3A_44] : memref<320000xi32, #tpu.memory_space<hbm>> -> memref<80xi32, #tpu.memory_space<hbm>>
    tpu.enqueue_dma source(%dma_start3A_54 : memref<80xi32, #tpu.memory_space<hbm>>) target(%dma_start3A_53 : memref<80xi32, #tpu.memory_space<vmem>>) target_semaphore(%dma_start3A_50 : memref<!tpu.dma_semaphore, #tpu.memory_space<semaphore_mem>>)
    %mul3A_55 = arith.constant 80 : i32
    %mul3A_56 = arith.muli %add3A_42, %mul3A_55 : i32
    %dma_start3A_57 = arith.constant 0 : i32
    %dma_start3A_58 = arith.constant 0 : i32
    %dma_start3A_59 = tpu.memref_slice %arg7[%rem3A_38, %dma_start3A_57, %dma_start3A_58] : memref<10x80x128xf32, #tpu.memory_space<vmem>> -> memref<1x80x128xf32, #tpu.memory_space<vmem>>
    %dma_start3A_60 = tpu.memref_squeeze %dma_start3A_59 : memref<1x80x128xf32, #tpu.memory_space<vmem>> -> memref<80x128xf32, #tpu.memory_space<vmem>>
    %dma_start3A_61 = arith.constant 0 : i32
    %dma_start3A_62 = tpu.memref_slice %arg2[%mul3A_56, %dma_start3A_61] : memref<320000x128xf32, #tpu.memory_space<hbm>> -> memref<80x128xf32, #tpu.memory_space<hbm>>
    %dma_start3A_63 = tpu.memref_slice %arg10[%rem3A_38] : memref<10x!tpu.dma_semaphore, #tpu.memory_space<semaphore_mem>> -> memref<1x!tpu.dma_semaphore, #tpu.memory_space<semaphore_mem>>
    %dma_start3A_64 = tpu.memref_squeeze %dma_start3A_63 : memref<1x!tpu.dma_semaphore, #tpu.memory_space<semaphore_mem>> -> memref<!tpu.dma_semaphore, #tpu.memory_space<semaphore_mem>>
    %dma_start3A_65 = arith.constant 0 : i32
    %dma_start3A_66 = arith.constant 0 : i32
    %dma_start3A_67 = tpu.memref_slice %arg7[%rem3A_38, %dma_start3A_65, %dma_start3A_66] : memref<10x80x128xf32, #tpu.memory_space<vmem>> -> memref<1x80x128xf32, #tpu.memory_space<vmem>>
    %dma_start3A_68 = tpu.memref_squeeze %dma_start3A_67 : memref<1x80x128xf32, #tpu.memory_space<vmem>> -> memref<80x128xf32, #tpu.memory_space<vmem>>
    %dma_start3A_69 = arith.constant 0 : i32
    %dma_start3A_70 = tpu.memref_slice %arg2[%mul3A_56, %dma_start3A_69] : memref<320000x128xf32, #tpu.memory_space<hbm>> -> memref<80x128xf32, #tpu.memory_space<hbm>>
    tpu.enqueue_dma source(%dma_start3A_70 : memref<80x128xf32, #tpu.memory_space<hbm>>) target(%dma_start3A_68 : memref<80x128xf32, #tpu.memory_space<vmem>>) target_semaphore(%dma_start3A_64 : memref<!tpu.dma_semaphore, #tpu.memory_space<semaphore_mem>>)
    %rem3A_71 = arith.constant 2 : i32
    %rem3A_72 = arith.constant 10 : i32
    %rem3A_73 = arith.remsi %rem3A_71, %rem3A_72 : i32
    %mul3A_74 = arith.constant 125 : i32
    %mul3A_75 = arith.muli %add3A, %mul3A_74 : i32
    %add3A_76 = arith.constant 2 : i32
    %add3A_77 = arith.addi %mul3A_75, %add3A_76 : i32
    %mul3A_78 = arith.constant 80 : i32
    %mul3A_79 = arith.muli %add3A_77, %mul3A_78 : i32
    %dma_start3A_80 = arith.constant 0 : i32
    %dma_start3A_81 = tpu.memref_slice %arg6[%rem3A_73, %dma_start3A_80] : memref<10x80xi32, #tpu.memory_space<vmem>> -> memref<1x80xi32, #tpu.memory_space<vmem>>
    %dma_start3A_82 = tpu.memref_squeeze %dma_start3A_81 : memref<1x80xi32, #tpu.memory_space<vmem>> -> memref<80xi32, #tpu.memory_space<vmem>>
    %dma_start3A_83 = tpu.memref_slice %arg3[%mul3A_79] : memref<320000xi32, #tpu.memory_space<hbm>> -> memref<80xi32, #tpu.memory_space<hbm>>
    %dma_start3A_84 = tpu.memref_slice %arg9[%rem3A_73] : memref<10x!tpu.dma_semaphore, #tpu.memory_space<semaphore_mem>> -> memref<1x!tpu.dma_semaphore, #tpu.memory_space<semaphore_mem>>
    %dma_start3A_85 = tpu.memref_squeeze %dma_start3A_84 : memref<1x!tpu.dma_semaphore, #tpu.memory_space<semaphore_mem>> -> memref<!tpu.dma_semaphore, #tpu.memory_space<semaphore_mem>>
    %dma_start3A_86 = arith.constant 0 : i32
    %dma_start3A_87 = tpu.memref_slice %arg6[%rem3A_73, %dma_start3A_86] : memref<10x80xi32, #tpu.memory_space<vmem>> -> memref<1x80xi32, #tpu.memory_space<vmem>>
    %dma_start3A_88 = tpu.memref_squeeze %dma_start3A_87 : memref<1x80xi32, #tpu.memory_space<vmem>> -> memref<80xi32, #tpu.memory_space<vmem>>
    %dma_start3A_89 = tpu.memref_slice %arg3[%mul3A_79] : memref<320000xi32, #tpu.memory_space<hbm>> -> memref<80xi32, #tpu.memory_space<hbm>>
    tpu.enqueue_dma source(%dma_start3A_89 : memref<80xi32, #tpu.memory_space<hbm>>) target(%dma_start3A_88 : memref<80xi32, #tpu.memory_space<vmem>>) target_semaphore(%dma_start3A_85 : memref<!tpu.dma_semaphore, #tpu.memory_space<semaphore_mem>>)
    %mul3A_90 = arith.constant 80 : i32
    %mul3A_91 = arith.muli %add3A_77, %mul3A_90 : i32
    %dma_start3A_92 = arith.constant 0 : i32
    %dma_start3A_93 = arith.constant 0 : i32
    %dma_start3A_94 = tpu.memref_slice %arg7[%rem3A_73, %dma_start3A_92, %dma_start3A_93] : memref<10x80x128xf32, #tpu.memory_space<vmem>> -> memref<1x80x128xf32, #tpu.memory_space<vmem>>
    %dma_start3A_95 = tpu.memref_squeeze %dma_start3A_94 : memref<1x80x128xf32, #tpu.memory_space<vmem>> -> memref<80x128xf32, #tpu.memory_space<vmem>>
    %dma_start3A_96 = arith.constant 0 : i32
    %dma_start3A_97 = tpu.memref_slice %arg2[%mul3A_91, %dma_start3A_96] : memref<320000x128xf32, #tpu.memory_space<hbm>> -> memref<80x128xf32, #tpu.memory_space<hbm>>
    %dma_start3A_98 = tpu.memref_slice %arg10[%rem3A_73] : memref<10x!tpu.dma_semaphore, #tpu.memory_space<semaphore_mem>> -> memref<1x!tpu.dma_semaphore, #tpu.memory_space<semaphore_mem>>
    %dma_start3A_99 = tpu.memref_squeeze %dma_start3A_98 : memref<1x!tpu.dma_semaphore, #tpu.memory_space<semaphore_mem>> -> memref<!tpu.dma_semaphore, #tpu.memory_space<semaphore_mem>>
    %dma_start3A_100 = arith.constant 0 : i32
    %dma_start3A_101 = arith.constant 0 : i32
    %dma_start3A_102 = tpu.memref_slice %arg7[%rem3A_73, %dma_start3A_100, %dma_start3A_101] : memref<10x80x128xf32, #tpu.memory_space<vmem>> -> memref<1x80x128xf32, #tpu.memory_space<vmem>>
    %dma_start3A_103 = tpu.memref_squeeze %dma_start3A_102 : memref<1x80x128xf32, #tpu.memory_space<vmem>> -> memref<80x128xf32, #tpu.memory_space<vmem>>
    %dma_start3A_104 = arith.constant 0 : i32
    %dma_start3A_105 = tpu.memref_slice %arg2[%mul3A_91, %dma_start3A_104] : memref<320000x128xf32, #tpu.memory_space<hbm>> -> memref<80x128xf32, #tpu.memory_space<hbm>>
    tpu.enqueue_dma source(%dma_start3A_105 : memref<80x128xf32, #tpu.memory_space<hbm>>) target(%dma_start3A_103 : memref<80x128xf32, #tpu.memory_space<vmem>>) target_semaphore(%dma_start3A_99 : memref<!tpu.dma_semaphore, #tpu.memory_space<semaphore_mem>>)
    %rem3A_106 = arith.constant 3 : i32
    %rem3A_107 = arith.constant 10 : i32
    %rem3A_108 = arith.remsi %rem3A_106, %rem3A_107 : i32
    %mul3A_109 = arith.constant 125 : i32
    %mul3A_110 = arith.muli %add3A, %mul3A_109 : i32
    %add3A_111 = arith.constant 3 : i32
    %add3A_112 = arith.addi %mul3A_110, %add3A_111 : i32
    %mul3A_113 = arith.constant 80 : i32
    %mul3A_114 = arith.muli %add3A_112, %mul3A_113 : i32
    %dma_start3A_115 = arith.constant 0 : i32
    %dma_start3A_116 = tpu.memref_slice %arg6[%rem3A_108, %dma_start3A_115] : memref<10x80xi32, #tpu.memory_space<vmem>> -> memref<1x80xi32, #tpu.memory_space<vmem>>
    %dma_start3A_117 = tpu.memref_squeeze %dma_start3A_116 : memref<1x80xi32, #tpu.memory_space<vmem>> -> memref<80xi32, #tpu.memory_space<vmem>>
    %dma_start3A_118 = tpu.memref_slice %arg3[%mul3A_114] : memref<320000xi32, #tpu.memory_space<hbm>> -> memref<80xi32, #tpu.memory_space<hbm>>
    %dma_start3A_119 = tpu.memref_slice %arg9[%rem3A_108] : memref<10x!tpu.dma_semaphore, #tpu.memory_space<semaphore_mem>> -> memref<1x!tpu.dma_semaphore, #tpu.memory_space<semaphore_mem>>
    %dma_start3A_120 = tpu.memref_squeeze %dma_start3A_119 : memref<1x!tpu.dma_semaphore, #tpu.memory_space<semaphore_mem>> -> memref<!tpu.dma_semaphore, #tpu.memory_space<semaphore_mem>>
    %dma_start3A_121 = arith.constant 0 : i32
    %dma_start3A_122 = tpu.memref_slice %arg6[%rem3A_108, %dma_start3A_121] : memref<10x80xi32, #tpu.memory_space<vmem>> -> memref<1x80xi32, #tpu.memory_space<vmem>>
    %dma_start3A_123 = tpu.memref_squeeze %dma_start3A_122 : memref<1x80xi32, #tpu.memory_space<vmem>> -> memref<80xi32, #tpu.memory_space<vmem>>
    %dma_start3A_124 = tpu.memref_slice %arg3[%mul3A_114] : memref<320000xi32, #tpu.memory_space<hbm>> -> memref<80xi32, #tpu.memory_space<hbm>>
    tpu.enqueue_dma source(%dma_start3A_124 : memref<80xi32, #tpu.memory_space<hbm>>) target(%dma_start3A_123 : memref<80xi32, #tpu.memory_space<vmem>>) target_semaphore(%dma_start3A_120 : memref<!tpu.dma_semaphore, #tpu.memory_space<semaphore_mem>>)
    %mul3A_125 = arith.constant 80 : i32
    %mul3A_126 = arith.muli %add3A_112, %mul3A_125 : i32
    %dma_start3A_127 = arith.constant 0 : i32
    %dma_start3A_128 = arith.constant 0 : i32
    %dma_start3A_129 = tpu.memref_slice %arg7[%rem3A_108, %dma_start3A_127, %dma_start3A_128] : memref<10x80x128xf32, #tpu.memory_space<vmem>> -> memref<1x80x128xf32, #tpu.memory_space<vmem>>
    %dma_start3A_130 = tpu.memref_squeeze %dma_start3A_129 : memref<1x80x128xf32, #tpu.memory_space<vmem>> -> memref<80x128xf32, #tpu.memory_space<vmem>>
    %dma_start3A_131 = arith.constant 0 : i32
    %dma_start3A_132 = tpu.memref_slice %arg2[%mul3A_126, %dma_start3A_131] : memref<320000x128xf32, #tpu.memory_space<hbm>> -> memref<80x128xf32, #tpu.memory_space<hbm>>
    %dma_start3A_133 = tpu.memref_slice %arg10[%rem3A_108] : memref<10x!tpu.dma_semaphore, #tpu.memory_space<semaphore_mem>> -> memref<1x!tpu.dma_semaphore, #tpu.memory_space<semaphore_mem>>
    %dma_start3A_134 = tpu.memref_squeeze %dma_start3A_133 : memref<1x!tpu.dma_semaphore, #tpu.memory_space<semaphore_mem>> -> memref<!tpu.dma_semaphore, #tpu.memory_space<semaphore_mem>>
    %dma_start3A_135 = arith.constant 0 : i32
    %dma_start3A_136 = arith.constant 0 : i32
    %dma_start3A_137 = tpu.memref_slice %arg7[%rem3A_108, %dma_start3A_135, %dma_start3A_136] : memref<10x80x128xf32, #tpu.memory_space<vmem>> -> memref<1x80x128xf32, #tpu.memory_space<vmem>>
    %dma_start3A_138 = tpu.memref_squeeze %dma_start3A_137 : memref<1x80x128xf32, #tpu.memory_space<vmem>> -> memref<80x128xf32, #tpu.memory_space<vmem>>
    %dma_start3A_139 = arith.constant 0 : i32
    %dma_start3A_140 = tpu.memref_slice %arg2[%mul3A_126, %dma_start3A_139] : memref<320000x128xf32, #tpu.memory_space<hbm>> -> memref<80x128xf32, #tpu.memory_space<hbm>>
    tpu.enqueue_dma source(%dma_start3A_140 : memref<80x128xf32, #tpu.memory_space<hbm>>) target(%dma_start3A_138 : memref<80x128xf32, #tpu.memory_space<vmem>>) target_semaphore(%dma_start3A_134 : memref<!tpu.dma_semaphore, #tpu.memory_space<semaphore_mem>>)
    %rem3A_141 = arith.constant 4 : i32
    %rem3A_142 = arith.constant 10 : i32
    %rem3A_143 = arith.remsi %rem3A_141, %rem3A_142 : i32
    %mul3A_144 = arith.constant 125 : i32
    %mul3A_145 = arith.muli %add3A, %mul3A_144 : i32
    %add3A_146 = arith.constant 4 : i32
    %add3A_147 = arith.addi %mul3A_145, %add3A_146 : i32
    %mul3A_148 = arith.constant 80 : i32
    %mul3A_149 = arith.muli %add3A_147, %mul3A_148 : i32
    %dma_start3A_150 = arith.constant 0 : i32
    %dma_start3A_151 = tpu.memref_slice %arg6[%rem3A_143, %dma_start3A_150] : memref<10x80xi32, #tpu.memory_space<vmem>> -> memref<1x80xi32, #tpu.memory_space<vmem>>
    %dma_start3A_152 = tpu.memref_squeeze %dma_start3A_151 : memref<1x80xi32, #tpu.memory_space<vmem>> -> memref<80xi32, #tpu.memory_space<vmem>>
    %dma_start3A_153 = tpu.memref_slice %arg3[%mul3A_149] : memref<320000xi32, #tpu.memory_space<hbm>> -> memref<80xi32, #tpu.memory_space<hbm>>
    %dma_start3A_154 = tpu.memref_slice %arg9[%rem3A_143] : memref<10x!tpu.dma_semaphore, #tpu.memory_space<semaphore_mem>> -> memref<1x!tpu.dma_semaphore, #tpu.memory_space<semaphore_mem>>
    %dma_start3A_155 = tpu.memref_squeeze %dma_start3A_154 : memref<1x!tpu.dma_semaphore, #tpu.memory_space<semaphore_mem>> -> memref<!tpu.dma_semaphore, #tpu.memory_space<semaphore_mem>>
    %dma_start3A_156 = arith.constant 0 : i32
    %dma_start3A_157 = tpu.memref_slice %arg6[%rem3A_143, %dma_start3A_156] : memref<10x80xi32, #tpu.memory_space<vmem>> -> memref<1x80xi32, #tpu.memory_space<vmem>>
    %dma_start3A_158 = tpu.memref_squeeze %dma_start3A_157 : memref<1x80xi32, #tpu.memory_space<vmem>> -> memref<80xi32, #tpu.memory_space<vmem>>
    %dma_start3A_159 = tpu.memref_slice %arg3[%mul3A_149] : memref<320000xi32, #tpu.memory_space<hbm>> -> memref<80xi32, #tpu.memory_space<hbm>>
    tpu.enqueue_dma source(%dma_start3A_159 : memref<80xi32, #tpu.memory_space<hbm>>) target(%dma_start3A_158 : memref<80xi32, #tpu.memory_space<vmem>>) target_semaphore(%dma_start3A_155 : memref<!tpu.dma_semaphore, #tpu.memory_space<semaphore_mem>>)
    %mul3A_160 = arith.constant 80 : i32
    %mul3A_161 = arith.muli %add3A_147, %mul3A_160 : i32
    %dma_start3A_162 = arith.constant 0 : i32
    %dma_start3A_163 = arith.constant 0 : i32
    %dma_start3A_164 = tpu.memref_slice %arg7[%rem3A_143, %dma_start3A_162, %dma_start3A_163] : memref<10x80x128xf32, #tpu.memory_space<vmem>> -> memref<1x80x128xf32, #tpu.memory_space<vmem>>
    %dma_start3A_165 = tpu.memref_squeeze %dma_start3A_164 : memref<1x80x128xf32, #tpu.memory_space<vmem>> -> memref<80x128xf32, #tpu.memory_space<vmem>>
    %dma_start3A_166 = arith.constant 0 : i32
    %dma_start3A_167 = tpu.memref_slice %arg2[%mul3A_161, %dma_start3A_166] : memref<320000x128xf32, #tpu.memory_space<hbm>> -> memref<80x128xf32, #tpu.memory_space<hbm>>
    %dma_start3A_168 = tpu.memref_slice %arg10[%rem3A_143] : memref<10x!tpu.dma_semaphore, #tpu.memory_space<semaphore_mem>> -> memref<1x!tpu.dma_semaphore, #tpu.memory_space<semaphore_mem>>
    %dma_start3A_169 = tpu.memref_squeeze %dma_start3A_168 : memref<1x!tpu.dma_semaphore, #tpu.memory_space<semaphore_mem>> -> memref<!tpu.dma_semaphore, #tpu.memory_space<semaphore_mem>>
    %dma_start3A_170 = arith.constant 0 : i32
    %dma_start3A_171 = arith.constant 0 : i32
    %dma_start3A_172 = tpu.memref_slice %arg7[%rem3A_143, %dma_start3A_170, %dma_start3A_171] : memref<10x80x128xf32, #tpu.memory_space<vmem>> -> memref<1x80x128xf32, #tpu.memory_space<vmem>>
    %dma_start3A_173 = tpu.memref_squeeze %dma_start3A_172 : memref<1x80x128xf32, #tpu.memory_space<vmem>> -> memref<80x128xf32, #tpu.memory_space<vmem>>
    %dma_start3A_174 = arith.constant 0 : i32
    %dma_start3A_175 = tpu.memref_slice %arg2[%mul3A_161, %dma_start3A_174] : memref<320000x128xf32, #tpu.memory_space<hbm>> -> memref<80x128xf32, #tpu.memory_space<hbm>>
    tpu.enqueue_dma source(%dma_start3A_175 : memref<80x128xf32, #tpu.memory_space<hbm>>) target(%dma_start3A_173 : memref<80x128xf32, #tpu.memory_space<vmem>>) target_semaphore(%dma_start3A_169 : memref<!tpu.dma_semaphore, #tpu.memory_space<semaphore_mem>>)
    %scan3A = arith.constant 0 : i32
    %scan3A_176 = arith.constant 0 : i32
    %scan3A_177 = arith.constant 125 : i32
    %scan3A_178 = arith.addi %scan3A_176, %scan3A_177 : i32
    %scan3A_179 = arith.constant 1 : i32
    scf.for %scan3A_340 = %scan3A_176 to %scan3A_178 step %scan3A_179  : i32 {
      %rem3A_341 = arith.constant 10 : i32
      %rem3A_342 = arith.remsi %scan3A_340, %rem3A_341 : i32
      %dma_wait3A_343 = arith.constant 0 : i32
      %dma_wait3A_344 = tpu.memref_slice %arg6[%rem3A_342, %dma_wait3A_343] : memref<10x80xi32, #tpu.memory_space<vmem>> -> memref<1x80xi32, #tpu.memory_space<vmem>>
      %dma_wait3A_345 = tpu.memref_squeeze %dma_wait3A_344 : memref<1x80xi32, #tpu.memory_space<vmem>> -> memref<80xi32, #tpu.memory_space<vmem>>
      %dma_wait3A_346 = arith.constant 0 : i32
      %dma_wait3A_347 = tpu.memref_slice %arg3[%dma_wait3A_346] : memref<320000xi32, #tpu.memory_space<hbm>> -> memref<80xi32, #tpu.memory_space<hbm>>
      %dma_wait3A_348 = tpu.memref_slice %arg9[%rem3A_342] : memref<10x!tpu.dma_semaphore, #tpu.memory_space<semaphore_mem>> -> memref<1x!tpu.dma_semaphore, #tpu.memory_space<semaphore_mem>>
      %dma_wait3A_349 = tpu.memref_squeeze %dma_wait3A_348 : memref<1x!tpu.dma_semaphore, #tpu.memory_space<semaphore_mem>> -> memref<!tpu.dma_semaphore, #tpu.memory_space<semaphore_mem>>
      %dma_wait3A_350 = arith.constant 0 : i32
      %dma_wait3A_351 = tpu.memref_slice %arg6[%rem3A_342, %dma_wait3A_350] : memref<10x80xi32, #tpu.memory_space<vmem>> -> memref<1x80xi32, #tpu.memory_space<vmem>>
      %dma_wait3A_352 = tpu.memref_squeeze %dma_wait3A_351 : memref<1x80xi32, #tpu.memory_space<vmem>> -> memref<80xi32, #tpu.memory_space<vmem>>
      %dma_wait3A_353 = arith.constant 0 : i32
      %dma_wait3A_354 = tpu.memref_slice %arg3[%dma_wait3A_353] : memref<320000xi32, #tpu.memory_space<hbm>> -> memref<80xi32, #tpu.memory_space<hbm>>
      tpu.wait_dma2 semaphore(%dma_wait3A_349 : memref<!tpu.dma_semaphore, #tpu.memory_space<semaphore_mem>>) src(%dma_wait3A_354 : memref<80xi32, #tpu.memory_space<hbm>>) dst(%dma_wait3A_352 : memref<80xi32, #tpu.memory_space<vmem>>)
      %dma_wait3A_355 = arith.constant 0 : i32
      %dma_wait3A_356 = arith.constant 0 : i32
      %dma_wait3A_357 = tpu.memref_slice %arg7[%rem3A_342, %dma_wait3A_355, %dma_wait3A_356] : memref<10x80x128xf32, #tpu.memory_space<vmem>> -> memref<1x80x128xf32, #tpu.memory_space<vmem>>
      %dma_wait3A_358 = tpu.memref_squeeze %dma_wait3A_357 : memref<1x80x128xf32, #tpu.memory_space<vmem>> -> memref<80x128xf32, #tpu.memory_space<vmem>>
      %dma_wait3A_359 = arith.constant 0 : i32
      %dma_wait3A_360 = arith.constant 0 : i32
      %dma_wait3A_361 = tpu.memref_slice %arg2[%dma_wait3A_359, %dma_wait3A_360] : memref<320000x128xf32, #tpu.memory_space<hbm>> -> memref<80x128xf32, #tpu.memory_space<hbm>>
      %dma_wait3A_362 = tpu.memref_slice %arg10[%rem3A_342] : memref<10x!tpu.dma_semaphore, #tpu.memory_space<semaphore_mem>> -> memref<1x!tpu.dma_semaphore, #tpu.memory_space<semaphore_mem>>
      %dma_wait3A_363 = tpu.memref_squeeze %dma_wait3A_362 : memref<1x!tpu.dma_semaphore, #tpu.memory_space<semaphore_mem>> -> memref<!tpu.dma_semaphore, #tpu.memory_space<semaphore_mem>>
      %dma_wait3A_364 = arith.constant 0 : i32
      %dma_wait3A_365 = arith.constant 0 : i32
      %dma_wait3A_366 = tpu.memref_slice %arg7[%rem3A_342, %dma_wait3A_364, %dma_wait3A_365] : memref<10x80x128xf32, #tpu.memory_space<vmem>> -> memref<1x80x128xf32, #tpu.memory_space<vmem>>
      %dma_wait3A_367 = tpu.memref_squeeze %dma_wait3A_366 : memref<1x80x128xf32, #tpu.memory_space<vmem>> -> memref<80x128xf32, #tpu.memory_space<vmem>>
      %dma_wait3A_368 = arith.constant 0 : i32
      %dma_wait3A_369 = arith.constant 0 : i32
      %dma_wait3A_370 = tpu.memref_slice %arg2[%dma_wait3A_368, %dma_wait3A_369] : memref<320000x128xf32, #tpu.memory_space<hbm>> -> memref<80x128xf32, #tpu.memory_space<hbm>>
      tpu.wait_dma2 semaphore(%dma_wait3A_363 : memref<!tpu.dma_semaphore, #tpu.memory_space<semaphore_mem>>) src(%dma_wait3A_370 : memref<80x128xf32, #tpu.memory_space<hbm>>) dst(%dma_wait3A_367 : memref<80x128xf32, #tpu.memory_space<vmem>>)
      %dma_start3A_371 = arith.constant 0 : i32
      %dma_start3A_372 = arith.constant 0 : i32
      %dma_start3A_373 = tpu.memref_slice %arg7[%rem3A_342, %dma_start3A_371, %dma_start3A_372] : memref<10x80x128xf32, #tpu.memory_space<vmem>> -> memref<1x80x128xf32, #tpu.memory_space<vmem>>
      %dma_start3A_374 = tpu.memref_squeeze %dma_start3A_373 : memref<1x80x128xf32, #tpu.memory_space<vmem>> -> memref<80x128xf32, #tpu.memory_space<vmem>>
      %dma_start3A_375 = arith.constant 0 : i32
      %dma_start3A_376 = tpu.memref_slice %arg6[%rem3A_342, %dma_start3A_375] : memref<10x80xi32, #tpu.memory_space<vmem>> -> memref<1x80xi32, #tpu.memory_space<vmem>>
      %dma_start3A_377 = tpu.memref_squeeze %dma_start3A_376 : memref<1x80xi32, #tpu.memory_space<vmem>> -> memref<80xi32, #tpu.memory_space<vmem>>
      %dma_start3A_378 = arith.constant 0 : i32
      %dma_start3A_379 = arith.constant 0 : i32
      %dma_start3A_380 = tpu.memref_slice %arg8[%dma_start3A_378, %dma_start3A_379] : memref<1600x128xf32, #tpu.memory_space<vmem_shared>> -> memref<1600x128xf32, #tpu.memory_space<vmem_shared>>
      %dma_start3A_381 = tpu.memref_slice %arg11[%rem3A_342] : memref<10x!tpu.dma_semaphore, #tpu.memory_space<semaphore_mem>> -> memref<1x!tpu.dma_semaphore, #tpu.memory_space<semaphore_mem>>
      %dma_start3A_382 = tpu.memref_squeeze %dma_start3A_381 : memref<1x!tpu.dma_semaphore, #tpu.memory_space<semaphore_mem>> -> memref<!tpu.dma_semaphore, #tpu.memory_space<semaphore_mem>>
      tpu.enqueue_indirect_dma source(%dma_start3A_374 : memref<80x128xf32, #tpu.memory_space<vmem>>) target(%dma_start3A_380 : memref<1600x128xf32, #tpu.memory_space<vmem_shared>>) offsets(%dma_start3A_377 : memref<80xi32, #tpu.memory_space<vmem>>) semaphore(%dma_start3A_382 : memref<!tpu.dma_semaphore, #tpu.memory_space<semaphore_mem>>) {add = true}
      %add3A_383 = arith.constant 5 : i32
      %add3A_384 = arith.addi %scan3A_340, %add3A_383 : i32
      %lt3A_385 = arith.constant 125 : i32
      %lt3A_386 = arith.cmpi slt, %add3A_384, %lt3A_385 : i32
      %convert_element_type3A_387 = arith.extui %lt3A_386 : i1 to i32
      %cond3A_388 = arith.constant 0 : i32
      %cond3A_389 = arith.cmpi ne, %convert_element_type3A_387, %cond3A_388 : i32
      scf.if %cond3A_389 {
        %rem3A_390 = arith.constant 10 : i32
        %rem3A_391 = arith.remsi %add3A_384, %rem3A_390 : i32
        %ge3A = arith.constant 10 : i32
        %ge3A_392 = arith.cmpi sge, %add3A_384, %ge3A : i32
        %convert_element_type3A_393 = arith.extui %ge3A_392 : i1 to i32
        %cond3A_394 = arith.constant 0 : i32
        %cond3A_395 = arith.cmpi ne, %convert_element_type3A_393, %cond3A_394 : i32
        scf.if %cond3A_395 {
          %dma_wait3A_429 = arith.constant 0 : i32
          %dma_wait3A_430 = arith.constant 0 : i32
          %dma_wait3A_431 = tpu.memref_slice %arg7[%rem3A_391, %dma_wait3A_429, %dma_wait3A_430] : memref<10x80x128xf32, #tpu.memory_space<vmem>> -> memref<1x80x128xf32, #tpu.memory_space<vmem>>
          %dma_wait3A_432 = tpu.memref_squeeze %dma_wait3A_431 : memref<1x80x128xf32, #tpu.memory_space<vmem>> -> memref<80x128xf32, #tpu.memory_space<vmem>>
          %dma_wait3A_433 = arith.constant 0 : i32
          %dma_wait3A_434 = tpu.memref_slice %arg6[%rem3A_391, %dma_wait3A_433] : memref<10x80xi32, #tpu.memory_space<vmem>> -> memref<1x80xi32, #tpu.memory_space<vmem>>
          %dma_wait3A_435 = tpu.memref_squeeze %dma_wait3A_434 : memref<1x80xi32, #tpu.memory_space<vmem>> -> memref<80xi32, #tpu.memory_space<vmem>>
          %dma_wait3A_436 = arith.constant 0 : i32
          %dma_wait3A_437 = arith.constant 0 : i32
          %dma_wait3A_438 = tpu.memref_slice %arg8[%dma_wait3A_436, %dma_wait3A_437] : memref<1600x128xf32, #tpu.memory_space<vmem_shared>> -> memref<1600x128xf32, #tpu.memory_space<vmem_shared>>
          %dma_wait3A_439 = tpu.memref_slice %arg11[%rem3A_391] : memref<10x!tpu.dma_semaphore, #tpu.memory_space<semaphore_mem>> -> memref<1x!tpu.dma_semaphore, #tpu.memory_space<semaphore_mem>>
          %dma_wait3A_440 = tpu.memref_squeeze %dma_wait3A_439 : memref<1x!tpu.dma_semaphore, #tpu.memory_space<semaphore_mem>> -> memref<!tpu.dma_semaphore, #tpu.memory_space<semaphore_mem>>
          tpu.wait_indirect_dma semaphore(%dma_wait3A_440 : memref<!tpu.dma_semaphore, #tpu.memory_space<semaphore_mem>>) src(%dma_wait3A_432 : memref<80x128xf32, #tpu.memory_space<vmem>>) dst(%dma_wait3A_438 : memref<1600x128xf32, #tpu.memory_space<vmem_shared>>)
        } else {
        }
        %rem3A_396 = arith.constant 10 : i32
        %rem3A_397 = arith.remsi %add3A_384, %rem3A_396 : i32
        %mul3A_398 = arith.constant 125 : i32
        %mul3A_399 = arith.muli %add3A, %mul3A_398 : i32
        %add3A_400 = arith.addi %mul3A_399, %add3A_384 : i32
        %mul3A_401 = arith.constant 80 : i32
        %mul3A_402 = arith.muli %add3A_400, %mul3A_401 : i32
        %dma_start3A_403 = arith.constant 0 : i32
        %dma_start3A_404 = tpu.memref_slice %arg6[%rem3A_397, %dma_start3A_403] : memref<10x80xi32, #tpu.memory_space<vmem>> -> memref<1x80xi32, #tpu.memory_space<vmem>>
        %dma_start3A_405 = tpu.memref_squeeze %dma_start3A_404 : memref<1x80xi32, #tpu.memory_space<vmem>> -> memref<80xi32, #tpu.memory_space<vmem>>
        %dma_start3A_406 = tpu.memref_slice %arg3[%mul3A_402] : memref<320000xi32, #tpu.memory_space<hbm>> -> memref<80xi32, #tpu.memory_space<hbm>>
        %dma_start3A_407 = tpu.memref_slice %arg9[%rem3A_397] : memref<10x!tpu.dma_semaphore, #tpu.memory_space<semaphore_mem>> -> memref<1x!tpu.dma_semaphore, #tpu.memory_space<semaphore_mem>>
        %dma_start3A_408 = tpu.memref_squeeze %dma_start3A_407 : memref<1x!tpu.dma_semaphore, #tpu.memory_space<semaphore_mem>> -> memref<!tpu.dma_semaphore, #tpu.memory_space<semaphore_mem>>
        %dma_start3A_409 = arith.constant 0 : i32
        %dma_start3A_410 = tpu.memref_slice %arg6[%rem3A_397, %dma_start3A_409] : memref<10x80xi32, #tpu.memory_space<vmem>> -> memref<1x80xi32, #tpu.memory_space<vmem>>
        %dma_start3A_411 = tpu.memref_squeeze %dma_start3A_410 : memref<1x80xi32, #tpu.memory_space<vmem>> -> memref<80xi32, #tpu.memory_space<vmem>>
        %dma_start3A_412 = tpu.memref_slice %arg3[%mul3A_402] : memref<320000xi32, #tpu.memory_space<hbm>> -> memref<80xi32, #tpu.memory_space<hbm>>
        tpu.enqueue_dma source(%dma_start3A_412 : memref<80xi32, #tpu.memory_space<hbm>>) target(%dma_start3A_411 : memref<80xi32, #tpu.memory_space<vmem>>) target_semaphore(%dma_start3A_408 : memref<!tpu.dma_semaphore, #tpu.memory_space<semaphore_mem>>)
        %mul3A_413 = arith.constant 80 : i32
        %mul3A_414 = arith.muli %add3A_400, %mul3A_413 : i32
        %dma_start3A_415 = arith.constant 0 : i32
        %dma_start3A_416 = arith.constant 0 : i32
        %dma_start3A_417 = tpu.memref_slice %arg7[%rem3A_397, %dma_start3A_415, %dma_start3A_416] : memref<10x80x128xf32, #tpu.memory_space<vmem>> -> memref<1x80x128xf32, #tpu.memory_space<vmem>>
        %dma_start3A_418 = tpu.memref_squeeze %dma_start3A_417 : memref<1x80x128xf32, #tpu.memory_space<vmem>> -> memref<80x128xf32, #tpu.memory_space<vmem>>
        %dma_start3A_419 = arith.constant 0 : i32
        %dma_start3A_420 = tpu.memref_slice %arg2[%mul3A_414, %dma_start3A_419] : memref<320000x128xf32, #tpu.memory_space<hbm>> -> memref<80x128xf32, #tpu.memory_space<hbm>>
        %dma_start3A_421 = tpu.memref_slice %arg10[%rem3A_397] : memref<10x!tpu.dma_semaphore, #tpu.memory_space<semaphore_mem>> -> memref<1x!tpu.dma_semaphore, #tpu.memory_space<semaphore_mem>>
        %dma_start3A_422 = tpu.memref_squeeze %dma_start3A_421 : memref<1x!tpu.dma_semaphore, #tpu.memory_space<semaphore_mem>> -> memref<!tpu.dma_semaphore, #tpu.memory_space<semaphore_mem>>
        %dma_start3A_423 = arith.constant 0 : i32
        %dma_start3A_424 = arith.constant 0 : i32
        %dma_start3A_425 = tpu.memref_slice %arg7[%rem3A_397, %dma_start3A_423, %dma_start3A_424] : memref<10x80x128xf32, #tpu.memory_space<vmem>> -> memref<1x80x128xf32, #tpu.memory_space<vmem>>
        %dma_start3A_426 = tpu.memref_squeeze %dma_start3A_425 : memref<1x80x128xf32, #tpu.memory_space<vmem>> -> memref<80x128xf32, #tpu.memory_space<vmem>>
        %dma_start3A_427 = arith.constant 0 : i32
        %dma_start3A_428 = tpu.memref_slice %arg2[%mul3A_414, %dma_start3A_427] : memref<320000x128xf32, #tpu.memory_space<hbm>> -> memref<80x128xf32, #tpu.memory_space<hbm>>
        tpu.enqueue_dma source(%dma_start3A_428 : memref<80x128xf32, #tpu.memory_space<hbm>>) target(%dma_start3A_426 : memref<80x128xf32, #tpu.memory_space<vmem>>) target_semaphore(%dma_start3A_422 : memref<!tpu.dma_semaphore, #tpu.memory_space<semaphore_mem>>)
      } else {
      }
    }
    %scan3A_180 = arith.constant 125 : i32
    %dma_wait3A = arith.constant 5 : i32
    %dma_wait3A_181 = arith.constant 5 : i32
    %dma_wait3A_182 = arith.constant 5 : i32
    %dma_wait3A_183 = arith.constant 0 : i32
    %dma_wait3A_184 = arith.constant 0 : i32
    %dma_wait3A_185 = tpu.memref_slice %arg7[%dma_wait3A, %dma_wait3A_183, %dma_wait3A_184] : memref<10x80x128xf32, #tpu.memory_space<vmem>> -> memref<1x80x128xf32, #tpu.memory_space<vmem>>
    %dma_wait3A_186 = tpu.memref_squeeze %dma_wait3A_185 : memref<1x80x128xf32, #tpu.memory_space<vmem>> -> memref<80x128xf32, #tpu.memory_space<vmem>>
    %dma_wait3A_187 = arith.constant 0 : i32
    %dma_wait3A_188 = tpu.memref_slice %arg6[%dma_wait3A_181, %dma_wait3A_187] : memref<10x80xi32, #tpu.memory_space<vmem>> -> memref<1x80xi32, #tpu.memory_space<vmem>>
    %dma_wait3A_189 = tpu.memref_squeeze %dma_wait3A_188 : memref<1x80xi32, #tpu.memory_space<vmem>> -> memref<80xi32, #tpu.memory_space<vmem>>
    %dma_wait3A_190 = arith.constant 0 : i32
    %dma_wait3A_191 = arith.constant 0 : i32
    %dma_wait3A_192 = tpu.memref_slice %arg8[%dma_wait3A_190, %dma_wait3A_191] : memref<1600x128xf32, #tpu.memory_space<vmem_shared>> -> memref<1600x128xf32, #tpu.memory_space<vmem_shared>>
    %dma_wait3A_193 = tpu.memref_slice %arg11[%dma_wait3A_182] : memref<10x!tpu.dma_semaphore, #tpu.memory_space<semaphore_mem>> -> memref<1x!tpu.dma_semaphore, #tpu.memory_space<semaphore_mem>>
    %dma_wait3A_194 = tpu.memref_squeeze %dma_wait3A_193 : memref<1x!tpu.dma_semaphore, #tpu.memory_space<semaphore_mem>> -> memref<!tpu.dma_semaphore, #tpu.memory_space<semaphore_mem>>
    tpu.wait_indirect_dma semaphore(%dma_wait3A_194 : memref<!tpu.dma_semaphore, #tpu.memory_space<semaphore_mem>>) src(%dma_wait3A_186 : memref<80x128xf32, #tpu.memory_space<vmem>>) dst(%dma_wait3A_192 : memref<1600x128xf32, #tpu.memory_space<vmem_shared>>)
    %dma_wait3A_195 = arith.constant 6 : i32
    %dma_wait3A_196 = arith.constant 6 : i32
    %dma_wait3A_197 = arith.constant 6 : i32
    %dma_wait3A_198 = arith.constant 0 : i32
    %dma_wait3A_199 = arith.constant 0 : i32
    %dma_wait3A_200 = tpu.memref_slice %arg7[%dma_wait3A_195, %dma_wait3A_198, %dma_wait3A_199] : memref<10x80x128xf32, #tpu.memory_space<vmem>> -> memref<1x80x128xf32, #tpu.memory_space<vmem>>
    %dma_wait3A_201 = tpu.memref_squeeze %dma_wait3A_200 : memref<1x80x128xf32, #tpu.memory_space<vmem>> -> memref<80x128xf32, #tpu.memory_space<vmem>>
    %dma_wait3A_202 = arith.constant 0 : i32
    %dma_wait3A_203 = tpu.memref_slice %arg6[%dma_wait3A_196, %dma_wait3A_202] : memref<10x80xi32, #tpu.memory_space<vmem>> -> memref<1x80xi32, #tpu.memory_space<vmem>>
    %dma_wait3A_204 = tpu.memref_squeeze %dma_wait3A_203 : memref<1x80xi32, #tpu.memory_space<vmem>> -> memref<80xi32, #tpu.memory_space<vmem>>
    %dma_wait3A_205 = arith.constant 0 : i32
    %dma_wait3A_206 = arith.constant 0 : i32
    %dma_wait3A_207 = tpu.memref_slice %arg8[%dma_wait3A_205, %dma_wait3A_206] : memref<1600x128xf32, #tpu.memory_space<vmem_shared>> -> memref<1600x128xf32, #tpu.memory_space<vmem_shared>>
    %dma_wait3A_208 = tpu.memref_slice %arg11[%dma_wait3A_197] : memref<10x!tpu.dma_semaphore, #tpu.memory_space<semaphore_mem>> -> memref<1x!tpu.dma_semaphore, #tpu.memory_space<semaphore_mem>>
    %dma_wait3A_209 = tpu.memref_squeeze %dma_wait3A_208 : memref<1x!tpu.dma_semaphore, #tpu.memory_space<semaphore_mem>> -> memref<!tpu.dma_semaphore, #tpu.memory_space<semaphore_mem>>
    tpu.wait_indirect_dma semaphore(%dma_wait3A_209 : memref<!tpu.dma_semaphore, #tpu.memory_space<semaphore_mem>>) src(%dma_wait3A_201 : memref<80x128xf32, #tpu.memory_space<vmem>>) dst(%dma_wait3A_207 : memref<1600x128xf32, #tpu.memory_space<vmem_shared>>)
    %dma_wait3A_210 = arith.constant 7 : i32
    %dma_wait3A_211 = arith.constant 7 : i32
    %dma_wait3A_212 = arith.constant 7 : i32
    %dma_wait3A_213 = arith.constant 0 : i32
    %dma_wait3A_214 = arith.constant 0 : i32
    %dma_wait3A_215 = tpu.memref_slice %arg7[%dma_wait3A_210, %dma_wait3A_213, %dma_wait3A_214] : memref<10x80x128xf32, #tpu.memory_space<vmem>> -> memref<1x80x128xf32, #tpu.memory_space<vmem>>
    %dma_wait3A_216 = tpu.memref_squeeze %dma_wait3A_215 : memref<1x80x128xf32, #tpu.memory_space<vmem>> -> memref<80x128xf32, #tpu.memory_space<vmem>>
    %dma_wait3A_217 = arith.constant 0 : i32
    %dma_wait3A_218 = tpu.memref_slice %arg6[%dma_wait3A_211, %dma_wait3A_217] : memref<10x80xi32, #tpu.memory_space<vmem>> -> memref<1x80xi32, #tpu.memory_space<vmem>>
    %dma_wait3A_219 = tpu.memref_squeeze %dma_wait3A_218 : memref<1x80xi32, #tpu.memory_space<vmem>> -> memref<80xi32, #tpu.memory_space<vmem>>
    %dma_wait3A_220 = arith.constant 0 : i32
    %dma_wait3A_221 = arith.constant 0 : i32
    %dma_wait3A_222 = tpu.memref_slice %arg8[%dma_wait3A_220, %dma_wait3A_221] : memref<1600x128xf32, #tpu.memory_space<vmem_shared>> -> memref<1600x128xf32, #tpu.memory_space<vmem_shared>>
    %dma_wait3A_223 = tpu.memref_slice %arg11[%dma_wait3A_212] : memref<10x!tpu.dma_semaphore, #tpu.memory_space<semaphore_mem>> -> memref<1x!tpu.dma_semaphore, #tpu.memory_space<semaphore_mem>>
    %dma_wait3A_224 = tpu.memref_squeeze %dma_wait3A_223 : memref<1x!tpu.dma_semaphore, #tpu.memory_space<semaphore_mem>> -> memref<!tpu.dma_semaphore, #tpu.memory_space<semaphore_mem>>
    tpu.wait_indirect_dma semaphore(%dma_wait3A_224 : memref<!tpu.dma_semaphore, #tpu.memory_space<semaphore_mem>>) src(%dma_wait3A_216 : memref<80x128xf32, #tpu.memory_space<vmem>>) dst(%dma_wait3A_222 : memref<1600x128xf32, #tpu.memory_space<vmem_shared>>)
    %dma_wait3A_225 = arith.constant 8 : i32
    %dma_wait3A_226 = arith.constant 8 : i32
    %dma_wait3A_227 = arith.constant 8 : i32
    %dma_wait3A_228 = arith.constant 0 : i32
    %dma_wait3A_229 = arith.constant 0 : i32
    %dma_wait3A_230 = tpu.memref_slice %arg7[%dma_wait3A_225, %dma_wait3A_228, %dma_wait3A_229] : memref<10x80x128xf32, #tpu.memory_space<vmem>> -> memref<1x80x128xf32, #tpu.memory_space<vmem>>
    %dma_wait3A_231 = tpu.memref_squeeze %dma_wait3A_230 : memref<1x80x128xf32, #tpu.memory_space<vmem>> -> memref<80x128xf32, #tpu.memory_space<vmem>>
    %dma_wait3A_232 = arith.constant 0 : i32
    %dma_wait3A_233 = tpu.memref_slice %arg6[%dma_wait3A_226, %dma_wait3A_232] : memref<10x80xi32, #tpu.memory_space<vmem>> -> memref<1x80xi32, #tpu.memory_space<vmem>>
    %dma_wait3A_234 = tpu.memref_squeeze %dma_wait3A_233 : memref<1x80xi32, #tpu.memory_space<vmem>> -> memref<80xi32, #tpu.memory_space<vmem>>
    %dma_wait3A_235 = arith.constant 0 : i32
    %dma_wait3A_236 = arith.constant 0 : i32
    %dma_wait3A_237 = tpu.memref_slice %arg8[%dma_wait3A_235, %dma_wait3A_236] : memref<1600x128xf32, #tpu.memory_space<vmem_shared>> -> memref<1600x128xf32, #tpu.memory_space<vmem_shared>>
    %dma_wait3A_238 = tpu.memref_slice %arg11[%dma_wait3A_227] : memref<10x!tpu.dma_semaphore, #tpu.memory_space<semaphore_mem>> -> memref<1x!tpu.dma_semaphore, #tpu.memory_space<semaphore_mem>>
    %dma_wait3A_239 = tpu.memref_squeeze %dma_wait3A_238 : memref<1x!tpu.dma_semaphore, #tpu.memory_space<semaphore_mem>> -> memref<!tpu.dma_semaphore, #tpu.memory_space<semaphore_mem>>
    tpu.wait_indirect_dma semaphore(%dma_wait3A_239 : memref<!tpu.dma_semaphore, #tpu.memory_space<semaphore_mem>>) src(%dma_wait3A_231 : memref<80x128xf32, #tpu.memory_space<vmem>>) dst(%dma_wait3A_237 : memref<1600x128xf32, #tpu.memory_space<vmem_shared>>)
    %dma_wait3A_240 = arith.constant 9 : i32
    %dma_wait3A_241 = arith.constant 9 : i32
    %dma_wait3A_242 = arith.constant 9 : i32
    %dma_wait3A_243 = arith.constant 0 : i32
    %dma_wait3A_244 = arith.constant 0 : i32
    %dma_wait3A_245 = tpu.memref_slice %arg7[%dma_wait3A_240, %dma_wait3A_243, %dma_wait3A_244] : memref<10x80x128xf32, #tpu.memory_space<vmem>> -> memref<1x80x128xf32, #tpu.memory_space<vmem>>
    %dma_wait3A_246 = tpu.memref_squeeze %dma_wait3A_245 : memref<1x80x128xf32, #tpu.memory_space<vmem>> -> memref<80x128xf32, #tpu.memory_space<vmem>>
    %dma_wait3A_247 = arith.constant 0 : i32
    %dma_wait3A_248 = tpu.memref_slice %arg6[%dma_wait3A_241, %dma_wait3A_247] : memref<10x80xi32, #tpu.memory_space<vmem>> -> memref<1x80xi32, #tpu.memory_space<vmem>>
    %dma_wait3A_249 = tpu.memref_squeeze %dma_wait3A_248 : memref<1x80xi32, #tpu.memory_space<vmem>> -> memref<80xi32, #tpu.memory_space<vmem>>
    %dma_wait3A_250 = arith.constant 0 : i32
    %dma_wait3A_251 = arith.constant 0 : i32
    %dma_wait3A_252 = tpu.memref_slice %arg8[%dma_wait3A_250, %dma_wait3A_251] : memref<1600x128xf32, #tpu.memory_space<vmem_shared>> -> memref<1600x128xf32, #tpu.memory_space<vmem_shared>>
    %dma_wait3A_253 = tpu.memref_slice %arg11[%dma_wait3A_242] : memref<10x!tpu.dma_semaphore, #tpu.memory_space<semaphore_mem>> -> memref<1x!tpu.dma_semaphore, #tpu.memory_space<semaphore_mem>>
    %dma_wait3A_254 = tpu.memref_squeeze %dma_wait3A_253 : memref<1x!tpu.dma_semaphore, #tpu.memory_space<semaphore_mem>> -> memref<!tpu.dma_semaphore, #tpu.memory_space<semaphore_mem>>
    tpu.wait_indirect_dma semaphore(%dma_wait3A_254 : memref<!tpu.dma_semaphore, #tpu.memory_space<semaphore_mem>>) src(%dma_wait3A_246 : memref<80x128xf32, #tpu.memory_space<vmem>>) dst(%dma_wait3A_252 : memref<1600x128xf32, #tpu.memory_space<vmem_shared>>)
    %dma_wait3A_255 = arith.constant 0 : i32
    %dma_wait3A_256 = arith.constant 0 : i32
    %dma_wait3A_257 = arith.constant 0 : i32
    %dma_wait3A_258 = arith.constant 0 : i32
    %dma_wait3A_259 = arith.constant 0 : i32
    %dma_wait3A_260 = tpu.memref_slice %arg7[%dma_wait3A_255, %dma_wait3A_258, %dma_wait3A_259] : memref<10x80x128xf32, #tpu.memory_space<vmem>> -> memref<1x80x128xf32, #tpu.memory_space<vmem>>
    %dma_wait3A_261 = tpu.memref_squeeze %dma_wait3A_260 : memref<1x80x128xf32, #tpu.memory_space<vmem>> -> memref<80x128xf32, #tpu.memory_space<vmem>>
    %dma_wait3A_262 = arith.constant 0 : i32
    %dma_wait3A_263 = tpu.memref_slice %arg6[%dma_wait3A_256, %dma_wait3A_262] : memref<10x80xi32, #tpu.memory_space<vmem>> -> memref<1x80xi32, #tpu.memory_space<vmem>>
    %dma_wait3A_264 = tpu.memref_squeeze %dma_wait3A_263 : memref<1x80xi32, #tpu.memory_space<vmem>> -> memref<80xi32, #tpu.memory_space<vmem>>
    %dma_wait3A_265 = arith.constant 0 : i32
    %dma_wait3A_266 = arith.constant 0 : i32
    %dma_wait3A_267 = tpu.memref_slice %arg8[%dma_wait3A_265, %dma_wait3A_266] : memref<1600x128xf32, #tpu.memory_space<vmem_shared>> -> memref<1600x128xf32, #tpu.memory_space<vmem_shared>>
    %dma_wait3A_268 = tpu.memref_slice %arg11[%dma_wait3A_257] : memref<10x!tpu.dma_semaphore, #tpu.memory_space<semaphore_mem>> -> memref<1x!tpu.dma_semaphore, #tpu.memory_space<semaphore_mem>>
    %dma_wait3A_269 = tpu.memref_squeeze %dma_wait3A_268 : memref<1x!tpu.dma_semaphore, #tpu.memory_space<semaphore_mem>> -> memref<!tpu.dma_semaphore, #tpu.memory_space<semaphore_mem>>
    tpu.wait_indirect_dma semaphore(%dma_wait3A_269 : memref<!tpu.dma_semaphore, #tpu.memory_space<semaphore_mem>>) src(%dma_wait3A_261 : memref<80x128xf32, #tpu.memory_space<vmem>>) dst(%dma_wait3A_267 : memref<1600x128xf32, #tpu.memory_space<vmem_shared>>)
    %dma_wait3A_270 = arith.constant 1 : i32
    %dma_wait3A_271 = arith.constant 1 : i32
    %dma_wait3A_272 = arith.constant 1 : i32
    %dma_wait3A_273 = arith.constant 0 : i32
    %dma_wait3A_274 = arith.constant 0 : i32
    %dma_wait3A_275 = tpu.memref_slice %arg7[%dma_wait3A_270, %dma_wait3A_273, %dma_wait3A_274] : memref<10x80x128xf32, #tpu.memory_space<vmem>> -> memref<1x80x128xf32, #tpu.memory_space<vmem>>
    %dma_wait3A_276 = tpu.memref_squeeze %dma_wait3A_275 : memref<1x80x128xf32, #tpu.memory_space<vmem>> -> memref<80x128xf32, #tpu.memory_space<vmem>>
    %dma_wait3A_277 = arith.constant 0 : i32
    %dma_wait3A_278 = tpu.memref_slice %arg6[%dma_wait3A_271, %dma_wait3A_277] : memref<10x80xi32, #tpu.memory_space<vmem>> -> memref<1x80xi32, #tpu.memory_space<vmem>>
    %dma_wait3A_279 = tpu.memref_squeeze %dma_wait3A_278 : memref<1x80xi32, #tpu.memory_space<vmem>> -> memref<80xi32, #tpu.memory_space<vmem>>
    %dma_wait3A_280 = arith.constant 0 : i32
    %dma_wait3A_281 = arith.constant 0 : i32
    %dma_wait3A_282 = tpu.memref_slice %arg8[%dma_wait3A_280, %dma_wait3A_281] : memref<1600x128xf32, #tpu.memory_space<vmem_shared>> -> memref<1600x128xf32, #tpu.memory_space<vmem_shared>>
    %dma_wait3A_283 = tpu.memref_slice %arg11[%dma_wait3A_272] : memref<10x!tpu.dma_semaphore, #tpu.memory_space<semaphore_mem>> -> memref<1x!tpu.dma_semaphore, #tpu.memory_space<semaphore_mem>>
    %dma_wait3A_284 = tpu.memref_squeeze %dma_wait3A_283 : memref<1x!tpu.dma_semaphore, #tpu.memory_space<semaphore_mem>> -> memref<!tpu.dma_semaphore, #tpu.memory_space<semaphore_mem>>
    tpu.wait_indirect_dma semaphore(%dma_wait3A_284 : memref<!tpu.dma_semaphore, #tpu.memory_space<semaphore_mem>>) src(%dma_wait3A_276 : memref<80x128xf32, #tpu.memory_space<vmem>>) dst(%dma_wait3A_282 : memref<1600x128xf32, #tpu.memory_space<vmem_shared>>)
    %dma_wait3A_285 = arith.constant 2 : i32
    %dma_wait3A_286 = arith.constant 2 : i32
    %dma_wait3A_287 = arith.constant 2 : i32
    %dma_wait3A_288 = arith.constant 0 : i32
    %dma_wait3A_289 = arith.constant 0 : i32
    %dma_wait3A_290 = tpu.memref_slice %arg7[%dma_wait3A_285, %dma_wait3A_288, %dma_wait3A_289] : memref<10x80x128xf32, #tpu.memory_space<vmem>> -> memref<1x80x128xf32, #tpu.memory_space<vmem>>
    %dma_wait3A_291 = tpu.memref_squeeze %dma_wait3A_290 : memref<1x80x128xf32, #tpu.memory_space<vmem>> -> memref<80x128xf32, #tpu.memory_space<vmem>>
    %dma_wait3A_292 = arith.constant 0 : i32
    %dma_wait3A_293 = tpu.memref_slice %arg6[%dma_wait3A_286, %dma_wait3A_292] : memref<10x80xi32, #tpu.memory_space<vmem>> -> memref<1x80xi32, #tpu.memory_space<vmem>>
    %dma_wait3A_294 = tpu.memref_squeeze %dma_wait3A_293 : memref<1x80xi32, #tpu.memory_space<vmem>> -> memref<80xi32, #tpu.memory_space<vmem>>
    %dma_wait3A_295 = arith.constant 0 : i32
    %dma_wait3A_296 = arith.constant 0 : i32
    %dma_wait3A_297 = tpu.memref_slice %arg8[%dma_wait3A_295, %dma_wait3A_296] : memref<1600x128xf32, #tpu.memory_space<vmem_shared>> -> memref<1600x128xf32, #tpu.memory_space<vmem_shared>>
    %dma_wait3A_298 = tpu.memref_slice %arg11[%dma_wait3A_287] : memref<10x!tpu.dma_semaphore, #tpu.memory_space<semaphore_mem>> -> memref<1x!tpu.dma_semaphore, #tpu.memory_space<semaphore_mem>>
    %dma_wait3A_299 = tpu.memref_squeeze %dma_wait3A_298 : memref<1x!tpu.dma_semaphore, #tpu.memory_space<semaphore_mem>> -> memref<!tpu.dma_semaphore, #tpu.memory_space<semaphore_mem>>
    tpu.wait_indirect_dma semaphore(%dma_wait3A_299 : memref<!tpu.dma_semaphore, #tpu.memory_space<semaphore_mem>>) src(%dma_wait3A_291 : memref<80x128xf32, #tpu.memory_space<vmem>>) dst(%dma_wait3A_297 : memref<1600x128xf32, #tpu.memory_space<vmem_shared>>)
    %dma_wait3A_300 = arith.constant 3 : i32
    %dma_wait3A_301 = arith.constant 3 : i32
    %dma_wait3A_302 = arith.constant 3 : i32
    %dma_wait3A_303 = arith.constant 0 : i32
    %dma_wait3A_304 = arith.constant 0 : i32
    %dma_wait3A_305 = tpu.memref_slice %arg7[%dma_wait3A_300, %dma_wait3A_303, %dma_wait3A_304] : memref<10x80x128xf32, #tpu.memory_space<vmem>> -> memref<1x80x128xf32, #tpu.memory_space<vmem>>
    %dma_wait3A_306 = tpu.memref_squeeze %dma_wait3A_305 : memref<1x80x128xf32, #tpu.memory_space<vmem>> -> memref<80x128xf32, #tpu.memory_space<vmem>>
    %dma_wait3A_307 = arith.constant 0 : i32
    %dma_wait3A_308 = tpu.memref_slice %arg6[%dma_wait3A_301, %dma_wait3A_307] : memref<10x80xi32, #tpu.memory_space<vmem>> -> memref<1x80xi32, #tpu.memory_space<vmem>>
    %dma_wait3A_309 = tpu.memref_squeeze %dma_wait3A_308 : memref<1x80xi32, #tpu.memory_space<vmem>> -> memref<80xi32, #tpu.memory_space<vmem>>
    %dma_wait3A_310 = arith.constant 0 : i32
    %dma_wait3A_311 = arith.constant 0 : i32
    %dma_wait3A_312 = tpu.memref_slice %arg8[%dma_wait3A_310, %dma_wait3A_311] : memref<1600x128xf32, #tpu.memory_space<vmem_shared>> -> memref<1600x128xf32, #tpu.memory_space<vmem_shared>>
    %dma_wait3A_313 = tpu.memref_slice %arg11[%dma_wait3A_302] : memref<10x!tpu.dma_semaphore, #tpu.memory_space<semaphore_mem>> -> memref<1x!tpu.dma_semaphore, #tpu.memory_space<semaphore_mem>>
    %dma_wait3A_314 = tpu.memref_squeeze %dma_wait3A_313 : memref<1x!tpu.dma_semaphore, #tpu.memory_space<semaphore_mem>> -> memref<!tpu.dma_semaphore, #tpu.memory_space<semaphore_mem>>
    tpu.wait_indirect_dma semaphore(%dma_wait3A_314 : memref<!tpu.dma_semaphore, #tpu.memory_space<semaphore_mem>>) src(%dma_wait3A_306 : memref<80x128xf32, #tpu.memory_space<vmem>>) dst(%dma_wait3A_312 : memref<1600x128xf32, #tpu.memory_space<vmem_shared>>)
    %dma_wait3A_315 = arith.constant 4 : i32
    %dma_wait3A_316 = arith.constant 4 : i32
    %dma_wait3A_317 = arith.constant 4 : i32
    %dma_wait3A_318 = arith.constant 0 : i32
    %dma_wait3A_319 = arith.constant 0 : i32
    %dma_wait3A_320 = tpu.memref_slice %arg7[%dma_wait3A_315, %dma_wait3A_318, %dma_wait3A_319] : memref<10x80x128xf32, #tpu.memory_space<vmem>> -> memref<1x80x128xf32, #tpu.memory_space<vmem>>
    %dma_wait3A_321 = tpu.memref_squeeze %dma_wait3A_320 : memref<1x80x128xf32, #tpu.memory_space<vmem>> -> memref<80x128xf32, #tpu.memory_space<vmem>>
    %dma_wait3A_322 = arith.constant 0 : i32
    %dma_wait3A_323 = tpu.memref_slice %arg6[%dma_wait3A_316, %dma_wait3A_322] : memref<10x80xi32, #tpu.memory_space<vmem>> -> memref<1x80xi32, #tpu.memory_space<vmem>>
    %dma_wait3A_324 = tpu.memref_squeeze %dma_wait3A_323 : memref<1x80xi32, #tpu.memory_space<vmem>> -> memref<80xi32, #tpu.memory_space<vmem>>
    %dma_wait3A_325 = arith.constant 0 : i32
    %dma_wait3A_326 = arith.constant 0 : i32
    %dma_wait3A_327 = tpu.memref_slice %arg8[%dma_wait3A_325, %dma_wait3A_326] : memref<1600x128xf32, #tpu.memory_space<vmem_shared>> -> memref<1600x128xf32, #tpu.memory_space<vmem_shared>>
    %dma_wait3A_328 = tpu.memref_slice %arg11[%dma_wait3A_317] : memref<10x!tpu.dma_semaphore, #tpu.memory_space<semaphore_mem>> -> memref<1x!tpu.dma_semaphore, #tpu.memory_space<semaphore_mem>>
    %dma_wait3A_329 = tpu.memref_squeeze %dma_wait3A_328 : memref<1x!tpu.dma_semaphore, #tpu.memory_space<semaphore_mem>> -> memref<!tpu.dma_semaphore, #tpu.memory_space<semaphore_mem>>
    tpu.wait_indirect_dma semaphore(%dma_wait3A_329 : memref<!tpu.dma_semaphore, #tpu.memory_space<semaphore_mem>>) src(%dma_wait3A_321 : memref<80x128xf32, #tpu.memory_space<vmem>>) dst(%dma_wait3A_327 : memref<1600x128xf32, #tpu.memory_space<vmem_shared>>)
    %lt3A = arith.constant 0 : i32
    %lt3A_330 = arith.cmpi slt, %add3A, %lt3A : i32
    %convert_element_type3A_331 = arith.extui %lt3A_330 : i1 to i32
    %cond3A_332 = arith.constant 0 : i32
    %cond3A_333 = arith.cmpi ne, %convert_element_type3A_331, %cond3A_332 : i32
    scf.if %cond3A_333 {
      %add3A_340 = arith.constant 4000 : i32
      %add3A_341 = arith.addi %add3A_340, %add3A : i32
      %mul3A_342 = arith.constant 80 : i32
      %mul3A_343 = arith.muli %add3A_341, %mul3A_342 : i32
      %run_scoped3A = arith.constant 0 : i32
      "tpu.region"() ({
        %run_scoped3A_349 = tpu.sem_alloc : memref<!tpu.dma_semaphore, #tpu.memory_space<semaphore_mem>>
        %dma_start3A_350 = arith.constant 0 : i32
        %dma_start3A_351 = tpu.memref_slice %arg6[%run_scoped3A, %dma_start3A_350] : memref<10x80xi32, #tpu.memory_space<vmem>> -> memref<1x80xi32, #tpu.memory_space<vmem>>
        %dma_start3A_352 = tpu.memref_squeeze %dma_start3A_351 : memref<1x80xi32, #tpu.memory_space<vmem>> -> memref<80xi32, #tpu.memory_space<vmem>>
        %dma_start3A_353 = tpu.memref_slice %arg3[%mul3A_343] : memref<320000xi32, #tpu.memory_space<hbm>> -> memref<80xi32, #tpu.memory_space<hbm>>
        %dma_start3A_354 = arith.constant 0 : i32
        %dma_start3A_355 = tpu.memref_slice %arg6[%run_scoped3A, %dma_start3A_354] : memref<10x80xi32, #tpu.memory_space<vmem>> -> memref<1x80xi32, #tpu.memory_space<vmem>>
        %dma_start3A_356 = tpu.memref_squeeze %dma_start3A_355 : memref<1x80xi32, #tpu.memory_space<vmem>> -> memref<80xi32, #tpu.memory_space<vmem>>
        %dma_start3A_357 = tpu.memref_slice %arg3[%mul3A_343] : memref<320000xi32, #tpu.memory_space<hbm>> -> memref<80xi32, #tpu.memory_space<hbm>>
        tpu.enqueue_dma source(%dma_start3A_357 : memref<80xi32, #tpu.memory_space<hbm>>) target(%dma_start3A_356 : memref<80xi32, #tpu.memory_space<vmem>>) target_semaphore(%run_scoped3A_349 : memref<!tpu.dma_semaphore, #tpu.memory_space<semaphore_mem>>)
        %dma_wait3A_358 = arith.constant 0 : i32
        %dma_wait3A_359 = tpu.memref_slice %arg6[%run_scoped3A, %dma_wait3A_358] : memref<10x80xi32, #tpu.memory_space<vmem>> -> memref<1x80xi32, #tpu.memory_space<vmem>>
        %dma_wait3A_360 = tpu.memref_squeeze %dma_wait3A_359 : memref<1x80xi32, #tpu.memory_space<vmem>> -> memref<80xi32, #tpu.memory_space<vmem>>
        %dma_wait3A_361 = tpu.memref_slice %arg3[%mul3A_343] : memref<320000xi32, #tpu.memory_space<hbm>> -> memref<80xi32, #tpu.memory_space<hbm>>
        %dma_wait3A_362 = arith.constant 0 : i32
        %dma_wait3A_363 = tpu.memref_slice %arg6[%run_scoped3A, %dma_wait3A_362] : memref<10x80xi32, #tpu.memory_space<vmem>> -> memref<1x80xi32, #tpu.memory_space<vmem>>
        %dma_wait3A_364 = tpu.memref_squeeze %dma_wait3A_363 : memref<1x80xi32, #tpu.memory_space<vmem>> -> memref<80xi32, #tpu.memory_space<vmem>>
        %dma_wait3A_365 = tpu.memref_slice %arg3[%mul3A_343] : memref<320000xi32, #tpu.memory_space<hbm>> -> memref<80xi32, #tpu.memory_space<hbm>>
        tpu.wait_dma2 semaphore(%run_scoped3A_349 : memref<!tpu.dma_semaphore, #tpu.memory_space<semaphore_mem>>) src(%dma_wait3A_365 : memref<80xi32, #tpu.memory_space<hbm>>) dst(%dma_wait3A_364 : memref<80xi32, #tpu.memory_space<vmem>>)
        tpu.yield
      }) : () -> ()
      %mul3A_344 = arith.constant 80 : i32
      %mul3A_345 = arith.muli %add3A_341, %mul3A_344 : i32
      %run_scoped3A_346 = arith.constant 0 : i32
      "tpu.region"() ({
        %run_scoped3A_349 = tpu.sem_alloc : memref<!tpu.dma_semaphore, #tpu.memory_space<semaphore_mem>>
        %dma_start3A_350 = arith.constant 0 : i32
        %dma_start3A_351 = arith.constant 0 : i32
        %dma_start3A_352 = tpu.memref_slice %arg7[%run_scoped3A_346, %dma_start3A_350, %dma_start3A_351] : memref<10x80x128xf32, #tpu.memory_space<vmem>> -> memref<1x80x128xf32, #tpu.memory_space<vmem>>
        %dma_start3A_353 = tpu.memref_squeeze %dma_start3A_352 : memref<1x80x128xf32, #tpu.memory_space<vmem>> -> memref<80x128xf32, #tpu.memory_space<vmem>>
        %dma_start3A_354 = arith.constant 0 : i32
        %dma_start3A_355 = tpu.memref_slice %arg2[%mul3A_345, %dma_start3A_354] : memref<320000x128xf32, #tpu.memory_space<hbm>> -> memref<80x128xf32, #tpu.memory_space<hbm>>
        %dma_start3A_356 = arith.constant 0 : i32
        %dma_start3A_357 = arith.constant 0 : i32
        %dma_start3A_358 = tpu.memref_slice %arg7[%run_scoped3A_346, %dma_start3A_356, %dma_start3A_357] : memref<10x80x128xf32, #tpu.memory_space<vmem>> -> memref<1x80x128xf32, #tpu.memory_space<vmem>>
        %dma_start3A_359 = tpu.memref_squeeze %dma_start3A_358 : memref<1x80x128xf32, #tpu.memory_space<vmem>> -> memref<80x128xf32, #tpu.memory_space<vmem>>
        %dma_start3A_360 = arith.constant 0 : i32
        %dma_start3A_361 = tpu.memref_slice %arg2[%mul3A_345, %dma_start3A_360] : memref<320000x128xf32, #tpu.memory_space<hbm>> -> memref<80x128xf32, #tpu.memory_space<hbm>>
        tpu.enqueue_dma source(%dma_start3A_361 : memref<80x128xf32, #tpu.memory_space<hbm>>) target(%dma_start3A_359 : memref<80x128xf32, #tpu.memory_space<vmem>>) target_semaphore(%run_scoped3A_349 : memref<!tpu.dma_semaphore, #tpu.memory_space<semaphore_mem>>)
        %dma_wait3A_362 = arith.constant 0 : i32
        %dma_wait3A_363 = arith.constant 0 : i32
        %dma_wait3A_364 = tpu.memref_slice %arg7[%run_scoped3A_346, %dma_wait3A_362, %dma_wait3A_363] : memref<10x80x128xf32, #tpu.memory_space<vmem>> -> memref<1x80x128xf32, #tpu.memory_space<vmem>>
        %dma_wait3A_365 = tpu.memref_squeeze %dma_wait3A_364 : memref<1x80x128xf32, #tpu.memory_space<vmem>> -> memref<80x128xf32, #tpu.memory_space<vmem>>
        %dma_wait3A_366 = arith.constant 0 : i32
        %dma_wait3A_367 = tpu.memref_slice %arg2[%mul3A_345, %dma_wait3A_366] : memref<320000x128xf32, #tpu.memory_space<hbm>> -> memref<80x128xf32, #tpu.memory_space<hbm>>
        %dma_wait3A_368 = arith.constant 0 : i32
        %dma_wait3A_369 = arith.constant 0 : i32
        %dma_wait3A_370 = tpu.memref_slice %arg7[%run_scoped3A_346, %dma_wait3A_368, %dma_wait3A_369] : memref<10x80x128xf32, #tpu.memory_space<vmem>> -> memref<1x80x128xf32, #tpu.memory_space<vmem>>
        %dma_wait3A_371 = tpu.memref_squeeze %dma_wait3A_370 : memref<1x80x128xf32, #tpu.memory_space<vmem>> -> memref<80x128xf32, #tpu.memory_space<vmem>>
        %dma_wait3A_372 = arith.constant 0 : i32
        %dma_wait3A_373 = tpu.memref_slice %arg2[%mul3A_345, %dma_wait3A_372] : memref<320000x128xf32, #tpu.memory_space<hbm>> -> memref<80x128xf32, #tpu.memory_space<hbm>>
        tpu.wait_dma2 semaphore(%run_scoped3A_349 : memref<!tpu.dma_semaphore, #tpu.memory_space<semaphore_mem>>) src(%dma_wait3A_373 : memref<80x128xf32, #tpu.memory_space<hbm>>) dst(%dma_wait3A_371 : memref<80x128xf32, #tpu.memory_space<vmem>>)
        tpu.yield
      }) : () -> ()
      %run_scoped3A_347 = arith.constant 0 : i32
      %run_scoped3A_348 = arith.constant 0 : i32
      "tpu.region"() ({
        %run_scoped3A_349 = tpu.sem_alloc : memref<!tpu.dma_semaphore, #tpu.memory_space<semaphore_mem>>
        %dma_start3A_350 = arith.constant 0 : i32
        %dma_start3A_351 = arith.constant 0 : i32
        %dma_start3A_352 = tpu.memref_slice %arg7[%run_scoped3A_347, %dma_start3A_350, %dma_start3A_351] : memref<10x80x128xf32, #tpu.memory_space<vmem>> -> memref<1x80x128xf32, #tpu.memory_space<vmem>>
        %dma_start3A_353 = tpu.memref_squeeze %dma_start3A_352 : memref<1x80x128xf32, #tpu.memory_space<vmem>> -> memref<80x128xf32, #tpu.memory_space<vmem>>
        %dma_start3A_354 = arith.constant 0 : i32
        %dma_start3A_355 = tpu.memref_slice %arg6[%run_scoped3A_348, %dma_start3A_354] : memref<10x80xi32, #tpu.memory_space<vmem>> -> memref<1x80xi32, #tpu.memory_space<vmem>>
        %dma_start3A_356 = tpu.memref_squeeze %dma_start3A_355 : memref<1x80xi32, #tpu.memory_space<vmem>> -> memref<80xi32, #tpu.memory_space<vmem>>
        %dma_start3A_357 = arith.constant 0 : i32
        %dma_start3A_358 = arith.constant 0 : i32
        %dma_start3A_359 = tpu.memref_slice %arg8[%dma_start3A_357, %dma_start3A_358] : memref<1600x128xf32, #tpu.memory_space<vmem_shared>> -> memref<1600x128xf32, #tpu.memory_space<vmem_shared>>
        tpu.enqueue_indirect_dma source(%dma_start3A_353 : memref<80x128xf32, #tpu.memory_space<vmem>>) target(%dma_start3A_359 : memref<1600x128xf32, #tpu.memory_space<vmem_shared>>) offsets(%dma_start3A_356 : memref<80xi32, #tpu.memory_space<vmem>>) semaphore(%run_scoped3A_349 : memref<!tpu.dma_semaphore, #tpu.memory_space<semaphore_mem>>) {add = true}
        %dma_wait3A_360 = arith.constant 0 : i32
        %dma_wait3A_361 = arith.constant 0 : i32
        %dma_wait3A_362 = tpu.memref_slice %arg7[%run_scoped3A_347, %dma_wait3A_360, %dma_wait3A_361] : memref<10x80x128xf32, #tpu.memory_space<vmem>> -> memref<1x80x128xf32, #tpu.memory_space<vmem>>
        %dma_wait3A_363 = tpu.memref_squeeze %dma_wait3A_362 : memref<1x80x128xf32, #tpu.memory_space<vmem>> -> memref<80x128xf32, #tpu.memory_space<vmem>>
        %dma_wait3A_364 = arith.constant 0 : i32
        %dma_wait3A_365 = tpu.memref_slice %arg6[%run_scoped3A_348, %dma_wait3A_364] : memref<10x80xi32, #tpu.memory_space<vmem>> -> memref<1x80xi32, #tpu.memory_space<vmem>>
        %dma_wait3A_366 = tpu.memref_squeeze %dma_wait3A_365 : memref<1x80xi32, #tpu.memory_space<vmem>> -> memref<80xi32, #tpu.memory_space<vmem>>
        %dma_wait3A_367 = arith.constant 0 : i32
        %dma_wait3A_368 = arith.constant 0 : i32
        %dma_wait3A_369 = tpu.memref_slice %arg8[%dma_wait3A_367, %dma_wait3A_368] : memref<1600x128xf32, #tpu.memory_space<vmem_shared>> -> memref<1600x128xf32, #tpu.memory_space<vmem_shared>>
        tpu.wait_indirect_dma semaphore(%run_scoped3A_349 : memref<!tpu.dma_semaphore, #tpu.memory_space<semaphore_mem>>) src(%dma_wait3A_363 : memref<80x128xf32, #tpu.memory_space<vmem>>) dst(%dma_wait3A_369 : memref<1600x128xf32, #tpu.memory_space<vmem_shared>>)
        tpu.yield
      }) : () -> ()
    } else {
    }
    %barrier3A_334 = arith.constant 0 : index
    tpu.barrier barrier_id(%barrier3A_334)
    %eq3A_335 = arith.constant 0 : i32
    %eq3A_336 = arith.cmpi eq, %arg1, %eq3A_335 : i32
    %convert_element_type3A_337 = arith.extui %eq3A_336 : i1 to i32
    %cond3A_338 = arith.constant 0 : i32
    %cond3A_339 = arith.cmpi ne, %convert_element_type3A_337, %cond3A_338 : i32
    scf.if %cond3A_339 {
      "tpu.region"() ({
        %run_scoped3A = tpu.sem_alloc : memref<!tpu.dma_semaphore, #tpu.memory_space<semaphore_mem>>
        %dma_start3A_340 = arith.constant 0 : i32
        %dma_start3A_341 = arith.constant 0 : i32
        %dma_start3A_342 = tpu.memref_slice %arg5[%arg0, %dma_start3A_340, %dma_start3A_341] : memref<2x1600x128xf32, #tpu.memory_space<hbm>> -> memref<1x1600x128xf32, #tpu.memory_space<hbm>>
        %dma_start3A_343 = tpu.memref_squeeze %dma_start3A_342 : memref<1x1600x128xf32, #tpu.memory_space<hbm>> -> memref<1600x128xf32, #tpu.memory_space<hbm>>
        tpu.enqueue_dma source(%arg8 : memref<1600x128xf32, #tpu.memory_space<vmem_shared>>) target(%dma_start3A_343 : memref<1600x128xf32, #tpu.memory_space<hbm>>) target_semaphore(%run_scoped3A : memref<!tpu.dma_semaphore, #tpu.memory_space<semaphore_mem>>)
        %dma_wait3A_344 = arith.constant 0 : i32
        %dma_wait3A_345 = arith.constant 0 : i32
        %dma_wait3A_346 = tpu.memref_slice %arg5[%arg0, %dma_wait3A_344, %dma_wait3A_345] : memref<2x1600x128xf32, #tpu.memory_space<hbm>> -> memref<1x1600x128xf32, #tpu.memory_space<hbm>>
        %dma_wait3A_347 = tpu.memref_squeeze %dma_wait3A_346 : memref<1x1600x128xf32, #tpu.memory_space<hbm>> -> memref<1600x128xf32, #tpu.memory_space<hbm>>
        tpu.wait_dma2 semaphore(%run_scoped3A : memref<!tpu.dma_semaphore, #tpu.memory_space<semaphore_mem>>) src(%arg8 : memref<1600x128xf32, #tpu.memory_space<vmem_shared>>) dst(%dma_wait3A_347 : memref<1600x128xf32, #tpu.memory_space<hbm>>)
        tpu.yield
      }) : () -> ()
    } else {
    }
    return
  }
}

module attributes {stable_mosaic.version = 14 : i64} {
  func.func @_hist_kernel(%arg0: i32, %arg1: memref<256x128xi32, #tpu.memory_space<vmem>>, %arg2: memref<8x128xf32, #tpu.memory_space<vmem>>) attributes {dimension_semantics = [#tpu.dimension_semantics<arbitrary>], iteration_bounds = array<i64: 10>, scalar_prefetch = 0 : i64, scratch_operands = 0 : i64, tpu.core_type = #tpu.core_type<tc>, window_params = [{transform_indices = @transform_0, window_bounds = array<i64: 256, 128>}, {pipeline_mode = #tpu.pipeline_mode<synchronous>, transform_indices = @transform_1, window_bounds = array<i64: 8, 128>}]} {
    %get3A = arith.constant 0 : index
    %get3A_0 = arith.constant 0 : index
    %get3A_1 = vector.load %arg1[%get3A, %get3A_0] : memref<256x128xi32, #tpu.memory_space<vmem>>, vector<256x128xi32>
    %iota3A = tpu.iota {dimensions = array<i32: 1>} : vector<256x128xi32>
    %broadcast_in_dim3A = arith.constant 0.000000e+00 : f32
    %broadcast_in_dim3A_2 = vector.broadcast %broadcast_in_dim3A : f32 to vector<1x128xf32>
    %slice3A = vector.extract_strided_slice %get3A_1 {offsets = [0, 0], sizes = [256, 1], strides = [1, 1]} : vector<256x128xi32> to vector<256x1xi32>
    %broadcast_in_dim3A_3 = vector.shape_cast %slice3A : vector<256x1xi32> to vector<256x1xi32>
    %broadcast_in_dim3A_4 = vector.broadcast %broadcast_in_dim3A_3 : vector<256x1xi32> to vector<256x128xi32>
    %eq3A = arith.cmpi eq, %broadcast_in_dim3A_4, %iota3A : vector<256x128xi32>
    %convert_element_type3A = arith.extui %eq3A : vector<256x128xi1> to vector<256x128xi32>
    %convert_element_type3A_5 = arith.sitofp %convert_element_type3A : vector<256x128xi32> to vector<256x128xf32>
    %reduce_sum3A = arith.constant dense<0.000000e+00> : vector<128xf32>
    %reduce_sum3A_6 = vector.multi_reduction <add>, %convert_element_type3A_5, %reduce_sum3A [0] : vector<256x128xf32> to vector<128xf32>
    %broadcast_in_dim3A_7 = vector.shape_cast %reduce_sum3A_6 : vector<128xf32> to vector<1x128xf32>
    %add3A = arith.addf %broadcast_in_dim3A_2, %broadcast_in_dim3A_7 : vector<1x128xf32>
    %slice3A_8 = vector.extract_strided_slice %get3A_1 {offsets = [0, 1], sizes = [256, 1], strides = [1, 1]} : vector<256x128xi32> to vector<256x1xi32>
    %broadcast_in_dim3A_9 = vector.shape_cast %slice3A_8 : vector<256x1xi32> to vector<256x1xi32>
    %broadcast_in_dim3A_10 = vector.broadcast %broadcast_in_dim3A_9 : vector<256x1xi32> to vector<256x128xi32>
    %eq3A_11 = arith.cmpi eq, %broadcast_in_dim3A_10, %iota3A : vector<256x128xi32>
    %convert_element_type3A_12 = arith.extui %eq3A_11 : vector<256x128xi1> to vector<256x128xi32>
    %convert_element_type3A_13 = arith.sitofp %convert_element_type3A_12 : vector<256x128xi32> to vector<256x128xf32>
    %reduce_sum3A_14 = arith.constant dense<0.000000e+00> : vector<128xf32>
    %reduce_sum3A_15 = vector.multi_reduction <add>, %convert_element_type3A_13, %reduce_sum3A_14 [0] : vector<256x128xf32> to vector<128xf32>
    %broadcast_in_dim3A_16 = vector.shape_cast %reduce_sum3A_15 : vector<128xf32> to vector<1x128xf32>
    %add3A_17 = arith.addf %add3A, %broadcast_in_dim3A_16 : vector<1x128xf32>
    %slice3A_18 = vector.extract_strided_slice %get3A_1 {offsets = [0, 2], sizes = [256, 1], strides = [1, 1]} : vector<256x128xi32> to vector<256x1xi32>
    %broadcast_in_dim3A_19 = vector.shape_cast %slice3A_18 : vector<256x1xi32> to vector<256x1xi32>
    %broadcast_in_dim3A_20 = vector.broadcast %broadcast_in_dim3A_19 : vector<256x1xi32> to vector<256x128xi32>
    %eq3A_21 = arith.cmpi eq, %broadcast_in_dim3A_20, %iota3A : vector<256x128xi32>
    %convert_element_type3A_22 = arith.extui %eq3A_21 : vector<256x128xi1> to vector<256x128xi32>
    %convert_element_type3A_23 = arith.sitofp %convert_element_type3A_22 : vector<256x128xi32> to vector<256x128xf32>
    %reduce_sum3A_24 = arith.constant dense<0.000000e+00> : vector<128xf32>
    %reduce_sum3A_25 = vector.multi_reduction <add>, %convert_element_type3A_23, %reduce_sum3A_24 [0] : vector<256x128xf32> to vector<128xf32>
    %broadcast_in_dim3A_26 = vector.shape_cast %reduce_sum3A_25 : vector<128xf32> to vector<1x128xf32>
    %add3A_27 = arith.addf %add3A_17, %broadcast_in_dim3A_26 : vector<1x128xf32>
    %slice3A_28 = vector.extract_strided_slice %get3A_1 {offsets = [0, 3], sizes = [256, 1], strides = [1, 1]} : vector<256x128xi32> to vector<256x1xi32>
    %broadcast_in_dim3A_29 = vector.shape_cast %slice3A_28 : vector<256x1xi32> to vector<256x1xi32>
    %broadcast_in_dim3A_30 = vector.broadcast %broadcast_in_dim3A_29 : vector<256x1xi32> to vector<256x128xi32>
    %eq3A_31 = arith.cmpi eq, %broadcast_in_dim3A_30, %iota3A : vector<256x128xi32>
    %convert_element_type3A_32 = arith.extui %eq3A_31 : vector<256x128xi1> to vector<256x128xi32>
    %convert_element_type3A_33 = arith.sitofp %convert_element_type3A_32 : vector<256x128xi32> to vector<256x128xf32>
    %reduce_sum3A_34 = arith.constant dense<0.000000e+00> : vector<128xf32>
    %reduce_sum3A_35 = vector.multi_reduction <add>, %convert_element_type3A_33, %reduce_sum3A_34 [0] : vector<256x128xf32> to vector<128xf32>
    %broadcast_in_dim3A_36 = vector.shape_cast %reduce_sum3A_35 : vector<128xf32> to vector<1x128xf32>
    %add3A_37 = arith.addf %add3A_27, %broadcast_in_dim3A_36 : vector<1x128xf32>
    %slice3A_38 = vector.extract_strided_slice %get3A_1 {offsets = [0, 4], sizes = [256, 1], strides = [1, 1]} : vector<256x128xi32> to vector<256x1xi32>
    %broadcast_in_dim3A_39 = vector.shape_cast %slice3A_38 : vector<256x1xi32> to vector<256x1xi32>
    %broadcast_in_dim3A_40 = vector.broadcast %broadcast_in_dim3A_39 : vector<256x1xi32> to vector<256x128xi32>
    %eq3A_41 = arith.cmpi eq, %broadcast_in_dim3A_40, %iota3A : vector<256x128xi32>
    %convert_element_type3A_42 = arith.extui %eq3A_41 : vector<256x128xi1> to vector<256x128xi32>
    %convert_element_type3A_43 = arith.sitofp %convert_element_type3A_42 : vector<256x128xi32> to vector<256x128xf32>
    %reduce_sum3A_44 = arith.constant dense<0.000000e+00> : vector<128xf32>
    %reduce_sum3A_45 = vector.multi_reduction <add>, %convert_element_type3A_43, %reduce_sum3A_44 [0] : vector<256x128xf32> to vector<128xf32>
    %broadcast_in_dim3A_46 = vector.shape_cast %reduce_sum3A_45 : vector<128xf32> to vector<1x128xf32>
    %add3A_47 = arith.addf %add3A_37, %broadcast_in_dim3A_46 : vector<1x128xf32>
    %slice3A_48 = vector.extract_strided_slice %get3A_1 {offsets = [0, 5], sizes = [256, 1], strides = [1, 1]} : vector<256x128xi32> to vector<256x1xi32>
    %broadcast_in_dim3A_49 = vector.shape_cast %slice3A_48 : vector<256x1xi32> to vector<256x1xi32>
    %broadcast_in_dim3A_50 = vector.broadcast %broadcast_in_dim3A_49 : vector<256x1xi32> to vector<256x128xi32>
    %eq3A_51 = arith.cmpi eq, %broadcast_in_dim3A_50, %iota3A : vector<256x128xi32>
    %convert_element_type3A_52 = arith.extui %eq3A_51 : vector<256x128xi1> to vector<256x128xi32>
    %convert_element_type3A_53 = arith.sitofp %convert_element_type3A_52 : vector<256x128xi32> to vector<256x128xf32>
    %reduce_sum3A_54 = arith.constant dense<0.000000e+00> : vector<128xf32>
    %reduce_sum3A_55 = vector.multi_reduction <add>, %convert_element_type3A_53, %reduce_sum3A_54 [0] : vector<256x128xf32> to vector<128xf32>
    %broadcast_in_dim3A_56 = vector.shape_cast %reduce_sum3A_55 : vector<128xf32> to vector<1x128xf32>
    %add3A_57 = arith.addf %add3A_47, %broadcast_in_dim3A_56 : vector<1x128xf32>
    %slice3A_58 = vector.extract_strided_slice %get3A_1 {offsets = [0, 6], sizes = [256, 1], strides = [1, 1]} : vector<256x128xi32> to vector<256x1xi32>
    %broadcast_in_dim3A_59 = vector.shape_cast %slice3A_58 : vector<256x1xi32> to vector<256x1xi32>
    %broadcast_in_dim3A_60 = vector.broadcast %broadcast_in_dim3A_59 : vector<256x1xi32> to vector<256x128xi32>
    %eq3A_61 = arith.cmpi eq, %broadcast_in_dim3A_60, %iota3A : vector<256x128xi32>
    %convert_element_type3A_62 = arith.extui %eq3A_61 : vector<256x128xi1> to vector<256x128xi32>
    %convert_element_type3A_63 = arith.sitofp %convert_element_type3A_62 : vector<256x128xi32> to vector<256x128xf32>
    %reduce_sum3A_64 = arith.constant dense<0.000000e+00> : vector<128xf32>
    %reduce_sum3A_65 = vector.multi_reduction <add>, %convert_element_type3A_63, %reduce_sum3A_64 [0] : vector<256x128xf32> to vector<128xf32>
    %broadcast_in_dim3A_66 = vector.shape_cast %reduce_sum3A_65 : vector<128xf32> to vector<1x128xf32>
    %add3A_67 = arith.addf %add3A_57, %broadcast_in_dim3A_66 : vector<1x128xf32>
    %slice3A_68 = vector.extract_strided_slice %get3A_1 {offsets = [0, 7], sizes = [256, 1], strides = [1, 1]} : vector<256x128xi32> to vector<256x1xi32>
    %broadcast_in_dim3A_69 = vector.shape_cast %slice3A_68 : vector<256x1xi32> to vector<256x1xi32>
    %broadcast_in_dim3A_70 = vector.broadcast %broadcast_in_dim3A_69 : vector<256x1xi32> to vector<256x128xi32>
    %eq3A_71 = arith.cmpi eq, %broadcast_in_dim3A_70, %iota3A : vector<256x128xi32>
    %convert_element_type3A_72 = arith.extui %eq3A_71 : vector<256x128xi1> to vector<256x128xi32>
    %convert_element_type3A_73 = arith.sitofp %convert_element_type3A_72 : vector<256x128xi32> to vector<256x128xf32>
    %reduce_sum3A_74 = arith.constant dense<0.000000e+00> : vector<128xf32>
    %reduce_sum3A_75 = vector.multi_reduction <add>, %convert_element_type3A_73, %reduce_sum3A_74 [0] : vector<256x128xf32> to vector<128xf32>
    %broadcast_in_dim3A_76 = vector.shape_cast %reduce_sum3A_75 : vector<128xf32> to vector<1x128xf32>
    %add3A_77 = arith.addf %add3A_67, %broadcast_in_dim3A_76 : vector<1x128xf32>
    %slice3A_78 = vector.extract_strided_slice %get3A_1 {offsets = [0, 8], sizes = [256, 1], strides = [1, 1]} : vector<256x128xi32> to vector<256x1xi32>
    %broadcast_in_dim3A_79 = vector.shape_cast %slice3A_78 : vector<256x1xi32> to vector<256x1xi32>
    %broadcast_in_dim3A_80 = vector.broadcast %broadcast_in_dim3A_79 : vector<256x1xi32> to vector<256x128xi32>
    %eq3A_81 = arith.cmpi eq, %broadcast_in_dim3A_80, %iota3A : vector<256x128xi32>
    %convert_element_type3A_82 = arith.extui %eq3A_81 : vector<256x128xi1> to vector<256x128xi32>
    %convert_element_type3A_83 = arith.sitofp %convert_element_type3A_82 : vector<256x128xi32> to vector<256x128xf32>
    %reduce_sum3A_84 = arith.constant dense<0.000000e+00> : vector<128xf32>
    %reduce_sum3A_85 = vector.multi_reduction <add>, %convert_element_type3A_83, %reduce_sum3A_84 [0] : vector<256x128xf32> to vector<128xf32>
    %broadcast_in_dim3A_86 = vector.shape_cast %reduce_sum3A_85 : vector<128xf32> to vector<1x128xf32>
    %add3A_87 = arith.addf %add3A_77, %broadcast_in_dim3A_86 : vector<1x128xf32>
    %slice3A_88 = vector.extract_strided_slice %get3A_1 {offsets = [0, 9], sizes = [256, 1], strides = [1, 1]} : vector<256x128xi32> to vector<256x1xi32>
    %broadcast_in_dim3A_89 = vector.shape_cast %slice3A_88 : vector<256x1xi32> to vector<256x1xi32>
    %broadcast_in_dim3A_90 = vector.broadcast %broadcast_in_dim3A_89 : vector<256x1xi32> to vector<256x128xi32>
    %eq3A_91 = arith.cmpi eq, %broadcast_in_dim3A_90, %iota3A : vector<256x128xi32>
    %convert_element_type3A_92 = arith.extui %eq3A_91 : vector<256x128xi1> to vector<256x128xi32>
    %convert_element_type3A_93 = arith.sitofp %convert_element_type3A_92 : vector<256x128xi32> to vector<256x128xf32>
    %reduce_sum3A_94 = arith.constant dense<0.000000e+00> : vector<128xf32>
    %reduce_sum3A_95 = vector.multi_reduction <add>, %convert_element_type3A_93, %reduce_sum3A_94 [0] : vector<256x128xf32> to vector<128xf32>
    %broadcast_in_dim3A_96 = vector.shape_cast %reduce_sum3A_95 : vector<128xf32> to vector<1x128xf32>
    %add3A_97 = arith.addf %add3A_87, %broadcast_in_dim3A_96 : vector<1x128xf32>
    %slice3A_98 = vector.extract_strided_slice %get3A_1 {offsets = [0, 10], sizes = [256, 1], strides = [1, 1]} : vector<256x128xi32> to vector<256x1xi32>
    %broadcast_in_dim3A_99 = vector.shape_cast %slice3A_98 : vector<256x1xi32> to vector<256x1xi32>
    %broadcast_in_dim3A_100 = vector.broadcast %broadcast_in_dim3A_99 : vector<256x1xi32> to vector<256x128xi32>
    %eq3A_101 = arith.cmpi eq, %broadcast_in_dim3A_100, %iota3A : vector<256x128xi32>
    %convert_element_type3A_102 = arith.extui %eq3A_101 : vector<256x128xi1> to vector<256x128xi32>
    %convert_element_type3A_103 = arith.sitofp %convert_element_type3A_102 : vector<256x128xi32> to vector<256x128xf32>
    %reduce_sum3A_104 = arith.constant dense<0.000000e+00> : vector<128xf32>
    %reduce_sum3A_105 = vector.multi_reduction <add>, %convert_element_type3A_103, %reduce_sum3A_104 [0] : vector<256x128xf32> to vector<128xf32>
    %broadcast_in_dim3A_106 = vector.shape_cast %reduce_sum3A_105 : vector<128xf32> to vector<1x128xf32>
    %add3A_107 = arith.addf %add3A_97, %broadcast_in_dim3A_106 : vector<1x128xf32>
    %slice3A_108 = vector.extract_strided_slice %get3A_1 {offsets = [0, 11], sizes = [256, 1], strides = [1, 1]} : vector<256x128xi32> to vector<256x1xi32>
    %broadcast_in_dim3A_109 = vector.shape_cast %slice3A_108 : vector<256x1xi32> to vector<256x1xi32>
    %broadcast_in_dim3A_110 = vector.broadcast %broadcast_in_dim3A_109 : vector<256x1xi32> to vector<256x128xi32>
    %eq3A_111 = arith.cmpi eq, %broadcast_in_dim3A_110, %iota3A : vector<256x128xi32>
    %convert_element_type3A_112 = arith.extui %eq3A_111 : vector<256x128xi1> to vector<256x128xi32>
    %convert_element_type3A_113 = arith.sitofp %convert_element_type3A_112 : vector<256x128xi32> to vector<256x128xf32>
    %reduce_sum3A_114 = arith.constant dense<0.000000e+00> : vector<128xf32>
    %reduce_sum3A_115 = vector.multi_reduction <add>, %convert_element_type3A_113, %reduce_sum3A_114 [0] : vector<256x128xf32> to vector<128xf32>
    %broadcast_in_dim3A_116 = vector.shape_cast %reduce_sum3A_115 : vector<128xf32> to vector<1x128xf32>
    %add3A_117 = arith.addf %add3A_107, %broadcast_in_dim3A_116 : vector<1x128xf32>
    %slice3A_118 = vector.extract_strided_slice %get3A_1 {offsets = [0, 12], sizes = [256, 1], strides = [1, 1]} : vector<256x128xi32> to vector<256x1xi32>
    %broadcast_in_dim3A_119 = vector.shape_cast %slice3A_118 : vector<256x1xi32> to vector<256x1xi32>
    %broadcast_in_dim3A_120 = vector.broadcast %broadcast_in_dim3A_119 : vector<256x1xi32> to vector<256x128xi32>
    %eq3A_121 = arith.cmpi eq, %broadcast_in_dim3A_120, %iota3A : vector<256x128xi32>
    %convert_element_type3A_122 = arith.extui %eq3A_121 : vector<256x128xi1> to vector<256x128xi32>
    %convert_element_type3A_123 = arith.sitofp %convert_element_type3A_122 : vector<256x128xi32> to vector<256x128xf32>
    %reduce_sum3A_124 = arith.constant dense<0.000000e+00> : vector<128xf32>
    %reduce_sum3A_125 = vector.multi_reduction <add>, %convert_element_type3A_123, %reduce_sum3A_124 [0] : vector<256x128xf32> to vector<128xf32>
    %broadcast_in_dim3A_126 = vector.shape_cast %reduce_sum3A_125 : vector<128xf32> to vector<1x128xf32>
    %add3A_127 = arith.addf %add3A_117, %broadcast_in_dim3A_126 : vector<1x128xf32>
    %slice3A_128 = vector.extract_strided_slice %get3A_1 {offsets = [0, 13], sizes = [256, 1], strides = [1, 1]} : vector<256x128xi32> to vector<256x1xi32>
    %broadcast_in_dim3A_129 = vector.shape_cast %slice3A_128 : vector<256x1xi32> to vector<256x1xi32>
    %broadcast_in_dim3A_130 = vector.broadcast %broadcast_in_dim3A_129 : vector<256x1xi32> to vector<256x128xi32>
    %eq3A_131 = arith.cmpi eq, %broadcast_in_dim3A_130, %iota3A : vector<256x128xi32>
    %convert_element_type3A_132 = arith.extui %eq3A_131 : vector<256x128xi1> to vector<256x128xi32>
    %convert_element_type3A_133 = arith.sitofp %convert_element_type3A_132 : vector<256x128xi32> to vector<256x128xf32>
    %reduce_sum3A_134 = arith.constant dense<0.000000e+00> : vector<128xf32>
    %reduce_sum3A_135 = vector.multi_reduction <add>, %convert_element_type3A_133, %reduce_sum3A_134 [0] : vector<256x128xf32> to vector<128xf32>
    %broadcast_in_dim3A_136 = vector.shape_cast %reduce_sum3A_135 : vector<128xf32> to vector<1x128xf32>
    %add3A_137 = arith.addf %add3A_127, %broadcast_in_dim3A_136 : vector<1x128xf32>
    %slice3A_138 = vector.extract_strided_slice %get3A_1 {offsets = [0, 14], sizes = [256, 1], strides = [1, 1]} : vector<256x128xi32> to vector<256x1xi32>
    %broadcast_in_dim3A_139 = vector.shape_cast %slice3A_138 : vector<256x1xi32> to vector<256x1xi32>
    %broadcast_in_dim3A_140 = vector.broadcast %broadcast_in_dim3A_139 : vector<256x1xi32> to vector<256x128xi32>
    %eq3A_141 = arith.cmpi eq, %broadcast_in_dim3A_140, %iota3A : vector<256x128xi32>
    %convert_element_type3A_142 = arith.extui %eq3A_141 : vector<256x128xi1> to vector<256x128xi32>
    %convert_element_type3A_143 = arith.sitofp %convert_element_type3A_142 : vector<256x128xi32> to vector<256x128xf32>
    %reduce_sum3A_144 = arith.constant dense<0.000000e+00> : vector<128xf32>
    %reduce_sum3A_145 = vector.multi_reduction <add>, %convert_element_type3A_143, %reduce_sum3A_144 [0] : vector<256x128xf32> to vector<128xf32>
    %broadcast_in_dim3A_146 = vector.shape_cast %reduce_sum3A_145 : vector<128xf32> to vector<1x128xf32>
    %add3A_147 = arith.addf %add3A_137, %broadcast_in_dim3A_146 : vector<1x128xf32>
    %slice3A_148 = vector.extract_strided_slice %get3A_1 {offsets = [0, 15], sizes = [256, 1], strides = [1, 1]} : vector<256x128xi32> to vector<256x1xi32>
    %broadcast_in_dim3A_149 = vector.shape_cast %slice3A_148 : vector<256x1xi32> to vector<256x1xi32>
    %broadcast_in_dim3A_150 = vector.broadcast %broadcast_in_dim3A_149 : vector<256x1xi32> to vector<256x128xi32>
    %eq3A_151 = arith.cmpi eq, %broadcast_in_dim3A_150, %iota3A : vector<256x128xi32>
    %convert_element_type3A_152 = arith.extui %eq3A_151 : vector<256x128xi1> to vector<256x128xi32>
    %convert_element_type3A_153 = arith.sitofp %convert_element_type3A_152 : vector<256x128xi32> to vector<256x128xf32>
    %reduce_sum3A_154 = arith.constant dense<0.000000e+00> : vector<128xf32>
    %reduce_sum3A_155 = vector.multi_reduction <add>, %convert_element_type3A_153, %reduce_sum3A_154 [0] : vector<256x128xf32> to vector<128xf32>
    %broadcast_in_dim3A_156 = vector.shape_cast %reduce_sum3A_155 : vector<128xf32> to vector<1x128xf32>
    %add3A_157 = arith.addf %add3A_147, %broadcast_in_dim3A_156 : vector<1x128xf32>
    %slice3A_158 = vector.extract_strided_slice %get3A_1 {offsets = [0, 16], sizes = [256, 1], strides = [1, 1]} : vector<256x128xi32> to vector<256x1xi32>
    %broadcast_in_dim3A_159 = vector.shape_cast %slice3A_158 : vector<256x1xi32> to vector<256x1xi32>
    %broadcast_in_dim3A_160 = vector.broadcast %broadcast_in_dim3A_159 : vector<256x1xi32> to vector<256x128xi32>
    %eq3A_161 = arith.cmpi eq, %broadcast_in_dim3A_160, %iota3A : vector<256x128xi32>
    %convert_element_type3A_162 = arith.extui %eq3A_161 : vector<256x128xi1> to vector<256x128xi32>
    %convert_element_type3A_163 = arith.sitofp %convert_element_type3A_162 : vector<256x128xi32> to vector<256x128xf32>
    %reduce_sum3A_164 = arith.constant dense<0.000000e+00> : vector<128xf32>
    %reduce_sum3A_165 = vector.multi_reduction <add>, %convert_element_type3A_163, %reduce_sum3A_164 [0] : vector<256x128xf32> to vector<128xf32>
    %broadcast_in_dim3A_166 = vector.shape_cast %reduce_sum3A_165 : vector<128xf32> to vector<1x128xf32>
    %add3A_167 = arith.addf %add3A_157, %broadcast_in_dim3A_166 : vector<1x128xf32>
    %slice3A_168 = vector.extract_strided_slice %get3A_1 {offsets = [0, 17], sizes = [256, 1], strides = [1, 1]} : vector<256x128xi32> to vector<256x1xi32>
    %broadcast_in_dim3A_169 = vector.shape_cast %slice3A_168 : vector<256x1xi32> to vector<256x1xi32>
    %broadcast_in_dim3A_170 = vector.broadcast %broadcast_in_dim3A_169 : vector<256x1xi32> to vector<256x128xi32>
    %eq3A_171 = arith.cmpi eq, %broadcast_in_dim3A_170, %iota3A : vector<256x128xi32>
    %convert_element_type3A_172 = arith.extui %eq3A_171 : vector<256x128xi1> to vector<256x128xi32>
    %convert_element_type3A_173 = arith.sitofp %convert_element_type3A_172 : vector<256x128xi32> to vector<256x128xf32>
    %reduce_sum3A_174 = arith.constant dense<0.000000e+00> : vector<128xf32>
    %reduce_sum3A_175 = vector.multi_reduction <add>, %convert_element_type3A_173, %reduce_sum3A_174 [0] : vector<256x128xf32> to vector<128xf32>
    %broadcast_in_dim3A_176 = vector.shape_cast %reduce_sum3A_175 : vector<128xf32> to vector<1x128xf32>
    %add3A_177 = arith.addf %add3A_167, %broadcast_in_dim3A_176 : vector<1x128xf32>
    %slice3A_178 = vector.extract_strided_slice %get3A_1 {offsets = [0, 18], sizes = [256, 1], strides = [1, 1]} : vector<256x128xi32> to vector<256x1xi32>
    %broadcast_in_dim3A_179 = vector.shape_cast %slice3A_178 : vector<256x1xi32> to vector<256x1xi32>
    %broadcast_in_dim3A_180 = vector.broadcast %broadcast_in_dim3A_179 : vector<256x1xi32> to vector<256x128xi32>
    %eq3A_181 = arith.cmpi eq, %broadcast_in_dim3A_180, %iota3A : vector<256x128xi32>
    %convert_element_type3A_182 = arith.extui %eq3A_181 : vector<256x128xi1> to vector<256x128xi32>
    %convert_element_type3A_183 = arith.sitofp %convert_element_type3A_182 : vector<256x128xi32> to vector<256x128xf32>
    %reduce_sum3A_184 = arith.constant dense<0.000000e+00> : vector<128xf32>
    %reduce_sum3A_185 = vector.multi_reduction <add>, %convert_element_type3A_183, %reduce_sum3A_184 [0] : vector<256x128xf32> to vector<128xf32>
    %broadcast_in_dim3A_186 = vector.shape_cast %reduce_sum3A_185 : vector<128xf32> to vector<1x128xf32>
    %add3A_187 = arith.addf %add3A_177, %broadcast_in_dim3A_186 : vector<1x128xf32>
    %slice3A_188 = vector.extract_strided_slice %get3A_1 {offsets = [0, 19], sizes = [256, 1], strides = [1, 1]} : vector<256x128xi32> to vector<256x1xi32>
    %broadcast_in_dim3A_189 = vector.shape_cast %slice3A_188 : vector<256x1xi32> to vector<256x1xi32>
    %broadcast_in_dim3A_190 = vector.broadcast %broadcast_in_dim3A_189 : vector<256x1xi32> to vector<256x128xi32>
    %eq3A_191 = arith.cmpi eq, %broadcast_in_dim3A_190, %iota3A : vector<256x128xi32>
    %convert_element_type3A_192 = arith.extui %eq3A_191 : vector<256x128xi1> to vector<256x128xi32>
    %convert_element_type3A_193 = arith.sitofp %convert_element_type3A_192 : vector<256x128xi32> to vector<256x128xf32>
    %reduce_sum3A_194 = arith.constant dense<0.000000e+00> : vector<128xf32>
    %reduce_sum3A_195 = vector.multi_reduction <add>, %convert_element_type3A_193, %reduce_sum3A_194 [0] : vector<256x128xf32> to vector<128xf32>
    %broadcast_in_dim3A_196 = vector.shape_cast %reduce_sum3A_195 : vector<128xf32> to vector<1x128xf32>
    %add3A_197 = arith.addf %add3A_187, %broadcast_in_dim3A_196 : vector<1x128xf32>
    %slice3A_198 = vector.extract_strided_slice %get3A_1 {offsets = [0, 20], sizes = [256, 1], strides = [1, 1]} : vector<256x128xi32> to vector<256x1xi32>
    %broadcast_in_dim3A_199 = vector.shape_cast %slice3A_198 : vector<256x1xi32> to vector<256x1xi32>
    %broadcast_in_dim3A_200 = vector.broadcast %broadcast_in_dim3A_199 : vector<256x1xi32> to vector<256x128xi32>
    %eq3A_201 = arith.cmpi eq, %broadcast_in_dim3A_200, %iota3A : vector<256x128xi32>
    %convert_element_type3A_202 = arith.extui %eq3A_201 : vector<256x128xi1> to vector<256x128xi32>
    %convert_element_type3A_203 = arith.sitofp %convert_element_type3A_202 : vector<256x128xi32> to vector<256x128xf32>
    %reduce_sum3A_204 = arith.constant dense<0.000000e+00> : vector<128xf32>
    %reduce_sum3A_205 = vector.multi_reduction <add>, %convert_element_type3A_203, %reduce_sum3A_204 [0] : vector<256x128xf32> to vector<128xf32>
    %broadcast_in_dim3A_206 = vector.shape_cast %reduce_sum3A_205 : vector<128xf32> to vector<1x128xf32>
    %add3A_207 = arith.addf %add3A_197, %broadcast_in_dim3A_206 : vector<1x128xf32>
    %slice3A_208 = vector.extract_strided_slice %get3A_1 {offsets = [0, 21], sizes = [256, 1], strides = [1, 1]} : vector<256x128xi32> to vector<256x1xi32>
    %broadcast_in_dim3A_209 = vector.shape_cast %slice3A_208 : vector<256x1xi32> to vector<256x1xi32>
    %broadcast_in_dim3A_210 = vector.broadcast %broadcast_in_dim3A_209 : vector<256x1xi32> to vector<256x128xi32>
    %eq3A_211 = arith.cmpi eq, %broadcast_in_dim3A_210, %iota3A : vector<256x128xi32>
    %convert_element_type3A_212 = arith.extui %eq3A_211 : vector<256x128xi1> to vector<256x128xi32>
    %convert_element_type3A_213 = arith.sitofp %convert_element_type3A_212 : vector<256x128xi32> to vector<256x128xf32>
    %reduce_sum3A_214 = arith.constant dense<0.000000e+00> : vector<128xf32>
    %reduce_sum3A_215 = vector.multi_reduction <add>, %convert_element_type3A_213, %reduce_sum3A_214 [0] : vector<256x128xf32> to vector<128xf32>
    %broadcast_in_dim3A_216 = vector.shape_cast %reduce_sum3A_215 : vector<128xf32> to vector<1x128xf32>
    %add3A_217 = arith.addf %add3A_207, %broadcast_in_dim3A_216 : vector<1x128xf32>
    %slice3A_218 = vector.extract_strided_slice %get3A_1 {offsets = [0, 22], sizes = [256, 1], strides = [1, 1]} : vector<256x128xi32> to vector<256x1xi32>
    %broadcast_in_dim3A_219 = vector.shape_cast %slice3A_218 : vector<256x1xi32> to vector<256x1xi32>
    %broadcast_in_dim3A_220 = vector.broadcast %broadcast_in_dim3A_219 : vector<256x1xi32> to vector<256x128xi32>
    %eq3A_221 = arith.cmpi eq, %broadcast_in_dim3A_220, %iota3A : vector<256x128xi32>
    %convert_element_type3A_222 = arith.extui %eq3A_221 : vector<256x128xi1> to vector<256x128xi32>
    %convert_element_type3A_223 = arith.sitofp %convert_element_type3A_222 : vector<256x128xi32> to vector<256x128xf32>
    %reduce_sum3A_224 = arith.constant dense<0.000000e+00> : vector<128xf32>
    %reduce_sum3A_225 = vector.multi_reduction <add>, %convert_element_type3A_223, %reduce_sum3A_224 [0] : vector<256x128xf32> to vector<128xf32>
    %broadcast_in_dim3A_226 = vector.shape_cast %reduce_sum3A_225 : vector<128xf32> to vector<1x128xf32>
    %add3A_227 = arith.addf %add3A_217, %broadcast_in_dim3A_226 : vector<1x128xf32>
    %slice3A_228 = vector.extract_strided_slice %get3A_1 {offsets = [0, 23], sizes = [256, 1], strides = [1, 1]} : vector<256x128xi32> to vector<256x1xi32>
    %broadcast_in_dim3A_229 = vector.shape_cast %slice3A_228 : vector<256x1xi32> to vector<256x1xi32>
    %broadcast_in_dim3A_230 = vector.broadcast %broadcast_in_dim3A_229 : vector<256x1xi32> to vector<256x128xi32>
    %eq3A_231 = arith.cmpi eq, %broadcast_in_dim3A_230, %iota3A : vector<256x128xi32>
    %convert_element_type3A_232 = arith.extui %eq3A_231 : vector<256x128xi1> to vector<256x128xi32>
    %convert_element_type3A_233 = arith.sitofp %convert_element_type3A_232 : vector<256x128xi32> to vector<256x128xf32>
    %reduce_sum3A_234 = arith.constant dense<0.000000e+00> : vector<128xf32>
    %reduce_sum3A_235 = vector.multi_reduction <add>, %convert_element_type3A_233, %reduce_sum3A_234 [0] : vector<256x128xf32> to vector<128xf32>
    %broadcast_in_dim3A_236 = vector.shape_cast %reduce_sum3A_235 : vector<128xf32> to vector<1x128xf32>
    %add3A_237 = arith.addf %add3A_227, %broadcast_in_dim3A_236 : vector<1x128xf32>
    %slice3A_238 = vector.extract_strided_slice %get3A_1 {offsets = [0, 24], sizes = [256, 1], strides = [1, 1]} : vector<256x128xi32> to vector<256x1xi32>
    %broadcast_in_dim3A_239 = vector.shape_cast %slice3A_238 : vector<256x1xi32> to vector<256x1xi32>
    %broadcast_in_dim3A_240 = vector.broadcast %broadcast_in_dim3A_239 : vector<256x1xi32> to vector<256x128xi32>
    %eq3A_241 = arith.cmpi eq, %broadcast_in_dim3A_240, %iota3A : vector<256x128xi32>
    %convert_element_type3A_242 = arith.extui %eq3A_241 : vector<256x128xi1> to vector<256x128xi32>
    %convert_element_type3A_243 = arith.sitofp %convert_element_type3A_242 : vector<256x128xi32> to vector<256x128xf32>
    %reduce_sum3A_244 = arith.constant dense<0.000000e+00> : vector<128xf32>
    %reduce_sum3A_245 = vector.multi_reduction <add>, %convert_element_type3A_243, %reduce_sum3A_244 [0] : vector<256x128xf32> to vector<128xf32>
    %broadcast_in_dim3A_246 = vector.shape_cast %reduce_sum3A_245 : vector<128xf32> to vector<1x128xf32>
    %add3A_247 = arith.addf %add3A_237, %broadcast_in_dim3A_246 : vector<1x128xf32>
    %slice3A_248 = vector.extract_strided_slice %get3A_1 {offsets = [0, 25], sizes = [256, 1], strides = [1, 1]} : vector<256x128xi32> to vector<256x1xi32>
    %broadcast_in_dim3A_249 = vector.shape_cast %slice3A_248 : vector<256x1xi32> to vector<256x1xi32>
    %broadcast_in_dim3A_250 = vector.broadcast %broadcast_in_dim3A_249 : vector<256x1xi32> to vector<256x128xi32>
    %eq3A_251 = arith.cmpi eq, %broadcast_in_dim3A_250, %iota3A : vector<256x128xi32>
    %convert_element_type3A_252 = arith.extui %eq3A_251 : vector<256x128xi1> to vector<256x128xi32>
    %convert_element_type3A_253 = arith.sitofp %convert_element_type3A_252 : vector<256x128xi32> to vector<256x128xf32>
    %reduce_sum3A_254 = arith.constant dense<0.000000e+00> : vector<128xf32>
    %reduce_sum3A_255 = vector.multi_reduction <add>, %convert_element_type3A_253, %reduce_sum3A_254 [0] : vector<256x128xf32> to vector<128xf32>
    %broadcast_in_dim3A_256 = vector.shape_cast %reduce_sum3A_255 : vector<128xf32> to vector<1x128xf32>
    %add3A_257 = arith.addf %add3A_247, %broadcast_in_dim3A_256 : vector<1x128xf32>
    %slice3A_258 = vector.extract_strided_slice %get3A_1 {offsets = [0, 26], sizes = [256, 1], strides = [1, 1]} : vector<256x128xi32> to vector<256x1xi32>
    %broadcast_in_dim3A_259 = vector.shape_cast %slice3A_258 : vector<256x1xi32> to vector<256x1xi32>
    %broadcast_in_dim3A_260 = vector.broadcast %broadcast_in_dim3A_259 : vector<256x1xi32> to vector<256x128xi32>
    %eq3A_261 = arith.cmpi eq, %broadcast_in_dim3A_260, %iota3A : vector<256x128xi32>
    %convert_element_type3A_262 = arith.extui %eq3A_261 : vector<256x128xi1> to vector<256x128xi32>
    %convert_element_type3A_263 = arith.sitofp %convert_element_type3A_262 : vector<256x128xi32> to vector<256x128xf32>
    %reduce_sum3A_264 = arith.constant dense<0.000000e+00> : vector<128xf32>
    %reduce_sum3A_265 = vector.multi_reduction <add>, %convert_element_type3A_263, %reduce_sum3A_264 [0] : vector<256x128xf32> to vector<128xf32>
    %broadcast_in_dim3A_266 = vector.shape_cast %reduce_sum3A_265 : vector<128xf32> to vector<1x128xf32>
    %add3A_267 = arith.addf %add3A_257, %broadcast_in_dim3A_266 : vector<1x128xf32>
    %slice3A_268 = vector.extract_strided_slice %get3A_1 {offsets = [0, 27], sizes = [256, 1], strides = [1, 1]} : vector<256x128xi32> to vector<256x1xi32>
    %broadcast_in_dim3A_269 = vector.shape_cast %slice3A_268 : vector<256x1xi32> to vector<256x1xi32>
    %broadcast_in_dim3A_270 = vector.broadcast %broadcast_in_dim3A_269 : vector<256x1xi32> to vector<256x128xi32>
    %eq3A_271 = arith.cmpi eq, %broadcast_in_dim3A_270, %iota3A : vector<256x128xi32>
    %convert_element_type3A_272 = arith.extui %eq3A_271 : vector<256x128xi1> to vector<256x128xi32>
    %convert_element_type3A_273 = arith.sitofp %convert_element_type3A_272 : vector<256x128xi32> to vector<256x128xf32>
    %reduce_sum3A_274 = arith.constant dense<0.000000e+00> : vector<128xf32>
    %reduce_sum3A_275 = vector.multi_reduction <add>, %convert_element_type3A_273, %reduce_sum3A_274 [0] : vector<256x128xf32> to vector<128xf32>
    %broadcast_in_dim3A_276 = vector.shape_cast %reduce_sum3A_275 : vector<128xf32> to vector<1x128xf32>
    %add3A_277 = arith.addf %add3A_267, %broadcast_in_dim3A_276 : vector<1x128xf32>
    %slice3A_278 = vector.extract_strided_slice %get3A_1 {offsets = [0, 28], sizes = [256, 1], strides = [1, 1]} : vector<256x128xi32> to vector<256x1xi32>
    %broadcast_in_dim3A_279 = vector.shape_cast %slice3A_278 : vector<256x1xi32> to vector<256x1xi32>
    %broadcast_in_dim3A_280 = vector.broadcast %broadcast_in_dim3A_279 : vector<256x1xi32> to vector<256x128xi32>
    %eq3A_281 = arith.cmpi eq, %broadcast_in_dim3A_280, %iota3A : vector<256x128xi32>
    %convert_element_type3A_282 = arith.extui %eq3A_281 : vector<256x128xi1> to vector<256x128xi32>
    %convert_element_type3A_283 = arith.sitofp %convert_element_type3A_282 : vector<256x128xi32> to vector<256x128xf32>
    %reduce_sum3A_284 = arith.constant dense<0.000000e+00> : vector<128xf32>
    %reduce_sum3A_285 = vector.multi_reduction <add>, %convert_element_type3A_283, %reduce_sum3A_284 [0] : vector<256x128xf32> to vector<128xf32>
    %broadcast_in_dim3A_286 = vector.shape_cast %reduce_sum3A_285 : vector<128xf32> to vector<1x128xf32>
    %add3A_287 = arith.addf %add3A_277, %broadcast_in_dim3A_286 : vector<1x128xf32>
    %slice3A_288 = vector.extract_strided_slice %get3A_1 {offsets = [0, 29], sizes = [256, 1], strides = [1, 1]} : vector<256x128xi32> to vector<256x1xi32>
    %broadcast_in_dim3A_289 = vector.shape_cast %slice3A_288 : vector<256x1xi32> to vector<256x1xi32>
    %broadcast_in_dim3A_290 = vector.broadcast %broadcast_in_dim3A_289 : vector<256x1xi32> to vector<256x128xi32>
    %eq3A_291 = arith.cmpi eq, %broadcast_in_dim3A_290, %iota3A : vector<256x128xi32>
    %convert_element_type3A_292 = arith.extui %eq3A_291 : vector<256x128xi1> to vector<256x128xi32>
    %convert_element_type3A_293 = arith.sitofp %convert_element_type3A_292 : vector<256x128xi32> to vector<256x128xf32>
    %reduce_sum3A_294 = arith.constant dense<0.000000e+00> : vector<128xf32>
    %reduce_sum3A_295 = vector.multi_reduction <add>, %convert_element_type3A_293, %reduce_sum3A_294 [0] : vector<256x128xf32> to vector<128xf32>
    %broadcast_in_dim3A_296 = vector.shape_cast %reduce_sum3A_295 : vector<128xf32> to vector<1x128xf32>
    %add3A_297 = arith.addf %add3A_287, %broadcast_in_dim3A_296 : vector<1x128xf32>
    %slice3A_298 = vector.extract_strided_slice %get3A_1 {offsets = [0, 30], sizes = [256, 1], strides = [1, 1]} : vector<256x128xi32> to vector<256x1xi32>
    %broadcast_in_dim3A_299 = vector.shape_cast %slice3A_298 : vector<256x1xi32> to vector<256x1xi32>
    %broadcast_in_dim3A_300 = vector.broadcast %broadcast_in_dim3A_299 : vector<256x1xi32> to vector<256x128xi32>
    %eq3A_301 = arith.cmpi eq, %broadcast_in_dim3A_300, %iota3A : vector<256x128xi32>
    %convert_element_type3A_302 = arith.extui %eq3A_301 : vector<256x128xi1> to vector<256x128xi32>
    %convert_element_type3A_303 = arith.sitofp %convert_element_type3A_302 : vector<256x128xi32> to vector<256x128xf32>
    %reduce_sum3A_304 = arith.constant dense<0.000000e+00> : vector<128xf32>
    %reduce_sum3A_305 = vector.multi_reduction <add>, %convert_element_type3A_303, %reduce_sum3A_304 [0] : vector<256x128xf32> to vector<128xf32>
    %broadcast_in_dim3A_306 = vector.shape_cast %reduce_sum3A_305 : vector<128xf32> to vector<1x128xf32>
    %add3A_307 = arith.addf %add3A_297, %broadcast_in_dim3A_306 : vector<1x128xf32>
    %slice3A_308 = vector.extract_strided_slice %get3A_1 {offsets = [0, 31], sizes = [256, 1], strides = [1, 1]} : vector<256x128xi32> to vector<256x1xi32>
    %broadcast_in_dim3A_309 = vector.shape_cast %slice3A_308 : vector<256x1xi32> to vector<256x1xi32>
    %broadcast_in_dim3A_310 = vector.broadcast %broadcast_in_dim3A_309 : vector<256x1xi32> to vector<256x128xi32>
    %eq3A_311 = arith.cmpi eq, %broadcast_in_dim3A_310, %iota3A : vector<256x128xi32>
    %convert_element_type3A_312 = arith.extui %eq3A_311 : vector<256x128xi1> to vector<256x128xi32>
    %convert_element_type3A_313 = arith.sitofp %convert_element_type3A_312 : vector<256x128xi32> to vector<256x128xf32>
    %reduce_sum3A_314 = arith.constant dense<0.000000e+00> : vector<128xf32>
    %reduce_sum3A_315 = vector.multi_reduction <add>, %convert_element_type3A_313, %reduce_sum3A_314 [0] : vector<256x128xf32> to vector<128xf32>
    %broadcast_in_dim3A_316 = vector.shape_cast %reduce_sum3A_315 : vector<128xf32> to vector<1x128xf32>
    %add3A_317 = arith.addf %add3A_307, %broadcast_in_dim3A_316 : vector<1x128xf32>
    %slice3A_318 = vector.extract_strided_slice %get3A_1 {offsets = [0, 32], sizes = [256, 1], strides = [1, 1]} : vector<256x128xi32> to vector<256x1xi32>
    %broadcast_in_dim3A_319 = vector.shape_cast %slice3A_318 : vector<256x1xi32> to vector<256x1xi32>
    %broadcast_in_dim3A_320 = vector.broadcast %broadcast_in_dim3A_319 : vector<256x1xi32> to vector<256x128xi32>
    %eq3A_321 = arith.cmpi eq, %broadcast_in_dim3A_320, %iota3A : vector<256x128xi32>
    %convert_element_type3A_322 = arith.extui %eq3A_321 : vector<256x128xi1> to vector<256x128xi32>
    %convert_element_type3A_323 = arith.sitofp %convert_element_type3A_322 : vector<256x128xi32> to vector<256x128xf32>
    %reduce_sum3A_324 = arith.constant dense<0.000000e+00> : vector<128xf32>
    %reduce_sum3A_325 = vector.multi_reduction <add>, %convert_element_type3A_323, %reduce_sum3A_324 [0] : vector<256x128xf32> to vector<128xf32>
    %broadcast_in_dim3A_326 = vector.shape_cast %reduce_sum3A_325 : vector<128xf32> to vector<1x128xf32>
    %add3A_327 = arith.addf %add3A_317, %broadcast_in_dim3A_326 : vector<1x128xf32>
    %slice3A_328 = vector.extract_strided_slice %get3A_1 {offsets = [0, 33], sizes = [256, 1], strides = [1, 1]} : vector<256x128xi32> to vector<256x1xi32>
    %broadcast_in_dim3A_329 = vector.shape_cast %slice3A_328 : vector<256x1xi32> to vector<256x1xi32>
    %broadcast_in_dim3A_330 = vector.broadcast %broadcast_in_dim3A_329 : vector<256x1xi32> to vector<256x128xi32>
    %eq3A_331 = arith.cmpi eq, %broadcast_in_dim3A_330, %iota3A : vector<256x128xi32>
    %convert_element_type3A_332 = arith.extui %eq3A_331 : vector<256x128xi1> to vector<256x128xi32>
    %convert_element_type3A_333 = arith.sitofp %convert_element_type3A_332 : vector<256x128xi32> to vector<256x128xf32>
    %reduce_sum3A_334 = arith.constant dense<0.000000e+00> : vector<128xf32>
    %reduce_sum3A_335 = vector.multi_reduction <add>, %convert_element_type3A_333, %reduce_sum3A_334 [0] : vector<256x128xf32> to vector<128xf32>
    %broadcast_in_dim3A_336 = vector.shape_cast %reduce_sum3A_335 : vector<128xf32> to vector<1x128xf32>
    %add3A_337 = arith.addf %add3A_327, %broadcast_in_dim3A_336 : vector<1x128xf32>
    %slice3A_338 = vector.extract_strided_slice %get3A_1 {offsets = [0, 34], sizes = [256, 1], strides = [1, 1]} : vector<256x128xi32> to vector<256x1xi32>
    %broadcast_in_dim3A_339 = vector.shape_cast %slice3A_338 : vector<256x1xi32> to vector<256x1xi32>
    %broadcast_in_dim3A_340 = vector.broadcast %broadcast_in_dim3A_339 : vector<256x1xi32> to vector<256x128xi32>
    %eq3A_341 = arith.cmpi eq, %broadcast_in_dim3A_340, %iota3A : vector<256x128xi32>
    %convert_element_type3A_342 = arith.extui %eq3A_341 : vector<256x128xi1> to vector<256x128xi32>
    %convert_element_type3A_343 = arith.sitofp %convert_element_type3A_342 : vector<256x128xi32> to vector<256x128xf32>
    %reduce_sum3A_344 = arith.constant dense<0.000000e+00> : vector<128xf32>
    %reduce_sum3A_345 = vector.multi_reduction <add>, %convert_element_type3A_343, %reduce_sum3A_344 [0] : vector<256x128xf32> to vector<128xf32>
    %broadcast_in_dim3A_346 = vector.shape_cast %reduce_sum3A_345 : vector<128xf32> to vector<1x128xf32>
    %add3A_347 = arith.addf %add3A_337, %broadcast_in_dim3A_346 : vector<1x128xf32>
    %slice3A_348 = vector.extract_strided_slice %get3A_1 {offsets = [0, 35], sizes = [256, 1], strides = [1, 1]} : vector<256x128xi32> to vector<256x1xi32>
    %broadcast_in_dim3A_349 = vector.shape_cast %slice3A_348 : vector<256x1xi32> to vector<256x1xi32>
    %broadcast_in_dim3A_350 = vector.broadcast %broadcast_in_dim3A_349 : vector<256x1xi32> to vector<256x128xi32>
    %eq3A_351 = arith.cmpi eq, %broadcast_in_dim3A_350, %iota3A : vector<256x128xi32>
    %convert_element_type3A_352 = arith.extui %eq3A_351 : vector<256x128xi1> to vector<256x128xi32>
    %convert_element_type3A_353 = arith.sitofp %convert_element_type3A_352 : vector<256x128xi32> to vector<256x128xf32>
    %reduce_sum3A_354 = arith.constant dense<0.000000e+00> : vector<128xf32>
    %reduce_sum3A_355 = vector.multi_reduction <add>, %convert_element_type3A_353, %reduce_sum3A_354 [0] : vector<256x128xf32> to vector<128xf32>
    %broadcast_in_dim3A_356 = vector.shape_cast %reduce_sum3A_355 : vector<128xf32> to vector<1x128xf32>
    %add3A_357 = arith.addf %add3A_347, %broadcast_in_dim3A_356 : vector<1x128xf32>
    %slice3A_358 = vector.extract_strided_slice %get3A_1 {offsets = [0, 36], sizes = [256, 1], strides = [1, 1]} : vector<256x128xi32> to vector<256x1xi32>
    %broadcast_in_dim3A_359 = vector.shape_cast %slice3A_358 : vector<256x1xi32> to vector<256x1xi32>
    %broadcast_in_dim3A_360 = vector.broadcast %broadcast_in_dim3A_359 : vector<256x1xi32> to vector<256x128xi32>
    %eq3A_361 = arith.cmpi eq, %broadcast_in_dim3A_360, %iota3A : vector<256x128xi32>
    %convert_element_type3A_362 = arith.extui %eq3A_361 : vector<256x128xi1> to vector<256x128xi32>
    %convert_element_type3A_363 = arith.sitofp %convert_element_type3A_362 : vector<256x128xi32> to vector<256x128xf32>
    %reduce_sum3A_364 = arith.constant dense<0.000000e+00> : vector<128xf32>
    %reduce_sum3A_365 = vector.multi_reduction <add>, %convert_element_type3A_363, %reduce_sum3A_364 [0] : vector<256x128xf32> to vector<128xf32>
    %broadcast_in_dim3A_366 = vector.shape_cast %reduce_sum3A_365 : vector<128xf32> to vector<1x128xf32>
    %add3A_367 = arith.addf %add3A_357, %broadcast_in_dim3A_366 : vector<1x128xf32>
    %slice3A_368 = vector.extract_strided_slice %get3A_1 {offsets = [0, 37], sizes = [256, 1], strides = [1, 1]} : vector<256x128xi32> to vector<256x1xi32>
    %broadcast_in_dim3A_369 = vector.shape_cast %slice3A_368 : vector<256x1xi32> to vector<256x1xi32>
    %broadcast_in_dim3A_370 = vector.broadcast %broadcast_in_dim3A_369 : vector<256x1xi32> to vector<256x128xi32>
    %eq3A_371 = arith.cmpi eq, %broadcast_in_dim3A_370, %iota3A : vector<256x128xi32>
    %convert_element_type3A_372 = arith.extui %eq3A_371 : vector<256x128xi1> to vector<256x128xi32>
    %convert_element_type3A_373 = arith.sitofp %convert_element_type3A_372 : vector<256x128xi32> to vector<256x128xf32>
    %reduce_sum3A_374 = arith.constant dense<0.000000e+00> : vector<128xf32>
    %reduce_sum3A_375 = vector.multi_reduction <add>, %convert_element_type3A_373, %reduce_sum3A_374 [0] : vector<256x128xf32> to vector<128xf32>
    %broadcast_in_dim3A_376 = vector.shape_cast %reduce_sum3A_375 : vector<128xf32> to vector<1x128xf32>
    %add3A_377 = arith.addf %add3A_367, %broadcast_in_dim3A_376 : vector<1x128xf32>
    %slice3A_378 = vector.extract_strided_slice %get3A_1 {offsets = [0, 38], sizes = [256, 1], strides = [1, 1]} : vector<256x128xi32> to vector<256x1xi32>
    %broadcast_in_dim3A_379 = vector.shape_cast %slice3A_378 : vector<256x1xi32> to vector<256x1xi32>
    %broadcast_in_dim3A_380 = vector.broadcast %broadcast_in_dim3A_379 : vector<256x1xi32> to vector<256x128xi32>
    %eq3A_381 = arith.cmpi eq, %broadcast_in_dim3A_380, %iota3A : vector<256x128xi32>
    %convert_element_type3A_382 = arith.extui %eq3A_381 : vector<256x128xi1> to vector<256x128xi32>
    %convert_element_type3A_383 = arith.sitofp %convert_element_type3A_382 : vector<256x128xi32> to vector<256x128xf32>
    %reduce_sum3A_384 = arith.constant dense<0.000000e+00> : vector<128xf32>
    %reduce_sum3A_385 = vector.multi_reduction <add>, %convert_element_type3A_383, %reduce_sum3A_384 [0] : vector<256x128xf32> to vector<128xf32>
    %broadcast_in_dim3A_386 = vector.shape_cast %reduce_sum3A_385 : vector<128xf32> to vector<1x128xf32>
    %add3A_387 = arith.addf %add3A_377, %broadcast_in_dim3A_386 : vector<1x128xf32>
    %slice3A_388 = vector.extract_strided_slice %get3A_1 {offsets = [0, 39], sizes = [256, 1], strides = [1, 1]} : vector<256x128xi32> to vector<256x1xi32>
    %broadcast_in_dim3A_389 = vector.shape_cast %slice3A_388 : vector<256x1xi32> to vector<256x1xi32>
    %broadcast_in_dim3A_390 = vector.broadcast %broadcast_in_dim3A_389 : vector<256x1xi32> to vector<256x128xi32>
    %eq3A_391 = arith.cmpi eq, %broadcast_in_dim3A_390, %iota3A : vector<256x128xi32>
    %convert_element_type3A_392 = arith.extui %eq3A_391 : vector<256x128xi1> to vector<256x128xi32>
    %convert_element_type3A_393 = arith.sitofp %convert_element_type3A_392 : vector<256x128xi32> to vector<256x128xf32>
    %reduce_sum3A_394 = arith.constant dense<0.000000e+00> : vector<128xf32>
    %reduce_sum3A_395 = vector.multi_reduction <add>, %convert_element_type3A_393, %reduce_sum3A_394 [0] : vector<256x128xf32> to vector<128xf32>
    %broadcast_in_dim3A_396 = vector.shape_cast %reduce_sum3A_395 : vector<128xf32> to vector<1x128xf32>
    %add3A_397 = arith.addf %add3A_387, %broadcast_in_dim3A_396 : vector<1x128xf32>
    %slice3A_398 = vector.extract_strided_slice %get3A_1 {offsets = [0, 40], sizes = [256, 1], strides = [1, 1]} : vector<256x128xi32> to vector<256x1xi32>
    %broadcast_in_dim3A_399 = vector.shape_cast %slice3A_398 : vector<256x1xi32> to vector<256x1xi32>
    %broadcast_in_dim3A_400 = vector.broadcast %broadcast_in_dim3A_399 : vector<256x1xi32> to vector<256x128xi32>
    %eq3A_401 = arith.cmpi eq, %broadcast_in_dim3A_400, %iota3A : vector<256x128xi32>
    %convert_element_type3A_402 = arith.extui %eq3A_401 : vector<256x128xi1> to vector<256x128xi32>
    %convert_element_type3A_403 = arith.sitofp %convert_element_type3A_402 : vector<256x128xi32> to vector<256x128xf32>
    %reduce_sum3A_404 = arith.constant dense<0.000000e+00> : vector<128xf32>
    %reduce_sum3A_405 = vector.multi_reduction <add>, %convert_element_type3A_403, %reduce_sum3A_404 [0] : vector<256x128xf32> to vector<128xf32>
    %broadcast_in_dim3A_406 = vector.shape_cast %reduce_sum3A_405 : vector<128xf32> to vector<1x128xf32>
    %add3A_407 = arith.addf %add3A_397, %broadcast_in_dim3A_406 : vector<1x128xf32>
    %slice3A_408 = vector.extract_strided_slice %get3A_1 {offsets = [0, 41], sizes = [256, 1], strides = [1, 1]} : vector<256x128xi32> to vector<256x1xi32>
    %broadcast_in_dim3A_409 = vector.shape_cast %slice3A_408 : vector<256x1xi32> to vector<256x1xi32>
    %broadcast_in_dim3A_410 = vector.broadcast %broadcast_in_dim3A_409 : vector<256x1xi32> to vector<256x128xi32>
    %eq3A_411 = arith.cmpi eq, %broadcast_in_dim3A_410, %iota3A : vector<256x128xi32>
    %convert_element_type3A_412 = arith.extui %eq3A_411 : vector<256x128xi1> to vector<256x128xi32>
    %convert_element_type3A_413 = arith.sitofp %convert_element_type3A_412 : vector<256x128xi32> to vector<256x128xf32>
    %reduce_sum3A_414 = arith.constant dense<0.000000e+00> : vector<128xf32>
    %reduce_sum3A_415 = vector.multi_reduction <add>, %convert_element_type3A_413, %reduce_sum3A_414 [0] : vector<256x128xf32> to vector<128xf32>
    %broadcast_in_dim3A_416 = vector.shape_cast %reduce_sum3A_415 : vector<128xf32> to vector<1x128xf32>
    %add3A_417 = arith.addf %add3A_407, %broadcast_in_dim3A_416 : vector<1x128xf32>
    %slice3A_418 = vector.extract_strided_slice %get3A_1 {offsets = [0, 42], sizes = [256, 1], strides = [1, 1]} : vector<256x128xi32> to vector<256x1xi32>
    %broadcast_in_dim3A_419 = vector.shape_cast %slice3A_418 : vector<256x1xi32> to vector<256x1xi32>
    %broadcast_in_dim3A_420 = vector.broadcast %broadcast_in_dim3A_419 : vector<256x1xi32> to vector<256x128xi32>
    %eq3A_421 = arith.cmpi eq, %broadcast_in_dim3A_420, %iota3A : vector<256x128xi32>
    %convert_element_type3A_422 = arith.extui %eq3A_421 : vector<256x128xi1> to vector<256x128xi32>
    %convert_element_type3A_423 = arith.sitofp %convert_element_type3A_422 : vector<256x128xi32> to vector<256x128xf32>
    %reduce_sum3A_424 = arith.constant dense<0.000000e+00> : vector<128xf32>
    %reduce_sum3A_425 = vector.multi_reduction <add>, %convert_element_type3A_423, %reduce_sum3A_424 [0] : vector<256x128xf32> to vector<128xf32>
    %broadcast_in_dim3A_426 = vector.shape_cast %reduce_sum3A_425 : vector<128xf32> to vector<1x128xf32>
    %add3A_427 = arith.addf %add3A_417, %broadcast_in_dim3A_426 : vector<1x128xf32>
    %slice3A_428 = vector.extract_strided_slice %get3A_1 {offsets = [0, 43], sizes = [256, 1], strides = [1, 1]} : vector<256x128xi32> to vector<256x1xi32>
    %broadcast_in_dim3A_429 = vector.shape_cast %slice3A_428 : vector<256x1xi32> to vector<256x1xi32>
    %broadcast_in_dim3A_430 = vector.broadcast %broadcast_in_dim3A_429 : vector<256x1xi32> to vector<256x128xi32>
    %eq3A_431 = arith.cmpi eq, %broadcast_in_dim3A_430, %iota3A : vector<256x128xi32>
    %convert_element_type3A_432 = arith.extui %eq3A_431 : vector<256x128xi1> to vector<256x128xi32>
    %convert_element_type3A_433 = arith.sitofp %convert_element_type3A_432 : vector<256x128xi32> to vector<256x128xf32>
    %reduce_sum3A_434 = arith.constant dense<0.000000e+00> : vector<128xf32>
    %reduce_sum3A_435 = vector.multi_reduction <add>, %convert_element_type3A_433, %reduce_sum3A_434 [0] : vector<256x128xf32> to vector<128xf32>
    %broadcast_in_dim3A_436 = vector.shape_cast %reduce_sum3A_435 : vector<128xf32> to vector<1x128xf32>
    %add3A_437 = arith.addf %add3A_427, %broadcast_in_dim3A_436 : vector<1x128xf32>
    %slice3A_438 = vector.extract_strided_slice %get3A_1 {offsets = [0, 44], sizes = [256, 1], strides = [1, 1]} : vector<256x128xi32> to vector<256x1xi32>
    %broadcast_in_dim3A_439 = vector.shape_cast %slice3A_438 : vector<256x1xi32> to vector<256x1xi32>
    %broadcast_in_dim3A_440 = vector.broadcast %broadcast_in_dim3A_439 : vector<256x1xi32> to vector<256x128xi32>
    %eq3A_441 = arith.cmpi eq, %broadcast_in_dim3A_440, %iota3A : vector<256x128xi32>
    %convert_element_type3A_442 = arith.extui %eq3A_441 : vector<256x128xi1> to vector<256x128xi32>
    %convert_element_type3A_443 = arith.sitofp %convert_element_type3A_442 : vector<256x128xi32> to vector<256x128xf32>
    %reduce_sum3A_444 = arith.constant dense<0.000000e+00> : vector<128xf32>
    %reduce_sum3A_445 = vector.multi_reduction <add>, %convert_element_type3A_443, %reduce_sum3A_444 [0] : vector<256x128xf32> to vector<128xf32>
    %broadcast_in_dim3A_446 = vector.shape_cast %reduce_sum3A_445 : vector<128xf32> to vector<1x128xf32>
    %add3A_447 = arith.addf %add3A_437, %broadcast_in_dim3A_446 : vector<1x128xf32>
    %slice3A_448 = vector.extract_strided_slice %get3A_1 {offsets = [0, 45], sizes = [256, 1], strides = [1, 1]} : vector<256x128xi32> to vector<256x1xi32>
    %broadcast_in_dim3A_449 = vector.shape_cast %slice3A_448 : vector<256x1xi32> to vector<256x1xi32>
    %broadcast_in_dim3A_450 = vector.broadcast %broadcast_in_dim3A_449 : vector<256x1xi32> to vector<256x128xi32>
    %eq3A_451 = arith.cmpi eq, %broadcast_in_dim3A_450, %iota3A : vector<256x128xi32>
    %convert_element_type3A_452 = arith.extui %eq3A_451 : vector<256x128xi1> to vector<256x128xi32>
    %convert_element_type3A_453 = arith.sitofp %convert_element_type3A_452 : vector<256x128xi32> to vector<256x128xf32>
    %reduce_sum3A_454 = arith.constant dense<0.000000e+00> : vector<128xf32>
    %reduce_sum3A_455 = vector.multi_reduction <add>, %convert_element_type3A_453, %reduce_sum3A_454 [0] : vector<256x128xf32> to vector<128xf32>
    %broadcast_in_dim3A_456 = vector.shape_cast %reduce_sum3A_455 : vector<128xf32> to vector<1x128xf32>
    %add3A_457 = arith.addf %add3A_447, %broadcast_in_dim3A_456 : vector<1x128xf32>
    %slice3A_458 = vector.extract_strided_slice %get3A_1 {offsets = [0, 46], sizes = [256, 1], strides = [1, 1]} : vector<256x128xi32> to vector<256x1xi32>
    %broadcast_in_dim3A_459 = vector.shape_cast %slice3A_458 : vector<256x1xi32> to vector<256x1xi32>
    %broadcast_in_dim3A_460 = vector.broadcast %broadcast_in_dim3A_459 : vector<256x1xi32> to vector<256x128xi32>
    %eq3A_461 = arith.cmpi eq, %broadcast_in_dim3A_460, %iota3A : vector<256x128xi32>
    %convert_element_type3A_462 = arith.extui %eq3A_461 : vector<256x128xi1> to vector<256x128xi32>
    %convert_element_type3A_463 = arith.sitofp %convert_element_type3A_462 : vector<256x128xi32> to vector<256x128xf32>
    %reduce_sum3A_464 = arith.constant dense<0.000000e+00> : vector<128xf32>
    %reduce_sum3A_465 = vector.multi_reduction <add>, %convert_element_type3A_463, %reduce_sum3A_464 [0] : vector<256x128xf32> to vector<128xf32>
    %broadcast_in_dim3A_466 = vector.shape_cast %reduce_sum3A_465 : vector<128xf32> to vector<1x128xf32>
    %add3A_467 = arith.addf %add3A_457, %broadcast_in_dim3A_466 : vector<1x128xf32>
    %slice3A_468 = vector.extract_strided_slice %get3A_1 {offsets = [0, 47], sizes = [256, 1], strides = [1, 1]} : vector<256x128xi32> to vector<256x1xi32>
    %broadcast_in_dim3A_469 = vector.shape_cast %slice3A_468 : vector<256x1xi32> to vector<256x1xi32>
    %broadcast_in_dim3A_470 = vector.broadcast %broadcast_in_dim3A_469 : vector<256x1xi32> to vector<256x128xi32>
    %eq3A_471 = arith.cmpi eq, %broadcast_in_dim3A_470, %iota3A : vector<256x128xi32>
    %convert_element_type3A_472 = arith.extui %eq3A_471 : vector<256x128xi1> to vector<256x128xi32>
    %convert_element_type3A_473 = arith.sitofp %convert_element_type3A_472 : vector<256x128xi32> to vector<256x128xf32>
    %reduce_sum3A_474 = arith.constant dense<0.000000e+00> : vector<128xf32>
    %reduce_sum3A_475 = vector.multi_reduction <add>, %convert_element_type3A_473, %reduce_sum3A_474 [0] : vector<256x128xf32> to vector<128xf32>
    %broadcast_in_dim3A_476 = vector.shape_cast %reduce_sum3A_475 : vector<128xf32> to vector<1x128xf32>
    %add3A_477 = arith.addf %add3A_467, %broadcast_in_dim3A_476 : vector<1x128xf32>
    %slice3A_478 = vector.extract_strided_slice %get3A_1 {offsets = [0, 48], sizes = [256, 1], strides = [1, 1]} : vector<256x128xi32> to vector<256x1xi32>
    %broadcast_in_dim3A_479 = vector.shape_cast %slice3A_478 : vector<256x1xi32> to vector<256x1xi32>
    %broadcast_in_dim3A_480 = vector.broadcast %broadcast_in_dim3A_479 : vector<256x1xi32> to vector<256x128xi32>
    %eq3A_481 = arith.cmpi eq, %broadcast_in_dim3A_480, %iota3A : vector<256x128xi32>
    %convert_element_type3A_482 = arith.extui %eq3A_481 : vector<256x128xi1> to vector<256x128xi32>
    %convert_element_type3A_483 = arith.sitofp %convert_element_type3A_482 : vector<256x128xi32> to vector<256x128xf32>
    %reduce_sum3A_484 = arith.constant dense<0.000000e+00> : vector<128xf32>
    %reduce_sum3A_485 = vector.multi_reduction <add>, %convert_element_type3A_483, %reduce_sum3A_484 [0] : vector<256x128xf32> to vector<128xf32>
    %broadcast_in_dim3A_486 = vector.shape_cast %reduce_sum3A_485 : vector<128xf32> to vector<1x128xf32>
    %add3A_487 = arith.addf %add3A_477, %broadcast_in_dim3A_486 : vector<1x128xf32>
    %slice3A_488 = vector.extract_strided_slice %get3A_1 {offsets = [0, 49], sizes = [256, 1], strides = [1, 1]} : vector<256x128xi32> to vector<256x1xi32>
    %broadcast_in_dim3A_489 = vector.shape_cast %slice3A_488 : vector<256x1xi32> to vector<256x1xi32>
    %broadcast_in_dim3A_490 = vector.broadcast %broadcast_in_dim3A_489 : vector<256x1xi32> to vector<256x128xi32>
    %eq3A_491 = arith.cmpi eq, %broadcast_in_dim3A_490, %iota3A : vector<256x128xi32>
    %convert_element_type3A_492 = arith.extui %eq3A_491 : vector<256x128xi1> to vector<256x128xi32>
    %convert_element_type3A_493 = arith.sitofp %convert_element_type3A_492 : vector<256x128xi32> to vector<256x128xf32>
    %reduce_sum3A_494 = arith.constant dense<0.000000e+00> : vector<128xf32>
    %reduce_sum3A_495 = vector.multi_reduction <add>, %convert_element_type3A_493, %reduce_sum3A_494 [0] : vector<256x128xf32> to vector<128xf32>
    %broadcast_in_dim3A_496 = vector.shape_cast %reduce_sum3A_495 : vector<128xf32> to vector<1x128xf32>
    %add3A_497 = arith.addf %add3A_487, %broadcast_in_dim3A_496 : vector<1x128xf32>
    %slice3A_498 = vector.extract_strided_slice %get3A_1 {offsets = [0, 50], sizes = [256, 1], strides = [1, 1]} : vector<256x128xi32> to vector<256x1xi32>
    %broadcast_in_dim3A_499 = vector.shape_cast %slice3A_498 : vector<256x1xi32> to vector<256x1xi32>
    %broadcast_in_dim3A_500 = vector.broadcast %broadcast_in_dim3A_499 : vector<256x1xi32> to vector<256x128xi32>
    %eq3A_501 = arith.cmpi eq, %broadcast_in_dim3A_500, %iota3A : vector<256x128xi32>
    %convert_element_type3A_502 = arith.extui %eq3A_501 : vector<256x128xi1> to vector<256x128xi32>
    %convert_element_type3A_503 = arith.sitofp %convert_element_type3A_502 : vector<256x128xi32> to vector<256x128xf32>
    %reduce_sum3A_504 = arith.constant dense<0.000000e+00> : vector<128xf32>
    %reduce_sum3A_505 = vector.multi_reduction <add>, %convert_element_type3A_503, %reduce_sum3A_504 [0] : vector<256x128xf32> to vector<128xf32>
    %broadcast_in_dim3A_506 = vector.shape_cast %reduce_sum3A_505 : vector<128xf32> to vector<1x128xf32>
    %add3A_507 = arith.addf %add3A_497, %broadcast_in_dim3A_506 : vector<1x128xf32>
    %slice3A_508 = vector.extract_strided_slice %get3A_1 {offsets = [0, 51], sizes = [256, 1], strides = [1, 1]} : vector<256x128xi32> to vector<256x1xi32>
    %broadcast_in_dim3A_509 = vector.shape_cast %slice3A_508 : vector<256x1xi32> to vector<256x1xi32>
    %broadcast_in_dim3A_510 = vector.broadcast %broadcast_in_dim3A_509 : vector<256x1xi32> to vector<256x128xi32>
    %eq3A_511 = arith.cmpi eq, %broadcast_in_dim3A_510, %iota3A : vector<256x128xi32>
    %convert_element_type3A_512 = arith.extui %eq3A_511 : vector<256x128xi1> to vector<256x128xi32>
    %convert_element_type3A_513 = arith.sitofp %convert_element_type3A_512 : vector<256x128xi32> to vector<256x128xf32>
    %reduce_sum3A_514 = arith.constant dense<0.000000e+00> : vector<128xf32>
    %reduce_sum3A_515 = vector.multi_reduction <add>, %convert_element_type3A_513, %reduce_sum3A_514 [0] : vector<256x128xf32> to vector<128xf32>
    %broadcast_in_dim3A_516 = vector.shape_cast %reduce_sum3A_515 : vector<128xf32> to vector<1x128xf32>
    %add3A_517 = arith.addf %add3A_507, %broadcast_in_dim3A_516 : vector<1x128xf32>
    %slice3A_518 = vector.extract_strided_slice %get3A_1 {offsets = [0, 52], sizes = [256, 1], strides = [1, 1]} : vector<256x128xi32> to vector<256x1xi32>
    %broadcast_in_dim3A_519 = vector.shape_cast %slice3A_518 : vector<256x1xi32> to vector<256x1xi32>
    %broadcast_in_dim3A_520 = vector.broadcast %broadcast_in_dim3A_519 : vector<256x1xi32> to vector<256x128xi32>
    %eq3A_521 = arith.cmpi eq, %broadcast_in_dim3A_520, %iota3A : vector<256x128xi32>
    %convert_element_type3A_522 = arith.extui %eq3A_521 : vector<256x128xi1> to vector<256x128xi32>
    %convert_element_type3A_523 = arith.sitofp %convert_element_type3A_522 : vector<256x128xi32> to vector<256x128xf32>
    %reduce_sum3A_524 = arith.constant dense<0.000000e+00> : vector<128xf32>
    %reduce_sum3A_525 = vector.multi_reduction <add>, %convert_element_type3A_523, %reduce_sum3A_524 [0] : vector<256x128xf32> to vector<128xf32>
    %broadcast_in_dim3A_526 = vector.shape_cast %reduce_sum3A_525 : vector<128xf32> to vector<1x128xf32>
    %add3A_527 = arith.addf %add3A_517, %broadcast_in_dim3A_526 : vector<1x128xf32>
    %slice3A_528 = vector.extract_strided_slice %get3A_1 {offsets = [0, 53], sizes = [256, 1], strides = [1, 1]} : vector<256x128xi32> to vector<256x1xi32>
    %broadcast_in_dim3A_529 = vector.shape_cast %slice3A_528 : vector<256x1xi32> to vector<256x1xi32>
    %broadcast_in_dim3A_530 = vector.broadcast %broadcast_in_dim3A_529 : vector<256x1xi32> to vector<256x128xi32>
    %eq3A_531 = arith.cmpi eq, %broadcast_in_dim3A_530, %iota3A : vector<256x128xi32>
    %convert_element_type3A_532 = arith.extui %eq3A_531 : vector<256x128xi1> to vector<256x128xi32>
    %convert_element_type3A_533 = arith.sitofp %convert_element_type3A_532 : vector<256x128xi32> to vector<256x128xf32>
    %reduce_sum3A_534 = arith.constant dense<0.000000e+00> : vector<128xf32>
    %reduce_sum3A_535 = vector.multi_reduction <add>, %convert_element_type3A_533, %reduce_sum3A_534 [0] : vector<256x128xf32> to vector<128xf32>
    %broadcast_in_dim3A_536 = vector.shape_cast %reduce_sum3A_535 : vector<128xf32> to vector<1x128xf32>
    %add3A_537 = arith.addf %add3A_527, %broadcast_in_dim3A_536 : vector<1x128xf32>
    %slice3A_538 = vector.extract_strided_slice %get3A_1 {offsets = [0, 54], sizes = [256, 1], strides = [1, 1]} : vector<256x128xi32> to vector<256x1xi32>
    %broadcast_in_dim3A_539 = vector.shape_cast %slice3A_538 : vector<256x1xi32> to vector<256x1xi32>
    %broadcast_in_dim3A_540 = vector.broadcast %broadcast_in_dim3A_539 : vector<256x1xi32> to vector<256x128xi32>
    %eq3A_541 = arith.cmpi eq, %broadcast_in_dim3A_540, %iota3A : vector<256x128xi32>
    %convert_element_type3A_542 = arith.extui %eq3A_541 : vector<256x128xi1> to vector<256x128xi32>
    %convert_element_type3A_543 = arith.sitofp %convert_element_type3A_542 : vector<256x128xi32> to vector<256x128xf32>
    %reduce_sum3A_544 = arith.constant dense<0.000000e+00> : vector<128xf32>
    %reduce_sum3A_545 = vector.multi_reduction <add>, %convert_element_type3A_543, %reduce_sum3A_544 [0] : vector<256x128xf32> to vector<128xf32>
    %broadcast_in_dim3A_546 = vector.shape_cast %reduce_sum3A_545 : vector<128xf32> to vector<1x128xf32>
    %add3A_547 = arith.addf %add3A_537, %broadcast_in_dim3A_546 : vector<1x128xf32>
    %slice3A_548 = vector.extract_strided_slice %get3A_1 {offsets = [0, 55], sizes = [256, 1], strides = [1, 1]} : vector<256x128xi32> to vector<256x1xi32>
    %broadcast_in_dim3A_549 = vector.shape_cast %slice3A_548 : vector<256x1xi32> to vector<256x1xi32>
    %broadcast_in_dim3A_550 = vector.broadcast %broadcast_in_dim3A_549 : vector<256x1xi32> to vector<256x128xi32>
    %eq3A_551 = arith.cmpi eq, %broadcast_in_dim3A_550, %iota3A : vector<256x128xi32>
    %convert_element_type3A_552 = arith.extui %eq3A_551 : vector<256x128xi1> to vector<256x128xi32>
    %convert_element_type3A_553 = arith.sitofp %convert_element_type3A_552 : vector<256x128xi32> to vector<256x128xf32>
    %reduce_sum3A_554 = arith.constant dense<0.000000e+00> : vector<128xf32>
    %reduce_sum3A_555 = vector.multi_reduction <add>, %convert_element_type3A_553, %reduce_sum3A_554 [0] : vector<256x128xf32> to vector<128xf32>
    %broadcast_in_dim3A_556 = vector.shape_cast %reduce_sum3A_555 : vector<128xf32> to vector<1x128xf32>
    %add3A_557 = arith.addf %add3A_547, %broadcast_in_dim3A_556 : vector<1x128xf32>
    %slice3A_558 = vector.extract_strided_slice %get3A_1 {offsets = [0, 56], sizes = [256, 1], strides = [1, 1]} : vector<256x128xi32> to vector<256x1xi32>
    %broadcast_in_dim3A_559 = vector.shape_cast %slice3A_558 : vector<256x1xi32> to vector<256x1xi32>
    %broadcast_in_dim3A_560 = vector.broadcast %broadcast_in_dim3A_559 : vector<256x1xi32> to vector<256x128xi32>
    %eq3A_561 = arith.cmpi eq, %broadcast_in_dim3A_560, %iota3A : vector<256x128xi32>
    %convert_element_type3A_562 = arith.extui %eq3A_561 : vector<256x128xi1> to vector<256x128xi32>
    %convert_element_type3A_563 = arith.sitofp %convert_element_type3A_562 : vector<256x128xi32> to vector<256x128xf32>
    %reduce_sum3A_564 = arith.constant dense<0.000000e+00> : vector<128xf32>
    %reduce_sum3A_565 = vector.multi_reduction <add>, %convert_element_type3A_563, %reduce_sum3A_564 [0] : vector<256x128xf32> to vector<128xf32>
    %broadcast_in_dim3A_566 = vector.shape_cast %reduce_sum3A_565 : vector<128xf32> to vector<1x128xf32>
    %add3A_567 = arith.addf %add3A_557, %broadcast_in_dim3A_566 : vector<1x128xf32>
    %slice3A_568 = vector.extract_strided_slice %get3A_1 {offsets = [0, 57], sizes = [256, 1], strides = [1, 1]} : vector<256x128xi32> to vector<256x1xi32>
    %broadcast_in_dim3A_569 = vector.shape_cast %slice3A_568 : vector<256x1xi32> to vector<256x1xi32>
    %broadcast_in_dim3A_570 = vector.broadcast %broadcast_in_dim3A_569 : vector<256x1xi32> to vector<256x128xi32>
    %eq3A_571 = arith.cmpi eq, %broadcast_in_dim3A_570, %iota3A : vector<256x128xi32>
    %convert_element_type3A_572 = arith.extui %eq3A_571 : vector<256x128xi1> to vector<256x128xi32>
    %convert_element_type3A_573 = arith.sitofp %convert_element_type3A_572 : vector<256x128xi32> to vector<256x128xf32>
    %reduce_sum3A_574 = arith.constant dense<0.000000e+00> : vector<128xf32>
    %reduce_sum3A_575 = vector.multi_reduction <add>, %convert_element_type3A_573, %reduce_sum3A_574 [0] : vector<256x128xf32> to vector<128xf32>
    %broadcast_in_dim3A_576 = vector.shape_cast %reduce_sum3A_575 : vector<128xf32> to vector<1x128xf32>
    %add3A_577 = arith.addf %add3A_567, %broadcast_in_dim3A_576 : vector<1x128xf32>
    %slice3A_578 = vector.extract_strided_slice %get3A_1 {offsets = [0, 58], sizes = [256, 1], strides = [1, 1]} : vector<256x128xi32> to vector<256x1xi32>
    %broadcast_in_dim3A_579 = vector.shape_cast %slice3A_578 : vector<256x1xi32> to vector<256x1xi32>
    %broadcast_in_dim3A_580 = vector.broadcast %broadcast_in_dim3A_579 : vector<256x1xi32> to vector<256x128xi32>
    %eq3A_581 = arith.cmpi eq, %broadcast_in_dim3A_580, %iota3A : vector<256x128xi32>
    %convert_element_type3A_582 = arith.extui %eq3A_581 : vector<256x128xi1> to vector<256x128xi32>
    %convert_element_type3A_583 = arith.sitofp %convert_element_type3A_582 : vector<256x128xi32> to vector<256x128xf32>
    %reduce_sum3A_584 = arith.constant dense<0.000000e+00> : vector<128xf32>
    %reduce_sum3A_585 = vector.multi_reduction <add>, %convert_element_type3A_583, %reduce_sum3A_584 [0] : vector<256x128xf32> to vector<128xf32>
    %broadcast_in_dim3A_586 = vector.shape_cast %reduce_sum3A_585 : vector<128xf32> to vector<1x128xf32>
    %add3A_587 = arith.addf %add3A_577, %broadcast_in_dim3A_586 : vector<1x128xf32>
    %slice3A_588 = vector.extract_strided_slice %get3A_1 {offsets = [0, 59], sizes = [256, 1], strides = [1, 1]} : vector<256x128xi32> to vector<256x1xi32>
    %broadcast_in_dim3A_589 = vector.shape_cast %slice3A_588 : vector<256x1xi32> to vector<256x1xi32>
    %broadcast_in_dim3A_590 = vector.broadcast %broadcast_in_dim3A_589 : vector<256x1xi32> to vector<256x128xi32>
    %eq3A_591 = arith.cmpi eq, %broadcast_in_dim3A_590, %iota3A : vector<256x128xi32>
    %convert_element_type3A_592 = arith.extui %eq3A_591 : vector<256x128xi1> to vector<256x128xi32>
    %convert_element_type3A_593 = arith.sitofp %convert_element_type3A_592 : vector<256x128xi32> to vector<256x128xf32>
    %reduce_sum3A_594 = arith.constant dense<0.000000e+00> : vector<128xf32>
    %reduce_sum3A_595 = vector.multi_reduction <add>, %convert_element_type3A_593, %reduce_sum3A_594 [0] : vector<256x128xf32> to vector<128xf32>
    %broadcast_in_dim3A_596 = vector.shape_cast %reduce_sum3A_595 : vector<128xf32> to vector<1x128xf32>
    %add3A_597 = arith.addf %add3A_587, %broadcast_in_dim3A_596 : vector<1x128xf32>
    %slice3A_598 = vector.extract_strided_slice %get3A_1 {offsets = [0, 60], sizes = [256, 1], strides = [1, 1]} : vector<256x128xi32> to vector<256x1xi32>
    %broadcast_in_dim3A_599 = vector.shape_cast %slice3A_598 : vector<256x1xi32> to vector<256x1xi32>
    %broadcast_in_dim3A_600 = vector.broadcast %broadcast_in_dim3A_599 : vector<256x1xi32> to vector<256x128xi32>
    %eq3A_601 = arith.cmpi eq, %broadcast_in_dim3A_600, %iota3A : vector<256x128xi32>
    %convert_element_type3A_602 = arith.extui %eq3A_601 : vector<256x128xi1> to vector<256x128xi32>
    %convert_element_type3A_603 = arith.sitofp %convert_element_type3A_602 : vector<256x128xi32> to vector<256x128xf32>
    %reduce_sum3A_604 = arith.constant dense<0.000000e+00> : vector<128xf32>
    %reduce_sum3A_605 = vector.multi_reduction <add>, %convert_element_type3A_603, %reduce_sum3A_604 [0] : vector<256x128xf32> to vector<128xf32>
    %broadcast_in_dim3A_606 = vector.shape_cast %reduce_sum3A_605 : vector<128xf32> to vector<1x128xf32>
    %add3A_607 = arith.addf %add3A_597, %broadcast_in_dim3A_606 : vector<1x128xf32>
    %slice3A_608 = vector.extract_strided_slice %get3A_1 {offsets = [0, 61], sizes = [256, 1], strides = [1, 1]} : vector<256x128xi32> to vector<256x1xi32>
    %broadcast_in_dim3A_609 = vector.shape_cast %slice3A_608 : vector<256x1xi32> to vector<256x1xi32>
    %broadcast_in_dim3A_610 = vector.broadcast %broadcast_in_dim3A_609 : vector<256x1xi32> to vector<256x128xi32>
    %eq3A_611 = arith.cmpi eq, %broadcast_in_dim3A_610, %iota3A : vector<256x128xi32>
    %convert_element_type3A_612 = arith.extui %eq3A_611 : vector<256x128xi1> to vector<256x128xi32>
    %convert_element_type3A_613 = arith.sitofp %convert_element_type3A_612 : vector<256x128xi32> to vector<256x128xf32>
    %reduce_sum3A_614 = arith.constant dense<0.000000e+00> : vector<128xf32>
    %reduce_sum3A_615 = vector.multi_reduction <add>, %convert_element_type3A_613, %reduce_sum3A_614 [0] : vector<256x128xf32> to vector<128xf32>
    %broadcast_in_dim3A_616 = vector.shape_cast %reduce_sum3A_615 : vector<128xf32> to vector<1x128xf32>
    %add3A_617 = arith.addf %add3A_607, %broadcast_in_dim3A_616 : vector<1x128xf32>
    %slice3A_618 = vector.extract_strided_slice %get3A_1 {offsets = [0, 62], sizes = [256, 1], strides = [1, 1]} : vector<256x128xi32> to vector<256x1xi32>
    %broadcast_in_dim3A_619 = vector.shape_cast %slice3A_618 : vector<256x1xi32> to vector<256x1xi32>
    %broadcast_in_dim3A_620 = vector.broadcast %broadcast_in_dim3A_619 : vector<256x1xi32> to vector<256x128xi32>
    %eq3A_621 = arith.cmpi eq, %broadcast_in_dim3A_620, %iota3A : vector<256x128xi32>
    %convert_element_type3A_622 = arith.extui %eq3A_621 : vector<256x128xi1> to vector<256x128xi32>
    %convert_element_type3A_623 = arith.sitofp %convert_element_type3A_622 : vector<256x128xi32> to vector<256x128xf32>
    %reduce_sum3A_624 = arith.constant dense<0.000000e+00> : vector<128xf32>
    %reduce_sum3A_625 = vector.multi_reduction <add>, %convert_element_type3A_623, %reduce_sum3A_624 [0] : vector<256x128xf32> to vector<128xf32>
    %broadcast_in_dim3A_626 = vector.shape_cast %reduce_sum3A_625 : vector<128xf32> to vector<1x128xf32>
    %add3A_627 = arith.addf %add3A_617, %broadcast_in_dim3A_626 : vector<1x128xf32>
    %slice3A_628 = vector.extract_strided_slice %get3A_1 {offsets = [0, 63], sizes = [256, 1], strides = [1, 1]} : vector<256x128xi32> to vector<256x1xi32>
    %broadcast_in_dim3A_629 = vector.shape_cast %slice3A_628 : vector<256x1xi32> to vector<256x1xi32>
    %broadcast_in_dim3A_630 = vector.broadcast %broadcast_in_dim3A_629 : vector<256x1xi32> to vector<256x128xi32>
    %eq3A_631 = arith.cmpi eq, %broadcast_in_dim3A_630, %iota3A : vector<256x128xi32>
    %convert_element_type3A_632 = arith.extui %eq3A_631 : vector<256x128xi1> to vector<256x128xi32>
    %convert_element_type3A_633 = arith.sitofp %convert_element_type3A_632 : vector<256x128xi32> to vector<256x128xf32>
    %reduce_sum3A_634 = arith.constant dense<0.000000e+00> : vector<128xf32>
    %reduce_sum3A_635 = vector.multi_reduction <add>, %convert_element_type3A_633, %reduce_sum3A_634 [0] : vector<256x128xf32> to vector<128xf32>
    %broadcast_in_dim3A_636 = vector.shape_cast %reduce_sum3A_635 : vector<128xf32> to vector<1x128xf32>
    %add3A_637 = arith.addf %add3A_627, %broadcast_in_dim3A_636 : vector<1x128xf32>
    %slice3A_638 = vector.extract_strided_slice %get3A_1 {offsets = [0, 64], sizes = [256, 1], strides = [1, 1]} : vector<256x128xi32> to vector<256x1xi32>
    %broadcast_in_dim3A_639 = vector.shape_cast %slice3A_638 : vector<256x1xi32> to vector<256x1xi32>
    %broadcast_in_dim3A_640 = vector.broadcast %broadcast_in_dim3A_639 : vector<256x1xi32> to vector<256x128xi32>
    %eq3A_641 = arith.cmpi eq, %broadcast_in_dim3A_640, %iota3A : vector<256x128xi32>
    %convert_element_type3A_642 = arith.extui %eq3A_641 : vector<256x128xi1> to vector<256x128xi32>
    %convert_element_type3A_643 = arith.sitofp %convert_element_type3A_642 : vector<256x128xi32> to vector<256x128xf32>
    %reduce_sum3A_644 = arith.constant dense<0.000000e+00> : vector<128xf32>
    %reduce_sum3A_645 = vector.multi_reduction <add>, %convert_element_type3A_643, %reduce_sum3A_644 [0] : vector<256x128xf32> to vector<128xf32>
    %broadcast_in_dim3A_646 = vector.shape_cast %reduce_sum3A_645 : vector<128xf32> to vector<1x128xf32>
    %add3A_647 = arith.addf %add3A_637, %broadcast_in_dim3A_646 : vector<1x128xf32>
    %slice3A_648 = vector.extract_strided_slice %get3A_1 {offsets = [0, 65], sizes = [256, 1], strides = [1, 1]} : vector<256x128xi32> to vector<256x1xi32>
    %broadcast_in_dim3A_649 = vector.shape_cast %slice3A_648 : vector<256x1xi32> to vector<256x1xi32>
    %broadcast_in_dim3A_650 = vector.broadcast %broadcast_in_dim3A_649 : vector<256x1xi32> to vector<256x128xi32>
    %eq3A_651 = arith.cmpi eq, %broadcast_in_dim3A_650, %iota3A : vector<256x128xi32>
    %convert_element_type3A_652 = arith.extui %eq3A_651 : vector<256x128xi1> to vector<256x128xi32>
    %convert_element_type3A_653 = arith.sitofp %convert_element_type3A_652 : vector<256x128xi32> to vector<256x128xf32>
    %reduce_sum3A_654 = arith.constant dense<0.000000e+00> : vector<128xf32>
    %reduce_sum3A_655 = vector.multi_reduction <add>, %convert_element_type3A_653, %reduce_sum3A_654 [0] : vector<256x128xf32> to vector<128xf32>
    %broadcast_in_dim3A_656 = vector.shape_cast %reduce_sum3A_655 : vector<128xf32> to vector<1x128xf32>
    %add3A_657 = arith.addf %add3A_647, %broadcast_in_dim3A_656 : vector<1x128xf32>
    %slice3A_658 = vector.extract_strided_slice %get3A_1 {offsets = [0, 66], sizes = [256, 1], strides = [1, 1]} : vector<256x128xi32> to vector<256x1xi32>
    %broadcast_in_dim3A_659 = vector.shape_cast %slice3A_658 : vector<256x1xi32> to vector<256x1xi32>
    %broadcast_in_dim3A_660 = vector.broadcast %broadcast_in_dim3A_659 : vector<256x1xi32> to vector<256x128xi32>
    %eq3A_661 = arith.cmpi eq, %broadcast_in_dim3A_660, %iota3A : vector<256x128xi32>
    %convert_element_type3A_662 = arith.extui %eq3A_661 : vector<256x128xi1> to vector<256x128xi32>
    %convert_element_type3A_663 = arith.sitofp %convert_element_type3A_662 : vector<256x128xi32> to vector<256x128xf32>
    %reduce_sum3A_664 = arith.constant dense<0.000000e+00> : vector<128xf32>
    %reduce_sum3A_665 = vector.multi_reduction <add>, %convert_element_type3A_663, %reduce_sum3A_664 [0] : vector<256x128xf32> to vector<128xf32>
    %broadcast_in_dim3A_666 = vector.shape_cast %reduce_sum3A_665 : vector<128xf32> to vector<1x128xf32>
    %add3A_667 = arith.addf %add3A_657, %broadcast_in_dim3A_666 : vector<1x128xf32>
    %slice3A_668 = vector.extract_strided_slice %get3A_1 {offsets = [0, 67], sizes = [256, 1], strides = [1, 1]} : vector<256x128xi32> to vector<256x1xi32>
    %broadcast_in_dim3A_669 = vector.shape_cast %slice3A_668 : vector<256x1xi32> to vector<256x1xi32>
    %broadcast_in_dim3A_670 = vector.broadcast %broadcast_in_dim3A_669 : vector<256x1xi32> to vector<256x128xi32>
    %eq3A_671 = arith.cmpi eq, %broadcast_in_dim3A_670, %iota3A : vector<256x128xi32>
    %convert_element_type3A_672 = arith.extui %eq3A_671 : vector<256x128xi1> to vector<256x128xi32>
    %convert_element_type3A_673 = arith.sitofp %convert_element_type3A_672 : vector<256x128xi32> to vector<256x128xf32>
    %reduce_sum3A_674 = arith.constant dense<0.000000e+00> : vector<128xf32>
    %reduce_sum3A_675 = vector.multi_reduction <add>, %convert_element_type3A_673, %reduce_sum3A_674 [0] : vector<256x128xf32> to vector<128xf32>
    %broadcast_in_dim3A_676 = vector.shape_cast %reduce_sum3A_675 : vector<128xf32> to vector<1x128xf32>
    %add3A_677 = arith.addf %add3A_667, %broadcast_in_dim3A_676 : vector<1x128xf32>
    %slice3A_678 = vector.extract_strided_slice %get3A_1 {offsets = [0, 68], sizes = [256, 1], strides = [1, 1]} : vector<256x128xi32> to vector<256x1xi32>
    %broadcast_in_dim3A_679 = vector.shape_cast %slice3A_678 : vector<256x1xi32> to vector<256x1xi32>
    %broadcast_in_dim3A_680 = vector.broadcast %broadcast_in_dim3A_679 : vector<256x1xi32> to vector<256x128xi32>
    %eq3A_681 = arith.cmpi eq, %broadcast_in_dim3A_680, %iota3A : vector<256x128xi32>
    %convert_element_type3A_682 = arith.extui %eq3A_681 : vector<256x128xi1> to vector<256x128xi32>
    %convert_element_type3A_683 = arith.sitofp %convert_element_type3A_682 : vector<256x128xi32> to vector<256x128xf32>
    %reduce_sum3A_684 = arith.constant dense<0.000000e+00> : vector<128xf32>
    %reduce_sum3A_685 = vector.multi_reduction <add>, %convert_element_type3A_683, %reduce_sum3A_684 [0] : vector<256x128xf32> to vector<128xf32>
    %broadcast_in_dim3A_686 = vector.shape_cast %reduce_sum3A_685 : vector<128xf32> to vector<1x128xf32>
    %add3A_687 = arith.addf %add3A_677, %broadcast_in_dim3A_686 : vector<1x128xf32>
    %slice3A_688 = vector.extract_strided_slice %get3A_1 {offsets = [0, 69], sizes = [256, 1], strides = [1, 1]} : vector<256x128xi32> to vector<256x1xi32>
    %broadcast_in_dim3A_689 = vector.shape_cast %slice3A_688 : vector<256x1xi32> to vector<256x1xi32>
    %broadcast_in_dim3A_690 = vector.broadcast %broadcast_in_dim3A_689 : vector<256x1xi32> to vector<256x128xi32>
    %eq3A_691 = arith.cmpi eq, %broadcast_in_dim3A_690, %iota3A : vector<256x128xi32>
    %convert_element_type3A_692 = arith.extui %eq3A_691 : vector<256x128xi1> to vector<256x128xi32>
    %convert_element_type3A_693 = arith.sitofp %convert_element_type3A_692 : vector<256x128xi32> to vector<256x128xf32>
    %reduce_sum3A_694 = arith.constant dense<0.000000e+00> : vector<128xf32>
    %reduce_sum3A_695 = vector.multi_reduction <add>, %convert_element_type3A_693, %reduce_sum3A_694 [0] : vector<256x128xf32> to vector<128xf32>
    %broadcast_in_dim3A_696 = vector.shape_cast %reduce_sum3A_695 : vector<128xf32> to vector<1x128xf32>
    %add3A_697 = arith.addf %add3A_687, %broadcast_in_dim3A_696 : vector<1x128xf32>
    %slice3A_698 = vector.extract_strided_slice %get3A_1 {offsets = [0, 70], sizes = [256, 1], strides = [1, 1]} : vector<256x128xi32> to vector<256x1xi32>
    %broadcast_in_dim3A_699 = vector.shape_cast %slice3A_698 : vector<256x1xi32> to vector<256x1xi32>
    %broadcast_in_dim3A_700 = vector.broadcast %broadcast_in_dim3A_699 : vector<256x1xi32> to vector<256x128xi32>
    %eq3A_701 = arith.cmpi eq, %broadcast_in_dim3A_700, %iota3A : vector<256x128xi32>
    %convert_element_type3A_702 = arith.extui %eq3A_701 : vector<256x128xi1> to vector<256x128xi32>
    %convert_element_type3A_703 = arith.sitofp %convert_element_type3A_702 : vector<256x128xi32> to vector<256x128xf32>
    %reduce_sum3A_704 = arith.constant dense<0.000000e+00> : vector<128xf32>
    %reduce_sum3A_705 = vector.multi_reduction <add>, %convert_element_type3A_703, %reduce_sum3A_704 [0] : vector<256x128xf32> to vector<128xf32>
    %broadcast_in_dim3A_706 = vector.shape_cast %reduce_sum3A_705 : vector<128xf32> to vector<1x128xf32>
    %add3A_707 = arith.addf %add3A_697, %broadcast_in_dim3A_706 : vector<1x128xf32>
    %slice3A_708 = vector.extract_strided_slice %get3A_1 {offsets = [0, 71], sizes = [256, 1], strides = [1, 1]} : vector<256x128xi32> to vector<256x1xi32>
    %broadcast_in_dim3A_709 = vector.shape_cast %slice3A_708 : vector<256x1xi32> to vector<256x1xi32>
    %broadcast_in_dim3A_710 = vector.broadcast %broadcast_in_dim3A_709 : vector<256x1xi32> to vector<256x128xi32>
    %eq3A_711 = arith.cmpi eq, %broadcast_in_dim3A_710, %iota3A : vector<256x128xi32>
    %convert_element_type3A_712 = arith.extui %eq3A_711 : vector<256x128xi1> to vector<256x128xi32>
    %convert_element_type3A_713 = arith.sitofp %convert_element_type3A_712 : vector<256x128xi32> to vector<256x128xf32>
    %reduce_sum3A_714 = arith.constant dense<0.000000e+00> : vector<128xf32>
    %reduce_sum3A_715 = vector.multi_reduction <add>, %convert_element_type3A_713, %reduce_sum3A_714 [0] : vector<256x128xf32> to vector<128xf32>
    %broadcast_in_dim3A_716 = vector.shape_cast %reduce_sum3A_715 : vector<128xf32> to vector<1x128xf32>
    %add3A_717 = arith.addf %add3A_707, %broadcast_in_dim3A_716 : vector<1x128xf32>
    %slice3A_718 = vector.extract_strided_slice %get3A_1 {offsets = [0, 72], sizes = [256, 1], strides = [1, 1]} : vector<256x128xi32> to vector<256x1xi32>
    %broadcast_in_dim3A_719 = vector.shape_cast %slice3A_718 : vector<256x1xi32> to vector<256x1xi32>
    %broadcast_in_dim3A_720 = vector.broadcast %broadcast_in_dim3A_719 : vector<256x1xi32> to vector<256x128xi32>
    %eq3A_721 = arith.cmpi eq, %broadcast_in_dim3A_720, %iota3A : vector<256x128xi32>
    %convert_element_type3A_722 = arith.extui %eq3A_721 : vector<256x128xi1> to vector<256x128xi32>
    %convert_element_type3A_723 = arith.sitofp %convert_element_type3A_722 : vector<256x128xi32> to vector<256x128xf32>
    %reduce_sum3A_724 = arith.constant dense<0.000000e+00> : vector<128xf32>
    %reduce_sum3A_725 = vector.multi_reduction <add>, %convert_element_type3A_723, %reduce_sum3A_724 [0] : vector<256x128xf32> to vector<128xf32>
    %broadcast_in_dim3A_726 = vector.shape_cast %reduce_sum3A_725 : vector<128xf32> to vector<1x128xf32>
    %add3A_727 = arith.addf %add3A_717, %broadcast_in_dim3A_726 : vector<1x128xf32>
    %slice3A_728 = vector.extract_strided_slice %get3A_1 {offsets = [0, 73], sizes = [256, 1], strides = [1, 1]} : vector<256x128xi32> to vector<256x1xi32>
    %broadcast_in_dim3A_729 = vector.shape_cast %slice3A_728 : vector<256x1xi32> to vector<256x1xi32>
    %broadcast_in_dim3A_730 = vector.broadcast %broadcast_in_dim3A_729 : vector<256x1xi32> to vector<256x128xi32>
    %eq3A_731 = arith.cmpi eq, %broadcast_in_dim3A_730, %iota3A : vector<256x128xi32>
    %convert_element_type3A_732 = arith.extui %eq3A_731 : vector<256x128xi1> to vector<256x128xi32>
    %convert_element_type3A_733 = arith.sitofp %convert_element_type3A_732 : vector<256x128xi32> to vector<256x128xf32>
    %reduce_sum3A_734 = arith.constant dense<0.000000e+00> : vector<128xf32>
    %reduce_sum3A_735 = vector.multi_reduction <add>, %convert_element_type3A_733, %reduce_sum3A_734 [0] : vector<256x128xf32> to vector<128xf32>
    %broadcast_in_dim3A_736 = vector.shape_cast %reduce_sum3A_735 : vector<128xf32> to vector<1x128xf32>
    %add3A_737 = arith.addf %add3A_727, %broadcast_in_dim3A_736 : vector<1x128xf32>
    %slice3A_738 = vector.extract_strided_slice %get3A_1 {offsets = [0, 74], sizes = [256, 1], strides = [1, 1]} : vector<256x128xi32> to vector<256x1xi32>
    %broadcast_in_dim3A_739 = vector.shape_cast %slice3A_738 : vector<256x1xi32> to vector<256x1xi32>
    %broadcast_in_dim3A_740 = vector.broadcast %broadcast_in_dim3A_739 : vector<256x1xi32> to vector<256x128xi32>
    %eq3A_741 = arith.cmpi eq, %broadcast_in_dim3A_740, %iota3A : vector<256x128xi32>
    %convert_element_type3A_742 = arith.extui %eq3A_741 : vector<256x128xi1> to vector<256x128xi32>
    %convert_element_type3A_743 = arith.sitofp %convert_element_type3A_742 : vector<256x128xi32> to vector<256x128xf32>
    %reduce_sum3A_744 = arith.constant dense<0.000000e+00> : vector<128xf32>
    %reduce_sum3A_745 = vector.multi_reduction <add>, %convert_element_type3A_743, %reduce_sum3A_744 [0] : vector<256x128xf32> to vector<128xf32>
    %broadcast_in_dim3A_746 = vector.shape_cast %reduce_sum3A_745 : vector<128xf32> to vector<1x128xf32>
    %add3A_747 = arith.addf %add3A_737, %broadcast_in_dim3A_746 : vector<1x128xf32>
    %slice3A_748 = vector.extract_strided_slice %get3A_1 {offsets = [0, 75], sizes = [256, 1], strides = [1, 1]} : vector<256x128xi32> to vector<256x1xi32>
    %broadcast_in_dim3A_749 = vector.shape_cast %slice3A_748 : vector<256x1xi32> to vector<256x1xi32>
    %broadcast_in_dim3A_750 = vector.broadcast %broadcast_in_dim3A_749 : vector<256x1xi32> to vector<256x128xi32>
    %eq3A_751 = arith.cmpi eq, %broadcast_in_dim3A_750, %iota3A : vector<256x128xi32>
    %convert_element_type3A_752 = arith.extui %eq3A_751 : vector<256x128xi1> to vector<256x128xi32>
    %convert_element_type3A_753 = arith.sitofp %convert_element_type3A_752 : vector<256x128xi32> to vector<256x128xf32>
    %reduce_sum3A_754 = arith.constant dense<0.000000e+00> : vector<128xf32>
    %reduce_sum3A_755 = vector.multi_reduction <add>, %convert_element_type3A_753, %reduce_sum3A_754 [0] : vector<256x128xf32> to vector<128xf32>
    %broadcast_in_dim3A_756 = vector.shape_cast %reduce_sum3A_755 : vector<128xf32> to vector<1x128xf32>
    %add3A_757 = arith.addf %add3A_747, %broadcast_in_dim3A_756 : vector<1x128xf32>
    %slice3A_758 = vector.extract_strided_slice %get3A_1 {offsets = [0, 76], sizes = [256, 1], strides = [1, 1]} : vector<256x128xi32> to vector<256x1xi32>
    %broadcast_in_dim3A_759 = vector.shape_cast %slice3A_758 : vector<256x1xi32> to vector<256x1xi32>
    %broadcast_in_dim3A_760 = vector.broadcast %broadcast_in_dim3A_759 : vector<256x1xi32> to vector<256x128xi32>
    %eq3A_761 = arith.cmpi eq, %broadcast_in_dim3A_760, %iota3A : vector<256x128xi32>
    %convert_element_type3A_762 = arith.extui %eq3A_761 : vector<256x128xi1> to vector<256x128xi32>
    %convert_element_type3A_763 = arith.sitofp %convert_element_type3A_762 : vector<256x128xi32> to vector<256x128xf32>
    %reduce_sum3A_764 = arith.constant dense<0.000000e+00> : vector<128xf32>
    %reduce_sum3A_765 = vector.multi_reduction <add>, %convert_element_type3A_763, %reduce_sum3A_764 [0] : vector<256x128xf32> to vector<128xf32>
    %broadcast_in_dim3A_766 = vector.shape_cast %reduce_sum3A_765 : vector<128xf32> to vector<1x128xf32>
    %add3A_767 = arith.addf %add3A_757, %broadcast_in_dim3A_766 : vector<1x128xf32>
    %slice3A_768 = vector.extract_strided_slice %get3A_1 {offsets = [0, 77], sizes = [256, 1], strides = [1, 1]} : vector<256x128xi32> to vector<256x1xi32>
    %broadcast_in_dim3A_769 = vector.shape_cast %slice3A_768 : vector<256x1xi32> to vector<256x1xi32>
    %broadcast_in_dim3A_770 = vector.broadcast %broadcast_in_dim3A_769 : vector<256x1xi32> to vector<256x128xi32>
    %eq3A_771 = arith.cmpi eq, %broadcast_in_dim3A_770, %iota3A : vector<256x128xi32>
    %convert_element_type3A_772 = arith.extui %eq3A_771 : vector<256x128xi1> to vector<256x128xi32>
    %convert_element_type3A_773 = arith.sitofp %convert_element_type3A_772 : vector<256x128xi32> to vector<256x128xf32>
    %reduce_sum3A_774 = arith.constant dense<0.000000e+00> : vector<128xf32>
    %reduce_sum3A_775 = vector.multi_reduction <add>, %convert_element_type3A_773, %reduce_sum3A_774 [0] : vector<256x128xf32> to vector<128xf32>
    %broadcast_in_dim3A_776 = vector.shape_cast %reduce_sum3A_775 : vector<128xf32> to vector<1x128xf32>
    %add3A_777 = arith.addf %add3A_767, %broadcast_in_dim3A_776 : vector<1x128xf32>
    %slice3A_778 = vector.extract_strided_slice %get3A_1 {offsets = [0, 78], sizes = [256, 1], strides = [1, 1]} : vector<256x128xi32> to vector<256x1xi32>
    %broadcast_in_dim3A_779 = vector.shape_cast %slice3A_778 : vector<256x1xi32> to vector<256x1xi32>
    %broadcast_in_dim3A_780 = vector.broadcast %broadcast_in_dim3A_779 : vector<256x1xi32> to vector<256x128xi32>
    %eq3A_781 = arith.cmpi eq, %broadcast_in_dim3A_780, %iota3A : vector<256x128xi32>
    %convert_element_type3A_782 = arith.extui %eq3A_781 : vector<256x128xi1> to vector<256x128xi32>
    %convert_element_type3A_783 = arith.sitofp %convert_element_type3A_782 : vector<256x128xi32> to vector<256x128xf32>
    %reduce_sum3A_784 = arith.constant dense<0.000000e+00> : vector<128xf32>
    %reduce_sum3A_785 = vector.multi_reduction <add>, %convert_element_type3A_783, %reduce_sum3A_784 [0] : vector<256x128xf32> to vector<128xf32>
    %broadcast_in_dim3A_786 = vector.shape_cast %reduce_sum3A_785 : vector<128xf32> to vector<1x128xf32>
    %add3A_787 = arith.addf %add3A_777, %broadcast_in_dim3A_786 : vector<1x128xf32>
    %slice3A_788 = vector.extract_strided_slice %get3A_1 {offsets = [0, 79], sizes = [256, 1], strides = [1, 1]} : vector<256x128xi32> to vector<256x1xi32>
    %broadcast_in_dim3A_789 = vector.shape_cast %slice3A_788 : vector<256x1xi32> to vector<256x1xi32>
    %broadcast_in_dim3A_790 = vector.broadcast %broadcast_in_dim3A_789 : vector<256x1xi32> to vector<256x128xi32>
    %eq3A_791 = arith.cmpi eq, %broadcast_in_dim3A_790, %iota3A : vector<256x128xi32>
    %convert_element_type3A_792 = arith.extui %eq3A_791 : vector<256x128xi1> to vector<256x128xi32>
    %convert_element_type3A_793 = arith.sitofp %convert_element_type3A_792 : vector<256x128xi32> to vector<256x128xf32>
    %reduce_sum3A_794 = arith.constant dense<0.000000e+00> : vector<128xf32>
    %reduce_sum3A_795 = vector.multi_reduction <add>, %convert_element_type3A_793, %reduce_sum3A_794 [0] : vector<256x128xf32> to vector<128xf32>
    %broadcast_in_dim3A_796 = vector.shape_cast %reduce_sum3A_795 : vector<128xf32> to vector<1x128xf32>
    %add3A_797 = arith.addf %add3A_787, %broadcast_in_dim3A_796 : vector<1x128xf32>
    %slice3A_798 = vector.extract_strided_slice %get3A_1 {offsets = [0, 80], sizes = [256, 1], strides = [1, 1]} : vector<256x128xi32> to vector<256x1xi32>
    %broadcast_in_dim3A_799 = vector.shape_cast %slice3A_798 : vector<256x1xi32> to vector<256x1xi32>
    %broadcast_in_dim3A_800 = vector.broadcast %broadcast_in_dim3A_799 : vector<256x1xi32> to vector<256x128xi32>
    %eq3A_801 = arith.cmpi eq, %broadcast_in_dim3A_800, %iota3A : vector<256x128xi32>
    %convert_element_type3A_802 = arith.extui %eq3A_801 : vector<256x128xi1> to vector<256x128xi32>
    %convert_element_type3A_803 = arith.sitofp %convert_element_type3A_802 : vector<256x128xi32> to vector<256x128xf32>
    %reduce_sum3A_804 = arith.constant dense<0.000000e+00> : vector<128xf32>
    %reduce_sum3A_805 = vector.multi_reduction <add>, %convert_element_type3A_803, %reduce_sum3A_804 [0] : vector<256x128xf32> to vector<128xf32>
    %broadcast_in_dim3A_806 = vector.shape_cast %reduce_sum3A_805 : vector<128xf32> to vector<1x128xf32>
    %add3A_807 = arith.addf %add3A_797, %broadcast_in_dim3A_806 : vector<1x128xf32>
    %slice3A_808 = vector.extract_strided_slice %get3A_1 {offsets = [0, 81], sizes = [256, 1], strides = [1, 1]} : vector<256x128xi32> to vector<256x1xi32>
    %broadcast_in_dim3A_809 = vector.shape_cast %slice3A_808 : vector<256x1xi32> to vector<256x1xi32>
    %broadcast_in_dim3A_810 = vector.broadcast %broadcast_in_dim3A_809 : vector<256x1xi32> to vector<256x128xi32>
    %eq3A_811 = arith.cmpi eq, %broadcast_in_dim3A_810, %iota3A : vector<256x128xi32>
    %convert_element_type3A_812 = arith.extui %eq3A_811 : vector<256x128xi1> to vector<256x128xi32>
    %convert_element_type3A_813 = arith.sitofp %convert_element_type3A_812 : vector<256x128xi32> to vector<256x128xf32>
    %reduce_sum3A_814 = arith.constant dense<0.000000e+00> : vector<128xf32>
    %reduce_sum3A_815 = vector.multi_reduction <add>, %convert_element_type3A_813, %reduce_sum3A_814 [0] : vector<256x128xf32> to vector<128xf32>
    %broadcast_in_dim3A_816 = vector.shape_cast %reduce_sum3A_815 : vector<128xf32> to vector<1x128xf32>
    %add3A_817 = arith.addf %add3A_807, %broadcast_in_dim3A_816 : vector<1x128xf32>
    %slice3A_818 = vector.extract_strided_slice %get3A_1 {offsets = [0, 82], sizes = [256, 1], strides = [1, 1]} : vector<256x128xi32> to vector<256x1xi32>
    %broadcast_in_dim3A_819 = vector.shape_cast %slice3A_818 : vector<256x1xi32> to vector<256x1xi32>
    %broadcast_in_dim3A_820 = vector.broadcast %broadcast_in_dim3A_819 : vector<256x1xi32> to vector<256x128xi32>
    %eq3A_821 = arith.cmpi eq, %broadcast_in_dim3A_820, %iota3A : vector<256x128xi32>
    %convert_element_type3A_822 = arith.extui %eq3A_821 : vector<256x128xi1> to vector<256x128xi32>
    %convert_element_type3A_823 = arith.sitofp %convert_element_type3A_822 : vector<256x128xi32> to vector<256x128xf32>
    %reduce_sum3A_824 = arith.constant dense<0.000000e+00> : vector<128xf32>
    %reduce_sum3A_825 = vector.multi_reduction <add>, %convert_element_type3A_823, %reduce_sum3A_824 [0] : vector<256x128xf32> to vector<128xf32>
    %broadcast_in_dim3A_826 = vector.shape_cast %reduce_sum3A_825 : vector<128xf32> to vector<1x128xf32>
    %add3A_827 = arith.addf %add3A_817, %broadcast_in_dim3A_826 : vector<1x128xf32>
    %slice3A_828 = vector.extract_strided_slice %get3A_1 {offsets = [0, 83], sizes = [256, 1], strides = [1, 1]} : vector<256x128xi32> to vector<256x1xi32>
    %broadcast_in_dim3A_829 = vector.shape_cast %slice3A_828 : vector<256x1xi32> to vector<256x1xi32>
    %broadcast_in_dim3A_830 = vector.broadcast %broadcast_in_dim3A_829 : vector<256x1xi32> to vector<256x128xi32>
    %eq3A_831 = arith.cmpi eq, %broadcast_in_dim3A_830, %iota3A : vector<256x128xi32>
    %convert_element_type3A_832 = arith.extui %eq3A_831 : vector<256x128xi1> to vector<256x128xi32>
    %convert_element_type3A_833 = arith.sitofp %convert_element_type3A_832 : vector<256x128xi32> to vector<256x128xf32>
    %reduce_sum3A_834 = arith.constant dense<0.000000e+00> : vector<128xf32>
    %reduce_sum3A_835 = vector.multi_reduction <add>, %convert_element_type3A_833, %reduce_sum3A_834 [0] : vector<256x128xf32> to vector<128xf32>
    %broadcast_in_dim3A_836 = vector.shape_cast %reduce_sum3A_835 : vector<128xf32> to vector<1x128xf32>
    %add3A_837 = arith.addf %add3A_827, %broadcast_in_dim3A_836 : vector<1x128xf32>
    %slice3A_838 = vector.extract_strided_slice %get3A_1 {offsets = [0, 84], sizes = [256, 1], strides = [1, 1]} : vector<256x128xi32> to vector<256x1xi32>
    %broadcast_in_dim3A_839 = vector.shape_cast %slice3A_838 : vector<256x1xi32> to vector<256x1xi32>
    %broadcast_in_dim3A_840 = vector.broadcast %broadcast_in_dim3A_839 : vector<256x1xi32> to vector<256x128xi32>
    %eq3A_841 = arith.cmpi eq, %broadcast_in_dim3A_840, %iota3A : vector<256x128xi32>
    %convert_element_type3A_842 = arith.extui %eq3A_841 : vector<256x128xi1> to vector<256x128xi32>
    %convert_element_type3A_843 = arith.sitofp %convert_element_type3A_842 : vector<256x128xi32> to vector<256x128xf32>
    %reduce_sum3A_844 = arith.constant dense<0.000000e+00> : vector<128xf32>
    %reduce_sum3A_845 = vector.multi_reduction <add>, %convert_element_type3A_843, %reduce_sum3A_844 [0] : vector<256x128xf32> to vector<128xf32>
    %broadcast_in_dim3A_846 = vector.shape_cast %reduce_sum3A_845 : vector<128xf32> to vector<1x128xf32>
    %add3A_847 = arith.addf %add3A_837, %broadcast_in_dim3A_846 : vector<1x128xf32>
    %slice3A_848 = vector.extract_strided_slice %get3A_1 {offsets = [0, 85], sizes = [256, 1], strides = [1, 1]} : vector<256x128xi32> to vector<256x1xi32>
    %broadcast_in_dim3A_849 = vector.shape_cast %slice3A_848 : vector<256x1xi32> to vector<256x1xi32>
    %broadcast_in_dim3A_850 = vector.broadcast %broadcast_in_dim3A_849 : vector<256x1xi32> to vector<256x128xi32>
    %eq3A_851 = arith.cmpi eq, %broadcast_in_dim3A_850, %iota3A : vector<256x128xi32>
    %convert_element_type3A_852 = arith.extui %eq3A_851 : vector<256x128xi1> to vector<256x128xi32>
    %convert_element_type3A_853 = arith.sitofp %convert_element_type3A_852 : vector<256x128xi32> to vector<256x128xf32>
    %reduce_sum3A_854 = arith.constant dense<0.000000e+00> : vector<128xf32>
    %reduce_sum3A_855 = vector.multi_reduction <add>, %convert_element_type3A_853, %reduce_sum3A_854 [0] : vector<256x128xf32> to vector<128xf32>
    %broadcast_in_dim3A_856 = vector.shape_cast %reduce_sum3A_855 : vector<128xf32> to vector<1x128xf32>
    %add3A_857 = arith.addf %add3A_847, %broadcast_in_dim3A_856 : vector<1x128xf32>
    %slice3A_858 = vector.extract_strided_slice %get3A_1 {offsets = [0, 86], sizes = [256, 1], strides = [1, 1]} : vector<256x128xi32> to vector<256x1xi32>
    %broadcast_in_dim3A_859 = vector.shape_cast %slice3A_858 : vector<256x1xi32> to vector<256x1xi32>
    %broadcast_in_dim3A_860 = vector.broadcast %broadcast_in_dim3A_859 : vector<256x1xi32> to vector<256x128xi32>
    %eq3A_861 = arith.cmpi eq, %broadcast_in_dim3A_860, %iota3A : vector<256x128xi32>
    %convert_element_type3A_862 = arith.extui %eq3A_861 : vector<256x128xi1> to vector<256x128xi32>
    %convert_element_type3A_863 = arith.sitofp %convert_element_type3A_862 : vector<256x128xi32> to vector<256x128xf32>
    %reduce_sum3A_864 = arith.constant dense<0.000000e+00> : vector<128xf32>
    %reduce_sum3A_865 = vector.multi_reduction <add>, %convert_element_type3A_863, %reduce_sum3A_864 [0] : vector<256x128xf32> to vector<128xf32>
    %broadcast_in_dim3A_866 = vector.shape_cast %reduce_sum3A_865 : vector<128xf32> to vector<1x128xf32>
    %add3A_867 = arith.addf %add3A_857, %broadcast_in_dim3A_866 : vector<1x128xf32>
    %slice3A_868 = vector.extract_strided_slice %get3A_1 {offsets = [0, 87], sizes = [256, 1], strides = [1, 1]} : vector<256x128xi32> to vector<256x1xi32>
    %broadcast_in_dim3A_869 = vector.shape_cast %slice3A_868 : vector<256x1xi32> to vector<256x1xi32>
    %broadcast_in_dim3A_870 = vector.broadcast %broadcast_in_dim3A_869 : vector<256x1xi32> to vector<256x128xi32>
    %eq3A_871 = arith.cmpi eq, %broadcast_in_dim3A_870, %iota3A : vector<256x128xi32>
    %convert_element_type3A_872 = arith.extui %eq3A_871 : vector<256x128xi1> to vector<256x128xi32>
    %convert_element_type3A_873 = arith.sitofp %convert_element_type3A_872 : vector<256x128xi32> to vector<256x128xf32>
    %reduce_sum3A_874 = arith.constant dense<0.000000e+00> : vector<128xf32>
    %reduce_sum3A_875 = vector.multi_reduction <add>, %convert_element_type3A_873, %reduce_sum3A_874 [0] : vector<256x128xf32> to vector<128xf32>
    %broadcast_in_dim3A_876 = vector.shape_cast %reduce_sum3A_875 : vector<128xf32> to vector<1x128xf32>
    %add3A_877 = arith.addf %add3A_867, %broadcast_in_dim3A_876 : vector<1x128xf32>
    %slice3A_878 = vector.extract_strided_slice %get3A_1 {offsets = [0, 88], sizes = [256, 1], strides = [1, 1]} : vector<256x128xi32> to vector<256x1xi32>
    %broadcast_in_dim3A_879 = vector.shape_cast %slice3A_878 : vector<256x1xi32> to vector<256x1xi32>
    %broadcast_in_dim3A_880 = vector.broadcast %broadcast_in_dim3A_879 : vector<256x1xi32> to vector<256x128xi32>
    %eq3A_881 = arith.cmpi eq, %broadcast_in_dim3A_880, %iota3A : vector<256x128xi32>
    %convert_element_type3A_882 = arith.extui %eq3A_881 : vector<256x128xi1> to vector<256x128xi32>
    %convert_element_type3A_883 = arith.sitofp %convert_element_type3A_882 : vector<256x128xi32> to vector<256x128xf32>
    %reduce_sum3A_884 = arith.constant dense<0.000000e+00> : vector<128xf32>
    %reduce_sum3A_885 = vector.multi_reduction <add>, %convert_element_type3A_883, %reduce_sum3A_884 [0] : vector<256x128xf32> to vector<128xf32>
    %broadcast_in_dim3A_886 = vector.shape_cast %reduce_sum3A_885 : vector<128xf32> to vector<1x128xf32>
    %add3A_887 = arith.addf %add3A_877, %broadcast_in_dim3A_886 : vector<1x128xf32>
    %slice3A_888 = vector.extract_strided_slice %get3A_1 {offsets = [0, 89], sizes = [256, 1], strides = [1, 1]} : vector<256x128xi32> to vector<256x1xi32>
    %broadcast_in_dim3A_889 = vector.shape_cast %slice3A_888 : vector<256x1xi32> to vector<256x1xi32>
    %broadcast_in_dim3A_890 = vector.broadcast %broadcast_in_dim3A_889 : vector<256x1xi32> to vector<256x128xi32>
    %eq3A_891 = arith.cmpi eq, %broadcast_in_dim3A_890, %iota3A : vector<256x128xi32>
    %convert_element_type3A_892 = arith.extui %eq3A_891 : vector<256x128xi1> to vector<256x128xi32>
    %convert_element_type3A_893 = arith.sitofp %convert_element_type3A_892 : vector<256x128xi32> to vector<256x128xf32>
    %reduce_sum3A_894 = arith.constant dense<0.000000e+00> : vector<128xf32>
    %reduce_sum3A_895 = vector.multi_reduction <add>, %convert_element_type3A_893, %reduce_sum3A_894 [0] : vector<256x128xf32> to vector<128xf32>
    %broadcast_in_dim3A_896 = vector.shape_cast %reduce_sum3A_895 : vector<128xf32> to vector<1x128xf32>
    %add3A_897 = arith.addf %add3A_887, %broadcast_in_dim3A_896 : vector<1x128xf32>
    %slice3A_898 = vector.extract_strided_slice %get3A_1 {offsets = [0, 90], sizes = [256, 1], strides = [1, 1]} : vector<256x128xi32> to vector<256x1xi32>
    %broadcast_in_dim3A_899 = vector.shape_cast %slice3A_898 : vector<256x1xi32> to vector<256x1xi32>
    %broadcast_in_dim3A_900 = vector.broadcast %broadcast_in_dim3A_899 : vector<256x1xi32> to vector<256x128xi32>
    %eq3A_901 = arith.cmpi eq, %broadcast_in_dim3A_900, %iota3A : vector<256x128xi32>
    %convert_element_type3A_902 = arith.extui %eq3A_901 : vector<256x128xi1> to vector<256x128xi32>
    %convert_element_type3A_903 = arith.sitofp %convert_element_type3A_902 : vector<256x128xi32> to vector<256x128xf32>
    %reduce_sum3A_904 = arith.constant dense<0.000000e+00> : vector<128xf32>
    %reduce_sum3A_905 = vector.multi_reduction <add>, %convert_element_type3A_903, %reduce_sum3A_904 [0] : vector<256x128xf32> to vector<128xf32>
    %broadcast_in_dim3A_906 = vector.shape_cast %reduce_sum3A_905 : vector<128xf32> to vector<1x128xf32>
    %add3A_907 = arith.addf %add3A_897, %broadcast_in_dim3A_906 : vector<1x128xf32>
    %slice3A_908 = vector.extract_strided_slice %get3A_1 {offsets = [0, 91], sizes = [256, 1], strides = [1, 1]} : vector<256x128xi32> to vector<256x1xi32>
    %broadcast_in_dim3A_909 = vector.shape_cast %slice3A_908 : vector<256x1xi32> to vector<256x1xi32>
    %broadcast_in_dim3A_910 = vector.broadcast %broadcast_in_dim3A_909 : vector<256x1xi32> to vector<256x128xi32>
    %eq3A_911 = arith.cmpi eq, %broadcast_in_dim3A_910, %iota3A : vector<256x128xi32>
    %convert_element_type3A_912 = arith.extui %eq3A_911 : vector<256x128xi1> to vector<256x128xi32>
    %convert_element_type3A_913 = arith.sitofp %convert_element_type3A_912 : vector<256x128xi32> to vector<256x128xf32>
    %reduce_sum3A_914 = arith.constant dense<0.000000e+00> : vector<128xf32>
    %reduce_sum3A_915 = vector.multi_reduction <add>, %convert_element_type3A_913, %reduce_sum3A_914 [0] : vector<256x128xf32> to vector<128xf32>
    %broadcast_in_dim3A_916 = vector.shape_cast %reduce_sum3A_915 : vector<128xf32> to vector<1x128xf32>
    %add3A_917 = arith.addf %add3A_907, %broadcast_in_dim3A_916 : vector<1x128xf32>
    %slice3A_918 = vector.extract_strided_slice %get3A_1 {offsets = [0, 92], sizes = [256, 1], strides = [1, 1]} : vector<256x128xi32> to vector<256x1xi32>
    %broadcast_in_dim3A_919 = vector.shape_cast %slice3A_918 : vector<256x1xi32> to vector<256x1xi32>
    %broadcast_in_dim3A_920 = vector.broadcast %broadcast_in_dim3A_919 : vector<256x1xi32> to vector<256x128xi32>
    %eq3A_921 = arith.cmpi eq, %broadcast_in_dim3A_920, %iota3A : vector<256x128xi32>
    %convert_element_type3A_922 = arith.extui %eq3A_921 : vector<256x128xi1> to vector<256x128xi32>
    %convert_element_type3A_923 = arith.sitofp %convert_element_type3A_922 : vector<256x128xi32> to vector<256x128xf32>
    %reduce_sum3A_924 = arith.constant dense<0.000000e+00> : vector<128xf32>
    %reduce_sum3A_925 = vector.multi_reduction <add>, %convert_element_type3A_923, %reduce_sum3A_924 [0] : vector<256x128xf32> to vector<128xf32>
    %broadcast_in_dim3A_926 = vector.shape_cast %reduce_sum3A_925 : vector<128xf32> to vector<1x128xf32>
    %add3A_927 = arith.addf %add3A_917, %broadcast_in_dim3A_926 : vector<1x128xf32>
    %slice3A_928 = vector.extract_strided_slice %get3A_1 {offsets = [0, 93], sizes = [256, 1], strides = [1, 1]} : vector<256x128xi32> to vector<256x1xi32>
    %broadcast_in_dim3A_929 = vector.shape_cast %slice3A_928 : vector<256x1xi32> to vector<256x1xi32>
    %broadcast_in_dim3A_930 = vector.broadcast %broadcast_in_dim3A_929 : vector<256x1xi32> to vector<256x128xi32>
    %eq3A_931 = arith.cmpi eq, %broadcast_in_dim3A_930, %iota3A : vector<256x128xi32>
    %convert_element_type3A_932 = arith.extui %eq3A_931 : vector<256x128xi1> to vector<256x128xi32>
    %convert_element_type3A_933 = arith.sitofp %convert_element_type3A_932 : vector<256x128xi32> to vector<256x128xf32>
    %reduce_sum3A_934 = arith.constant dense<0.000000e+00> : vector<128xf32>
    %reduce_sum3A_935 = vector.multi_reduction <add>, %convert_element_type3A_933, %reduce_sum3A_934 [0] : vector<256x128xf32> to vector<128xf32>
    %broadcast_in_dim3A_936 = vector.shape_cast %reduce_sum3A_935 : vector<128xf32> to vector<1x128xf32>
    %add3A_937 = arith.addf %add3A_927, %broadcast_in_dim3A_936 : vector<1x128xf32>
    %slice3A_938 = vector.extract_strided_slice %get3A_1 {offsets = [0, 94], sizes = [256, 1], strides = [1, 1]} : vector<256x128xi32> to vector<256x1xi32>
    %broadcast_in_dim3A_939 = vector.shape_cast %slice3A_938 : vector<256x1xi32> to vector<256x1xi32>
    %broadcast_in_dim3A_940 = vector.broadcast %broadcast_in_dim3A_939 : vector<256x1xi32> to vector<256x128xi32>
    %eq3A_941 = arith.cmpi eq, %broadcast_in_dim3A_940, %iota3A : vector<256x128xi32>
    %convert_element_type3A_942 = arith.extui %eq3A_941 : vector<256x128xi1> to vector<256x128xi32>
    %convert_element_type3A_943 = arith.sitofp %convert_element_type3A_942 : vector<256x128xi32> to vector<256x128xf32>
    %reduce_sum3A_944 = arith.constant dense<0.000000e+00> : vector<128xf32>
    %reduce_sum3A_945 = vector.multi_reduction <add>, %convert_element_type3A_943, %reduce_sum3A_944 [0] : vector<256x128xf32> to vector<128xf32>
    %broadcast_in_dim3A_946 = vector.shape_cast %reduce_sum3A_945 : vector<128xf32> to vector<1x128xf32>
    %add3A_947 = arith.addf %add3A_937, %broadcast_in_dim3A_946 : vector<1x128xf32>
    %slice3A_948 = vector.extract_strided_slice %get3A_1 {offsets = [0, 95], sizes = [256, 1], strides = [1, 1]} : vector<256x128xi32> to vector<256x1xi32>
    %broadcast_in_dim3A_949 = vector.shape_cast %slice3A_948 : vector<256x1xi32> to vector<256x1xi32>
    %broadcast_in_dim3A_950 = vector.broadcast %broadcast_in_dim3A_949 : vector<256x1xi32> to vector<256x128xi32>
    %eq3A_951 = arith.cmpi eq, %broadcast_in_dim3A_950, %iota3A : vector<256x128xi32>
    %convert_element_type3A_952 = arith.extui %eq3A_951 : vector<256x128xi1> to vector<256x128xi32>
    %convert_element_type3A_953 = arith.sitofp %convert_element_type3A_952 : vector<256x128xi32> to vector<256x128xf32>
    %reduce_sum3A_954 = arith.constant dense<0.000000e+00> : vector<128xf32>
    %reduce_sum3A_955 = vector.multi_reduction <add>, %convert_element_type3A_953, %reduce_sum3A_954 [0] : vector<256x128xf32> to vector<128xf32>
    %broadcast_in_dim3A_956 = vector.shape_cast %reduce_sum3A_955 : vector<128xf32> to vector<1x128xf32>
    %add3A_957 = arith.addf %add3A_947, %broadcast_in_dim3A_956 : vector<1x128xf32>
    %slice3A_958 = vector.extract_strided_slice %get3A_1 {offsets = [0, 96], sizes = [256, 1], strides = [1, 1]} : vector<256x128xi32> to vector<256x1xi32>
    %broadcast_in_dim3A_959 = vector.shape_cast %slice3A_958 : vector<256x1xi32> to vector<256x1xi32>
    %broadcast_in_dim3A_960 = vector.broadcast %broadcast_in_dim3A_959 : vector<256x1xi32> to vector<256x128xi32>
    %eq3A_961 = arith.cmpi eq, %broadcast_in_dim3A_960, %iota3A : vector<256x128xi32>
    %convert_element_type3A_962 = arith.extui %eq3A_961 : vector<256x128xi1> to vector<256x128xi32>
    %convert_element_type3A_963 = arith.sitofp %convert_element_type3A_962 : vector<256x128xi32> to vector<256x128xf32>
    %reduce_sum3A_964 = arith.constant dense<0.000000e+00> : vector<128xf32>
    %reduce_sum3A_965 = vector.multi_reduction <add>, %convert_element_type3A_963, %reduce_sum3A_964 [0] : vector<256x128xf32> to vector<128xf32>
    %broadcast_in_dim3A_966 = vector.shape_cast %reduce_sum3A_965 : vector<128xf32> to vector<1x128xf32>
    %add3A_967 = arith.addf %add3A_957, %broadcast_in_dim3A_966 : vector<1x128xf32>
    %slice3A_968 = vector.extract_strided_slice %get3A_1 {offsets = [0, 97], sizes = [256, 1], strides = [1, 1]} : vector<256x128xi32> to vector<256x1xi32>
    %broadcast_in_dim3A_969 = vector.shape_cast %slice3A_968 : vector<256x1xi32> to vector<256x1xi32>
    %broadcast_in_dim3A_970 = vector.broadcast %broadcast_in_dim3A_969 : vector<256x1xi32> to vector<256x128xi32>
    %eq3A_971 = arith.cmpi eq, %broadcast_in_dim3A_970, %iota3A : vector<256x128xi32>
    %convert_element_type3A_972 = arith.extui %eq3A_971 : vector<256x128xi1> to vector<256x128xi32>
    %convert_element_type3A_973 = arith.sitofp %convert_element_type3A_972 : vector<256x128xi32> to vector<256x128xf32>
    %reduce_sum3A_974 = arith.constant dense<0.000000e+00> : vector<128xf32>
    %reduce_sum3A_975 = vector.multi_reduction <add>, %convert_element_type3A_973, %reduce_sum3A_974 [0] : vector<256x128xf32> to vector<128xf32>
    %broadcast_in_dim3A_976 = vector.shape_cast %reduce_sum3A_975 : vector<128xf32> to vector<1x128xf32>
    %add3A_977 = arith.addf %add3A_967, %broadcast_in_dim3A_976 : vector<1x128xf32>
    %slice3A_978 = vector.extract_strided_slice %get3A_1 {offsets = [0, 98], sizes = [256, 1], strides = [1, 1]} : vector<256x128xi32> to vector<256x1xi32>
    %broadcast_in_dim3A_979 = vector.shape_cast %slice3A_978 : vector<256x1xi32> to vector<256x1xi32>
    %broadcast_in_dim3A_980 = vector.broadcast %broadcast_in_dim3A_979 : vector<256x1xi32> to vector<256x128xi32>
    %eq3A_981 = arith.cmpi eq, %broadcast_in_dim3A_980, %iota3A : vector<256x128xi32>
    %convert_element_type3A_982 = arith.extui %eq3A_981 : vector<256x128xi1> to vector<256x128xi32>
    %convert_element_type3A_983 = arith.sitofp %convert_element_type3A_982 : vector<256x128xi32> to vector<256x128xf32>
    %reduce_sum3A_984 = arith.constant dense<0.000000e+00> : vector<128xf32>
    %reduce_sum3A_985 = vector.multi_reduction <add>, %convert_element_type3A_983, %reduce_sum3A_984 [0] : vector<256x128xf32> to vector<128xf32>
    %broadcast_in_dim3A_986 = vector.shape_cast %reduce_sum3A_985 : vector<128xf32> to vector<1x128xf32>
    %add3A_987 = arith.addf %add3A_977, %broadcast_in_dim3A_986 : vector<1x128xf32>
    %slice3A_988 = vector.extract_strided_slice %get3A_1 {offsets = [0, 99], sizes = [256, 1], strides = [1, 1]} : vector<256x128xi32> to vector<256x1xi32>
    %broadcast_in_dim3A_989 = vector.shape_cast %slice3A_988 : vector<256x1xi32> to vector<256x1xi32>
    %broadcast_in_dim3A_990 = vector.broadcast %broadcast_in_dim3A_989 : vector<256x1xi32> to vector<256x128xi32>
    %eq3A_991 = arith.cmpi eq, %broadcast_in_dim3A_990, %iota3A : vector<256x128xi32>
    %convert_element_type3A_992 = arith.extui %eq3A_991 : vector<256x128xi1> to vector<256x128xi32>
    %convert_element_type3A_993 = arith.sitofp %convert_element_type3A_992 : vector<256x128xi32> to vector<256x128xf32>
    %reduce_sum3A_994 = arith.constant dense<0.000000e+00> : vector<128xf32>
    %reduce_sum3A_995 = vector.multi_reduction <add>, %convert_element_type3A_993, %reduce_sum3A_994 [0] : vector<256x128xf32> to vector<128xf32>
    %broadcast_in_dim3A_996 = vector.shape_cast %reduce_sum3A_995 : vector<128xf32> to vector<1x128xf32>
    %add3A_997 = arith.addf %add3A_987, %broadcast_in_dim3A_996 : vector<1x128xf32>
    %slice3A_998 = vector.extract_strided_slice %get3A_1 {offsets = [0, 100], sizes = [256, 1], strides = [1, 1]} : vector<256x128xi32> to vector<256x1xi32>
    %broadcast_in_dim3A_999 = vector.shape_cast %slice3A_998 : vector<256x1xi32> to vector<256x1xi32>
    %broadcast_in_dim3A_1000 = vector.broadcast %broadcast_in_dim3A_999 : vector<256x1xi32> to vector<256x128xi32>
    %eq3A_1001 = arith.cmpi eq, %broadcast_in_dim3A_1000, %iota3A : vector<256x128xi32>
    %convert_element_type3A_1002 = arith.extui %eq3A_1001 : vector<256x128xi1> to vector<256x128xi32>
    %convert_element_type3A_1003 = arith.sitofp %convert_element_type3A_1002 : vector<256x128xi32> to vector<256x128xf32>
    %reduce_sum3A_1004 = arith.constant dense<0.000000e+00> : vector<128xf32>
    %reduce_sum3A_1005 = vector.multi_reduction <add>, %convert_element_type3A_1003, %reduce_sum3A_1004 [0] : vector<256x128xf32> to vector<128xf32>
    %broadcast_in_dim3A_1006 = vector.shape_cast %reduce_sum3A_1005 : vector<128xf32> to vector<1x128xf32>
    %add3A_1007 = arith.addf %add3A_997, %broadcast_in_dim3A_1006 : vector<1x128xf32>
    %slice3A_1008 = vector.extract_strided_slice %get3A_1 {offsets = [0, 101], sizes = [256, 1], strides = [1, 1]} : vector<256x128xi32> to vector<256x1xi32>
    %broadcast_in_dim3A_1009 = vector.shape_cast %slice3A_1008 : vector<256x1xi32> to vector<256x1xi32>
    %broadcast_in_dim3A_1010 = vector.broadcast %broadcast_in_dim3A_1009 : vector<256x1xi32> to vector<256x128xi32>
    %eq3A_1011 = arith.cmpi eq, %broadcast_in_dim3A_1010, %iota3A : vector<256x128xi32>
    %convert_element_type3A_1012 = arith.extui %eq3A_1011 : vector<256x128xi1> to vector<256x128xi32>
    %convert_element_type3A_1013 = arith.sitofp %convert_element_type3A_1012 : vector<256x128xi32> to vector<256x128xf32>
    %reduce_sum3A_1014 = arith.constant dense<0.000000e+00> : vector<128xf32>
    %reduce_sum3A_1015 = vector.multi_reduction <add>, %convert_element_type3A_1013, %reduce_sum3A_1014 [0] : vector<256x128xf32> to vector<128xf32>
    %broadcast_in_dim3A_1016 = vector.shape_cast %reduce_sum3A_1015 : vector<128xf32> to vector<1x128xf32>
    %add3A_1017 = arith.addf %add3A_1007, %broadcast_in_dim3A_1016 : vector<1x128xf32>
    %slice3A_1018 = vector.extract_strided_slice %get3A_1 {offsets = [0, 102], sizes = [256, 1], strides = [1, 1]} : vector<256x128xi32> to vector<256x1xi32>
    %broadcast_in_dim3A_1019 = vector.shape_cast %slice3A_1018 : vector<256x1xi32> to vector<256x1xi32>
    %broadcast_in_dim3A_1020 = vector.broadcast %broadcast_in_dim3A_1019 : vector<256x1xi32> to vector<256x128xi32>
    %eq3A_1021 = arith.cmpi eq, %broadcast_in_dim3A_1020, %iota3A : vector<256x128xi32>
    %convert_element_type3A_1022 = arith.extui %eq3A_1021 : vector<256x128xi1> to vector<256x128xi32>
    %convert_element_type3A_1023 = arith.sitofp %convert_element_type3A_1022 : vector<256x128xi32> to vector<256x128xf32>
    %reduce_sum3A_1024 = arith.constant dense<0.000000e+00> : vector<128xf32>
    %reduce_sum3A_1025 = vector.multi_reduction <add>, %convert_element_type3A_1023, %reduce_sum3A_1024 [0] : vector<256x128xf32> to vector<128xf32>
    %broadcast_in_dim3A_1026 = vector.shape_cast %reduce_sum3A_1025 : vector<128xf32> to vector<1x128xf32>
    %add3A_1027 = arith.addf %add3A_1017, %broadcast_in_dim3A_1026 : vector<1x128xf32>
    %slice3A_1028 = vector.extract_strided_slice %get3A_1 {offsets = [0, 103], sizes = [256, 1], strides = [1, 1]} : vector<256x128xi32> to vector<256x1xi32>
    %broadcast_in_dim3A_1029 = vector.shape_cast %slice3A_1028 : vector<256x1xi32> to vector<256x1xi32>
    %broadcast_in_dim3A_1030 = vector.broadcast %broadcast_in_dim3A_1029 : vector<256x1xi32> to vector<256x128xi32>
    %eq3A_1031 = arith.cmpi eq, %broadcast_in_dim3A_1030, %iota3A : vector<256x128xi32>
    %convert_element_type3A_1032 = arith.extui %eq3A_1031 : vector<256x128xi1> to vector<256x128xi32>
    %convert_element_type3A_1033 = arith.sitofp %convert_element_type3A_1032 : vector<256x128xi32> to vector<256x128xf32>
    %reduce_sum3A_1034 = arith.constant dense<0.000000e+00> : vector<128xf32>
    %reduce_sum3A_1035 = vector.multi_reduction <add>, %convert_element_type3A_1033, %reduce_sum3A_1034 [0] : vector<256x128xf32> to vector<128xf32>
    %broadcast_in_dim3A_1036 = vector.shape_cast %reduce_sum3A_1035 : vector<128xf32> to vector<1x128xf32>
    %add3A_1037 = arith.addf %add3A_1027, %broadcast_in_dim3A_1036 : vector<1x128xf32>
    %slice3A_1038 = vector.extract_strided_slice %get3A_1 {offsets = [0, 104], sizes = [256, 1], strides = [1, 1]} : vector<256x128xi32> to vector<256x1xi32>
    %broadcast_in_dim3A_1039 = vector.shape_cast %slice3A_1038 : vector<256x1xi32> to vector<256x1xi32>
    %broadcast_in_dim3A_1040 = vector.broadcast %broadcast_in_dim3A_1039 : vector<256x1xi32> to vector<256x128xi32>
    %eq3A_1041 = arith.cmpi eq, %broadcast_in_dim3A_1040, %iota3A : vector<256x128xi32>
    %convert_element_type3A_1042 = arith.extui %eq3A_1041 : vector<256x128xi1> to vector<256x128xi32>
    %convert_element_type3A_1043 = arith.sitofp %convert_element_type3A_1042 : vector<256x128xi32> to vector<256x128xf32>
    %reduce_sum3A_1044 = arith.constant dense<0.000000e+00> : vector<128xf32>
    %reduce_sum3A_1045 = vector.multi_reduction <add>, %convert_element_type3A_1043, %reduce_sum3A_1044 [0] : vector<256x128xf32> to vector<128xf32>
    %broadcast_in_dim3A_1046 = vector.shape_cast %reduce_sum3A_1045 : vector<128xf32> to vector<1x128xf32>
    %add3A_1047 = arith.addf %add3A_1037, %broadcast_in_dim3A_1046 : vector<1x128xf32>
    %slice3A_1048 = vector.extract_strided_slice %get3A_1 {offsets = [0, 105], sizes = [256, 1], strides = [1, 1]} : vector<256x128xi32> to vector<256x1xi32>
    %broadcast_in_dim3A_1049 = vector.shape_cast %slice3A_1048 : vector<256x1xi32> to vector<256x1xi32>
    %broadcast_in_dim3A_1050 = vector.broadcast %broadcast_in_dim3A_1049 : vector<256x1xi32> to vector<256x128xi32>
    %eq3A_1051 = arith.cmpi eq, %broadcast_in_dim3A_1050, %iota3A : vector<256x128xi32>
    %convert_element_type3A_1052 = arith.extui %eq3A_1051 : vector<256x128xi1> to vector<256x128xi32>
    %convert_element_type3A_1053 = arith.sitofp %convert_element_type3A_1052 : vector<256x128xi32> to vector<256x128xf32>
    %reduce_sum3A_1054 = arith.constant dense<0.000000e+00> : vector<128xf32>
    %reduce_sum3A_1055 = vector.multi_reduction <add>, %convert_element_type3A_1053, %reduce_sum3A_1054 [0] : vector<256x128xf32> to vector<128xf32>
    %broadcast_in_dim3A_1056 = vector.shape_cast %reduce_sum3A_1055 : vector<128xf32> to vector<1x128xf32>
    %add3A_1057 = arith.addf %add3A_1047, %broadcast_in_dim3A_1056 : vector<1x128xf32>
    %slice3A_1058 = vector.extract_strided_slice %get3A_1 {offsets = [0, 106], sizes = [256, 1], strides = [1, 1]} : vector<256x128xi32> to vector<256x1xi32>
    %broadcast_in_dim3A_1059 = vector.shape_cast %slice3A_1058 : vector<256x1xi32> to vector<256x1xi32>
    %broadcast_in_dim3A_1060 = vector.broadcast %broadcast_in_dim3A_1059 : vector<256x1xi32> to vector<256x128xi32>
    %eq3A_1061 = arith.cmpi eq, %broadcast_in_dim3A_1060, %iota3A : vector<256x128xi32>
    %convert_element_type3A_1062 = arith.extui %eq3A_1061 : vector<256x128xi1> to vector<256x128xi32>
    %convert_element_type3A_1063 = arith.sitofp %convert_element_type3A_1062 : vector<256x128xi32> to vector<256x128xf32>
    %reduce_sum3A_1064 = arith.constant dense<0.000000e+00> : vector<128xf32>
    %reduce_sum3A_1065 = vector.multi_reduction <add>, %convert_element_type3A_1063, %reduce_sum3A_1064 [0] : vector<256x128xf32> to vector<128xf32>
    %broadcast_in_dim3A_1066 = vector.shape_cast %reduce_sum3A_1065 : vector<128xf32> to vector<1x128xf32>
    %add3A_1067 = arith.addf %add3A_1057, %broadcast_in_dim3A_1066 : vector<1x128xf32>
    %slice3A_1068 = vector.extract_strided_slice %get3A_1 {offsets = [0, 107], sizes = [256, 1], strides = [1, 1]} : vector<256x128xi32> to vector<256x1xi32>
    %broadcast_in_dim3A_1069 = vector.shape_cast %slice3A_1068 : vector<256x1xi32> to vector<256x1xi32>
    %broadcast_in_dim3A_1070 = vector.broadcast %broadcast_in_dim3A_1069 : vector<256x1xi32> to vector<256x128xi32>
    %eq3A_1071 = arith.cmpi eq, %broadcast_in_dim3A_1070, %iota3A : vector<256x128xi32>
    %convert_element_type3A_1072 = arith.extui %eq3A_1071 : vector<256x128xi1> to vector<256x128xi32>
    %convert_element_type3A_1073 = arith.sitofp %convert_element_type3A_1072 : vector<256x128xi32> to vector<256x128xf32>
    %reduce_sum3A_1074 = arith.constant dense<0.000000e+00> : vector<128xf32>
    %reduce_sum3A_1075 = vector.multi_reduction <add>, %convert_element_type3A_1073, %reduce_sum3A_1074 [0] : vector<256x128xf32> to vector<128xf32>
    %broadcast_in_dim3A_1076 = vector.shape_cast %reduce_sum3A_1075 : vector<128xf32> to vector<1x128xf32>
    %add3A_1077 = arith.addf %add3A_1067, %broadcast_in_dim3A_1076 : vector<1x128xf32>
    %slice3A_1078 = vector.extract_strided_slice %get3A_1 {offsets = [0, 108], sizes = [256, 1], strides = [1, 1]} : vector<256x128xi32> to vector<256x1xi32>
    %broadcast_in_dim3A_1079 = vector.shape_cast %slice3A_1078 : vector<256x1xi32> to vector<256x1xi32>
    %broadcast_in_dim3A_1080 = vector.broadcast %broadcast_in_dim3A_1079 : vector<256x1xi32> to vector<256x128xi32>
    %eq3A_1081 = arith.cmpi eq, %broadcast_in_dim3A_1080, %iota3A : vector<256x128xi32>
    %convert_element_type3A_1082 = arith.extui %eq3A_1081 : vector<256x128xi1> to vector<256x128xi32>
    %convert_element_type3A_1083 = arith.sitofp %convert_element_type3A_1082 : vector<256x128xi32> to vector<256x128xf32>
    %reduce_sum3A_1084 = arith.constant dense<0.000000e+00> : vector<128xf32>
    %reduce_sum3A_1085 = vector.multi_reduction <add>, %convert_element_type3A_1083, %reduce_sum3A_1084 [0] : vector<256x128xf32> to vector<128xf32>
    %broadcast_in_dim3A_1086 = vector.shape_cast %reduce_sum3A_1085 : vector<128xf32> to vector<1x128xf32>
    %add3A_1087 = arith.addf %add3A_1077, %broadcast_in_dim3A_1086 : vector<1x128xf32>
    %slice3A_1088 = vector.extract_strided_slice %get3A_1 {offsets = [0, 109], sizes = [256, 1], strides = [1, 1]} : vector<256x128xi32> to vector<256x1xi32>
    %broadcast_in_dim3A_1089 = vector.shape_cast %slice3A_1088 : vector<256x1xi32> to vector<256x1xi32>
    %broadcast_in_dim3A_1090 = vector.broadcast %broadcast_in_dim3A_1089 : vector<256x1xi32> to vector<256x128xi32>
    %eq3A_1091 = arith.cmpi eq, %broadcast_in_dim3A_1090, %iota3A : vector<256x128xi32>
    %convert_element_type3A_1092 = arith.extui %eq3A_1091 : vector<256x128xi1> to vector<256x128xi32>
    %convert_element_type3A_1093 = arith.sitofp %convert_element_type3A_1092 : vector<256x128xi32> to vector<256x128xf32>
    %reduce_sum3A_1094 = arith.constant dense<0.000000e+00> : vector<128xf32>
    %reduce_sum3A_1095 = vector.multi_reduction <add>, %convert_element_type3A_1093, %reduce_sum3A_1094 [0] : vector<256x128xf32> to vector<128xf32>
    %broadcast_in_dim3A_1096 = vector.shape_cast %reduce_sum3A_1095 : vector<128xf32> to vector<1x128xf32>
    %add3A_1097 = arith.addf %add3A_1087, %broadcast_in_dim3A_1096 : vector<1x128xf32>
    %slice3A_1098 = vector.extract_strided_slice %get3A_1 {offsets = [0, 110], sizes = [256, 1], strides = [1, 1]} : vector<256x128xi32> to vector<256x1xi32>
    %broadcast_in_dim3A_1099 = vector.shape_cast %slice3A_1098 : vector<256x1xi32> to vector<256x1xi32>
    %broadcast_in_dim3A_1100 = vector.broadcast %broadcast_in_dim3A_1099 : vector<256x1xi32> to vector<256x128xi32>
    %eq3A_1101 = arith.cmpi eq, %broadcast_in_dim3A_1100, %iota3A : vector<256x128xi32>
    %convert_element_type3A_1102 = arith.extui %eq3A_1101 : vector<256x128xi1> to vector<256x128xi32>
    %convert_element_type3A_1103 = arith.sitofp %convert_element_type3A_1102 : vector<256x128xi32> to vector<256x128xf32>
    %reduce_sum3A_1104 = arith.constant dense<0.000000e+00> : vector<128xf32>
    %reduce_sum3A_1105 = vector.multi_reduction <add>, %convert_element_type3A_1103, %reduce_sum3A_1104 [0] : vector<256x128xf32> to vector<128xf32>
    %broadcast_in_dim3A_1106 = vector.shape_cast %reduce_sum3A_1105 : vector<128xf32> to vector<1x128xf32>
    %add3A_1107 = arith.addf %add3A_1097, %broadcast_in_dim3A_1106 : vector<1x128xf32>
    %slice3A_1108 = vector.extract_strided_slice %get3A_1 {offsets = [0, 111], sizes = [256, 1], strides = [1, 1]} : vector<256x128xi32> to vector<256x1xi32>
    %broadcast_in_dim3A_1109 = vector.shape_cast %slice3A_1108 : vector<256x1xi32> to vector<256x1xi32>
    %broadcast_in_dim3A_1110 = vector.broadcast %broadcast_in_dim3A_1109 : vector<256x1xi32> to vector<256x128xi32>
    %eq3A_1111 = arith.cmpi eq, %broadcast_in_dim3A_1110, %iota3A : vector<256x128xi32>
    %convert_element_type3A_1112 = arith.extui %eq3A_1111 : vector<256x128xi1> to vector<256x128xi32>
    %convert_element_type3A_1113 = arith.sitofp %convert_element_type3A_1112 : vector<256x128xi32> to vector<256x128xf32>
    %reduce_sum3A_1114 = arith.constant dense<0.000000e+00> : vector<128xf32>
    %reduce_sum3A_1115 = vector.multi_reduction <add>, %convert_element_type3A_1113, %reduce_sum3A_1114 [0] : vector<256x128xf32> to vector<128xf32>
    %broadcast_in_dim3A_1116 = vector.shape_cast %reduce_sum3A_1115 : vector<128xf32> to vector<1x128xf32>
    %add3A_1117 = arith.addf %add3A_1107, %broadcast_in_dim3A_1116 : vector<1x128xf32>
    %slice3A_1118 = vector.extract_strided_slice %get3A_1 {offsets = [0, 112], sizes = [256, 1], strides = [1, 1]} : vector<256x128xi32> to vector<256x1xi32>
    %broadcast_in_dim3A_1119 = vector.shape_cast %slice3A_1118 : vector<256x1xi32> to vector<256x1xi32>
    %broadcast_in_dim3A_1120 = vector.broadcast %broadcast_in_dim3A_1119 : vector<256x1xi32> to vector<256x128xi32>
    %eq3A_1121 = arith.cmpi eq, %broadcast_in_dim3A_1120, %iota3A : vector<256x128xi32>
    %convert_element_type3A_1122 = arith.extui %eq3A_1121 : vector<256x128xi1> to vector<256x128xi32>
    %convert_element_type3A_1123 = arith.sitofp %convert_element_type3A_1122 : vector<256x128xi32> to vector<256x128xf32>
    %reduce_sum3A_1124 = arith.constant dense<0.000000e+00> : vector<128xf32>
    %reduce_sum3A_1125 = vector.multi_reduction <add>, %convert_element_type3A_1123, %reduce_sum3A_1124 [0] : vector<256x128xf32> to vector<128xf32>
    %broadcast_in_dim3A_1126 = vector.shape_cast %reduce_sum3A_1125 : vector<128xf32> to vector<1x128xf32>
    %add3A_1127 = arith.addf %add3A_1117, %broadcast_in_dim3A_1126 : vector<1x128xf32>
    %slice3A_1128 = vector.extract_strided_slice %get3A_1 {offsets = [0, 113], sizes = [256, 1], strides = [1, 1]} : vector<256x128xi32> to vector<256x1xi32>
    %broadcast_in_dim3A_1129 = vector.shape_cast %slice3A_1128 : vector<256x1xi32> to vector<256x1xi32>
    %broadcast_in_dim3A_1130 = vector.broadcast %broadcast_in_dim3A_1129 : vector<256x1xi32> to vector<256x128xi32>
    %eq3A_1131 = arith.cmpi eq, %broadcast_in_dim3A_1130, %iota3A : vector<256x128xi32>
    %convert_element_type3A_1132 = arith.extui %eq3A_1131 : vector<256x128xi1> to vector<256x128xi32>
    %convert_element_type3A_1133 = arith.sitofp %convert_element_type3A_1132 : vector<256x128xi32> to vector<256x128xf32>
    %reduce_sum3A_1134 = arith.constant dense<0.000000e+00> : vector<128xf32>
    %reduce_sum3A_1135 = vector.multi_reduction <add>, %convert_element_type3A_1133, %reduce_sum3A_1134 [0] : vector<256x128xf32> to vector<128xf32>
    %broadcast_in_dim3A_1136 = vector.shape_cast %reduce_sum3A_1135 : vector<128xf32> to vector<1x128xf32>
    %add3A_1137 = arith.addf %add3A_1127, %broadcast_in_dim3A_1136 : vector<1x128xf32>
    %slice3A_1138 = vector.extract_strided_slice %get3A_1 {offsets = [0, 114], sizes = [256, 1], strides = [1, 1]} : vector<256x128xi32> to vector<256x1xi32>
    %broadcast_in_dim3A_1139 = vector.shape_cast %slice3A_1138 : vector<256x1xi32> to vector<256x1xi32>
    %broadcast_in_dim3A_1140 = vector.broadcast %broadcast_in_dim3A_1139 : vector<256x1xi32> to vector<256x128xi32>
    %eq3A_1141 = arith.cmpi eq, %broadcast_in_dim3A_1140, %iota3A : vector<256x128xi32>
    %convert_element_type3A_1142 = arith.extui %eq3A_1141 : vector<256x128xi1> to vector<256x128xi32>
    %convert_element_type3A_1143 = arith.sitofp %convert_element_type3A_1142 : vector<256x128xi32> to vector<256x128xf32>
    %reduce_sum3A_1144 = arith.constant dense<0.000000e+00> : vector<128xf32>
    %reduce_sum3A_1145 = vector.multi_reduction <add>, %convert_element_type3A_1143, %reduce_sum3A_1144 [0] : vector<256x128xf32> to vector<128xf32>
    %broadcast_in_dim3A_1146 = vector.shape_cast %reduce_sum3A_1145 : vector<128xf32> to vector<1x128xf32>
    %add3A_1147 = arith.addf %add3A_1137, %broadcast_in_dim3A_1146 : vector<1x128xf32>
    %slice3A_1148 = vector.extract_strided_slice %get3A_1 {offsets = [0, 115], sizes = [256, 1], strides = [1, 1]} : vector<256x128xi32> to vector<256x1xi32>
    %broadcast_in_dim3A_1149 = vector.shape_cast %slice3A_1148 : vector<256x1xi32> to vector<256x1xi32>
    %broadcast_in_dim3A_1150 = vector.broadcast %broadcast_in_dim3A_1149 : vector<256x1xi32> to vector<256x128xi32>
    %eq3A_1151 = arith.cmpi eq, %broadcast_in_dim3A_1150, %iota3A : vector<256x128xi32>
    %convert_element_type3A_1152 = arith.extui %eq3A_1151 : vector<256x128xi1> to vector<256x128xi32>
    %convert_element_type3A_1153 = arith.sitofp %convert_element_type3A_1152 : vector<256x128xi32> to vector<256x128xf32>
    %reduce_sum3A_1154 = arith.constant dense<0.000000e+00> : vector<128xf32>
    %reduce_sum3A_1155 = vector.multi_reduction <add>, %convert_element_type3A_1153, %reduce_sum3A_1154 [0] : vector<256x128xf32> to vector<128xf32>
    %broadcast_in_dim3A_1156 = vector.shape_cast %reduce_sum3A_1155 : vector<128xf32> to vector<1x128xf32>
    %add3A_1157 = arith.addf %add3A_1147, %broadcast_in_dim3A_1156 : vector<1x128xf32>
    %slice3A_1158 = vector.extract_strided_slice %get3A_1 {offsets = [0, 116], sizes = [256, 1], strides = [1, 1]} : vector<256x128xi32> to vector<256x1xi32>
    %broadcast_in_dim3A_1159 = vector.shape_cast %slice3A_1158 : vector<256x1xi32> to vector<256x1xi32>
    %broadcast_in_dim3A_1160 = vector.broadcast %broadcast_in_dim3A_1159 : vector<256x1xi32> to vector<256x128xi32>
    %eq3A_1161 = arith.cmpi eq, %broadcast_in_dim3A_1160, %iota3A : vector<256x128xi32>
    %convert_element_type3A_1162 = arith.extui %eq3A_1161 : vector<256x128xi1> to vector<256x128xi32>
    %convert_element_type3A_1163 = arith.sitofp %convert_element_type3A_1162 : vector<256x128xi32> to vector<256x128xf32>
    %reduce_sum3A_1164 = arith.constant dense<0.000000e+00> : vector<128xf32>
    %reduce_sum3A_1165 = vector.multi_reduction <add>, %convert_element_type3A_1163, %reduce_sum3A_1164 [0] : vector<256x128xf32> to vector<128xf32>
    %broadcast_in_dim3A_1166 = vector.shape_cast %reduce_sum3A_1165 : vector<128xf32> to vector<1x128xf32>
    %add3A_1167 = arith.addf %add3A_1157, %broadcast_in_dim3A_1166 : vector<1x128xf32>
    %slice3A_1168 = vector.extract_strided_slice %get3A_1 {offsets = [0, 117], sizes = [256, 1], strides = [1, 1]} : vector<256x128xi32> to vector<256x1xi32>
    %broadcast_in_dim3A_1169 = vector.shape_cast %slice3A_1168 : vector<256x1xi32> to vector<256x1xi32>
    %broadcast_in_dim3A_1170 = vector.broadcast %broadcast_in_dim3A_1169 : vector<256x1xi32> to vector<256x128xi32>
    %eq3A_1171 = arith.cmpi eq, %broadcast_in_dim3A_1170, %iota3A : vector<256x128xi32>
    %convert_element_type3A_1172 = arith.extui %eq3A_1171 : vector<256x128xi1> to vector<256x128xi32>
    %convert_element_type3A_1173 = arith.sitofp %convert_element_type3A_1172 : vector<256x128xi32> to vector<256x128xf32>
    %reduce_sum3A_1174 = arith.constant dense<0.000000e+00> : vector<128xf32>
    %reduce_sum3A_1175 = vector.multi_reduction <add>, %convert_element_type3A_1173, %reduce_sum3A_1174 [0] : vector<256x128xf32> to vector<128xf32>
    %broadcast_in_dim3A_1176 = vector.shape_cast %reduce_sum3A_1175 : vector<128xf32> to vector<1x128xf32>
    %add3A_1177 = arith.addf %add3A_1167, %broadcast_in_dim3A_1176 : vector<1x128xf32>
    %slice3A_1178 = vector.extract_strided_slice %get3A_1 {offsets = [0, 118], sizes = [256, 1], strides = [1, 1]} : vector<256x128xi32> to vector<256x1xi32>
    %broadcast_in_dim3A_1179 = vector.shape_cast %slice3A_1178 : vector<256x1xi32> to vector<256x1xi32>
    %broadcast_in_dim3A_1180 = vector.broadcast %broadcast_in_dim3A_1179 : vector<256x1xi32> to vector<256x128xi32>
    %eq3A_1181 = arith.cmpi eq, %broadcast_in_dim3A_1180, %iota3A : vector<256x128xi32>
    %convert_element_type3A_1182 = arith.extui %eq3A_1181 : vector<256x128xi1> to vector<256x128xi32>
    %convert_element_type3A_1183 = arith.sitofp %convert_element_type3A_1182 : vector<256x128xi32> to vector<256x128xf32>
    %reduce_sum3A_1184 = arith.constant dense<0.000000e+00> : vector<128xf32>
    %reduce_sum3A_1185 = vector.multi_reduction <add>, %convert_element_type3A_1183, %reduce_sum3A_1184 [0] : vector<256x128xf32> to vector<128xf32>
    %broadcast_in_dim3A_1186 = vector.shape_cast %reduce_sum3A_1185 : vector<128xf32> to vector<1x128xf32>
    %add3A_1187 = arith.addf %add3A_1177, %broadcast_in_dim3A_1186 : vector<1x128xf32>
    %slice3A_1188 = vector.extract_strided_slice %get3A_1 {offsets = [0, 119], sizes = [256, 1], strides = [1, 1]} : vector<256x128xi32> to vector<256x1xi32>
    %broadcast_in_dim3A_1189 = vector.shape_cast %slice3A_1188 : vector<256x1xi32> to vector<256x1xi32>
    %broadcast_in_dim3A_1190 = vector.broadcast %broadcast_in_dim3A_1189 : vector<256x1xi32> to vector<256x128xi32>
    %eq3A_1191 = arith.cmpi eq, %broadcast_in_dim3A_1190, %iota3A : vector<256x128xi32>
    %convert_element_type3A_1192 = arith.extui %eq3A_1191 : vector<256x128xi1> to vector<256x128xi32>
    %convert_element_type3A_1193 = arith.sitofp %convert_element_type3A_1192 : vector<256x128xi32> to vector<256x128xf32>
    %reduce_sum3A_1194 = arith.constant dense<0.000000e+00> : vector<128xf32>
    %reduce_sum3A_1195 = vector.multi_reduction <add>, %convert_element_type3A_1193, %reduce_sum3A_1194 [0] : vector<256x128xf32> to vector<128xf32>
    %broadcast_in_dim3A_1196 = vector.shape_cast %reduce_sum3A_1195 : vector<128xf32> to vector<1x128xf32>
    %add3A_1197 = arith.addf %add3A_1187, %broadcast_in_dim3A_1196 : vector<1x128xf32>
    %slice3A_1198 = vector.extract_strided_slice %get3A_1 {offsets = [0, 120], sizes = [256, 1], strides = [1, 1]} : vector<256x128xi32> to vector<256x1xi32>
    %broadcast_in_dim3A_1199 = vector.shape_cast %slice3A_1198 : vector<256x1xi32> to vector<256x1xi32>
    %broadcast_in_dim3A_1200 = vector.broadcast %broadcast_in_dim3A_1199 : vector<256x1xi32> to vector<256x128xi32>
    %eq3A_1201 = arith.cmpi eq, %broadcast_in_dim3A_1200, %iota3A : vector<256x128xi32>
    %convert_element_type3A_1202 = arith.extui %eq3A_1201 : vector<256x128xi1> to vector<256x128xi32>
    %convert_element_type3A_1203 = arith.sitofp %convert_element_type3A_1202 : vector<256x128xi32> to vector<256x128xf32>
    %reduce_sum3A_1204 = arith.constant dense<0.000000e+00> : vector<128xf32>
    %reduce_sum3A_1205 = vector.multi_reduction <add>, %convert_element_type3A_1203, %reduce_sum3A_1204 [0] : vector<256x128xf32> to vector<128xf32>
    %broadcast_in_dim3A_1206 = vector.shape_cast %reduce_sum3A_1205 : vector<128xf32> to vector<1x128xf32>
    %add3A_1207 = arith.addf %add3A_1197, %broadcast_in_dim3A_1206 : vector<1x128xf32>
    %slice3A_1208 = vector.extract_strided_slice %get3A_1 {offsets = [0, 121], sizes = [256, 1], strides = [1, 1]} : vector<256x128xi32> to vector<256x1xi32>
    %broadcast_in_dim3A_1209 = vector.shape_cast %slice3A_1208 : vector<256x1xi32> to vector<256x1xi32>
    %broadcast_in_dim3A_1210 = vector.broadcast %broadcast_in_dim3A_1209 : vector<256x1xi32> to vector<256x128xi32>
    %eq3A_1211 = arith.cmpi eq, %broadcast_in_dim3A_1210, %iota3A : vector<256x128xi32>
    %convert_element_type3A_1212 = arith.extui %eq3A_1211 : vector<256x128xi1> to vector<256x128xi32>
    %convert_element_type3A_1213 = arith.sitofp %convert_element_type3A_1212 : vector<256x128xi32> to vector<256x128xf32>
    %reduce_sum3A_1214 = arith.constant dense<0.000000e+00> : vector<128xf32>
    %reduce_sum3A_1215 = vector.multi_reduction <add>, %convert_element_type3A_1213, %reduce_sum3A_1214 [0] : vector<256x128xf32> to vector<128xf32>
    %broadcast_in_dim3A_1216 = vector.shape_cast %reduce_sum3A_1215 : vector<128xf32> to vector<1x128xf32>
    %add3A_1217 = arith.addf %add3A_1207, %broadcast_in_dim3A_1216 : vector<1x128xf32>
    %slice3A_1218 = vector.extract_strided_slice %get3A_1 {offsets = [0, 122], sizes = [256, 1], strides = [1, 1]} : vector<256x128xi32> to vector<256x1xi32>
    %broadcast_in_dim3A_1219 = vector.shape_cast %slice3A_1218 : vector<256x1xi32> to vector<256x1xi32>
    %broadcast_in_dim3A_1220 = vector.broadcast %broadcast_in_dim3A_1219 : vector<256x1xi32> to vector<256x128xi32>
    %eq3A_1221 = arith.cmpi eq, %broadcast_in_dim3A_1220, %iota3A : vector<256x128xi32>
    %convert_element_type3A_1222 = arith.extui %eq3A_1221 : vector<256x128xi1> to vector<256x128xi32>
    %convert_element_type3A_1223 = arith.sitofp %convert_element_type3A_1222 : vector<256x128xi32> to vector<256x128xf32>
    %reduce_sum3A_1224 = arith.constant dense<0.000000e+00> : vector<128xf32>
    %reduce_sum3A_1225 = vector.multi_reduction <add>, %convert_element_type3A_1223, %reduce_sum3A_1224 [0] : vector<256x128xf32> to vector<128xf32>
    %broadcast_in_dim3A_1226 = vector.shape_cast %reduce_sum3A_1225 : vector<128xf32> to vector<1x128xf32>
    %add3A_1227 = arith.addf %add3A_1217, %broadcast_in_dim3A_1226 : vector<1x128xf32>
    %slice3A_1228 = vector.extract_strided_slice %get3A_1 {offsets = [0, 123], sizes = [256, 1], strides = [1, 1]} : vector<256x128xi32> to vector<256x1xi32>
    %broadcast_in_dim3A_1229 = vector.shape_cast %slice3A_1228 : vector<256x1xi32> to vector<256x1xi32>
    %broadcast_in_dim3A_1230 = vector.broadcast %broadcast_in_dim3A_1229 : vector<256x1xi32> to vector<256x128xi32>
    %eq3A_1231 = arith.cmpi eq, %broadcast_in_dim3A_1230, %iota3A : vector<256x128xi32>
    %convert_element_type3A_1232 = arith.extui %eq3A_1231 : vector<256x128xi1> to vector<256x128xi32>
    %convert_element_type3A_1233 = arith.sitofp %convert_element_type3A_1232 : vector<256x128xi32> to vector<256x128xf32>
    %reduce_sum3A_1234 = arith.constant dense<0.000000e+00> : vector<128xf32>
    %reduce_sum3A_1235 = vector.multi_reduction <add>, %convert_element_type3A_1233, %reduce_sum3A_1234 [0] : vector<256x128xf32> to vector<128xf32>
    %broadcast_in_dim3A_1236 = vector.shape_cast %reduce_sum3A_1235 : vector<128xf32> to vector<1x128xf32>
    %add3A_1237 = arith.addf %add3A_1227, %broadcast_in_dim3A_1236 : vector<1x128xf32>
    %slice3A_1238 = vector.extract_strided_slice %get3A_1 {offsets = [0, 124], sizes = [256, 1], strides = [1, 1]} : vector<256x128xi32> to vector<256x1xi32>
    %broadcast_in_dim3A_1239 = vector.shape_cast %slice3A_1238 : vector<256x1xi32> to vector<256x1xi32>
    %broadcast_in_dim3A_1240 = vector.broadcast %broadcast_in_dim3A_1239 : vector<256x1xi32> to vector<256x128xi32>
    %eq3A_1241 = arith.cmpi eq, %broadcast_in_dim3A_1240, %iota3A : vector<256x128xi32>
    %convert_element_type3A_1242 = arith.extui %eq3A_1241 : vector<256x128xi1> to vector<256x128xi32>
    %convert_element_type3A_1243 = arith.sitofp %convert_element_type3A_1242 : vector<256x128xi32> to vector<256x128xf32>
    %reduce_sum3A_1244 = arith.constant dense<0.000000e+00> : vector<128xf32>
    %reduce_sum3A_1245 = vector.multi_reduction <add>, %convert_element_type3A_1243, %reduce_sum3A_1244 [0] : vector<256x128xf32> to vector<128xf32>
    %broadcast_in_dim3A_1246 = vector.shape_cast %reduce_sum3A_1245 : vector<128xf32> to vector<1x128xf32>
    %add3A_1247 = arith.addf %add3A_1237, %broadcast_in_dim3A_1246 : vector<1x128xf32>
    %slice3A_1248 = vector.extract_strided_slice %get3A_1 {offsets = [0, 125], sizes = [256, 1], strides = [1, 1]} : vector<256x128xi32> to vector<256x1xi32>
    %broadcast_in_dim3A_1249 = vector.shape_cast %slice3A_1248 : vector<256x1xi32> to vector<256x1xi32>
    %broadcast_in_dim3A_1250 = vector.broadcast %broadcast_in_dim3A_1249 : vector<256x1xi32> to vector<256x128xi32>
    %eq3A_1251 = arith.cmpi eq, %broadcast_in_dim3A_1250, %iota3A : vector<256x128xi32>
    %convert_element_type3A_1252 = arith.extui %eq3A_1251 : vector<256x128xi1> to vector<256x128xi32>
    %convert_element_type3A_1253 = arith.sitofp %convert_element_type3A_1252 : vector<256x128xi32> to vector<256x128xf32>
    %reduce_sum3A_1254 = arith.constant dense<0.000000e+00> : vector<128xf32>
    %reduce_sum3A_1255 = vector.multi_reduction <add>, %convert_element_type3A_1253, %reduce_sum3A_1254 [0] : vector<256x128xf32> to vector<128xf32>
    %broadcast_in_dim3A_1256 = vector.shape_cast %reduce_sum3A_1255 : vector<128xf32> to vector<1x128xf32>
    %add3A_1257 = arith.addf %add3A_1247, %broadcast_in_dim3A_1256 : vector<1x128xf32>
    %slice3A_1258 = vector.extract_strided_slice %get3A_1 {offsets = [0, 126], sizes = [256, 1], strides = [1, 1]} : vector<256x128xi32> to vector<256x1xi32>
    %broadcast_in_dim3A_1259 = vector.shape_cast %slice3A_1258 : vector<256x1xi32> to vector<256x1xi32>
    %broadcast_in_dim3A_1260 = vector.broadcast %broadcast_in_dim3A_1259 : vector<256x1xi32> to vector<256x128xi32>
    %eq3A_1261 = arith.cmpi eq, %broadcast_in_dim3A_1260, %iota3A : vector<256x128xi32>
    %convert_element_type3A_1262 = arith.extui %eq3A_1261 : vector<256x128xi1> to vector<256x128xi32>
    %convert_element_type3A_1263 = arith.sitofp %convert_element_type3A_1262 : vector<256x128xi32> to vector<256x128xf32>
    %reduce_sum3A_1264 = arith.constant dense<0.000000e+00> : vector<128xf32>
    %reduce_sum3A_1265 = vector.multi_reduction <add>, %convert_element_type3A_1263, %reduce_sum3A_1264 [0] : vector<256x128xf32> to vector<128xf32>
    %broadcast_in_dim3A_1266 = vector.shape_cast %reduce_sum3A_1265 : vector<128xf32> to vector<1x128xf32>
    %add3A_1267 = arith.addf %add3A_1257, %broadcast_in_dim3A_1266 : vector<1x128xf32>
    %slice3A_1268 = vector.extract_strided_slice %get3A_1 {offsets = [0, 127], sizes = [256, 1], strides = [1, 1]} : vector<256x128xi32> to vector<256x1xi32>
    %broadcast_in_dim3A_1269 = vector.shape_cast %slice3A_1268 : vector<256x1xi32> to vector<256x1xi32>
    %broadcast_in_dim3A_1270 = vector.broadcast %broadcast_in_dim3A_1269 : vector<256x1xi32> to vector<256x128xi32>
    %eq3A_1271 = arith.cmpi eq, %broadcast_in_dim3A_1270, %iota3A : vector<256x128xi32>
    %convert_element_type3A_1272 = arith.extui %eq3A_1271 : vector<256x128xi1> to vector<256x128xi32>
    %convert_element_type3A_1273 = arith.sitofp %convert_element_type3A_1272 : vector<256x128xi32> to vector<256x128xf32>
    %reduce_sum3A_1274 = arith.constant dense<0.000000e+00> : vector<128xf32>
    %reduce_sum3A_1275 = vector.multi_reduction <add>, %convert_element_type3A_1273, %reduce_sum3A_1274 [0] : vector<256x128xf32> to vector<128xf32>
    %broadcast_in_dim3A_1276 = vector.shape_cast %reduce_sum3A_1275 : vector<128xf32> to vector<1x128xf32>
    %add3A_1277 = arith.addf %add3A_1267, %broadcast_in_dim3A_1276 : vector<1x128xf32>
    %eq3A_1278 = arith.constant 0 : i32
    %eq3A_1279 = arith.cmpi eq, %arg0, %eq3A_1278 : i32
    %convert_element_type3A_1280 = arith.extui %eq3A_1279 : i1 to i32
    %cond3A = arith.constant 0 : i32
    %cond3A_1281 = arith.cmpi ne, %convert_element_type3A_1280, %cond3A : i32
    scf.if %cond3A_1281 {
      %broadcast_in_dim3A_1290 = arith.constant 0.000000e+00 : f32
      %broadcast_in_dim3A_1291 = vector.broadcast %broadcast_in_dim3A_1290 : f32 to vector<8x128xf32>
      %swap3A_1292 = arith.constant 0 : index
      %swap3A_1293 = arith.constant 0 : index
      %swap3A_1294 = vector.load %arg2[%swap3A_1292, %swap3A_1293] : memref<8x128xf32, #tpu.memory_space<vmem>>, vector<8x128xf32>
      tpu.vector_store %arg2[%swap3A_1292, %swap3A_1293], %broadcast_in_dim3A_1291 {strides = array<i32>} : memref<8x128xf32, #tpu.memory_space<vmem>>, vector<8x128xf32>,
    } else {
    }
    %get3A_1282 = arith.constant 0 : index
    %get3A_1283 = arith.constant 0 : index
    %get3A_1284 = vector.load %arg2[%get3A_1282, %get3A_1283] : memref<8x128xf32, #tpu.memory_space<vmem>>, vector<8x128xf32>
    %broadcast_in_dim3A_1285 = vector.shape_cast %add3A_1277 : vector<1x128xf32> to vector<1x128xf32>
    %broadcast_in_dim3A_1286 = vector.broadcast %broadcast_in_dim3A_1285 : vector<1x128xf32> to vector<8x128xf32>
    %add3A_1287 = arith.addf %get3A_1284, %broadcast_in_dim3A_1286 : vector<8x128xf32>
    %swap3A = arith.constant 0 : index
    %swap3A_1288 = arith.constant 0 : index
    %swap3A_1289 = vector.load %arg2[%swap3A, %swap3A_1288] : memref<8x128xf32, #tpu.memory_space<vmem>>, vector<8x128xf32>
    tpu.vector_store %arg2[%swap3A, %swap3A_1288], %add3A_1287 {strides = array<i32>} : memref<8x128xf32, #tpu.memory_space<vmem>>, vector<8x128xf32>,
    return
  }
  func.func @transform_0(%arg0: i32) -> (i32, i32) {
    %c0_i32 = arith.constant 0 : i32
    %c0_i32_0 = arith.constant 0 : i32
    return %arg0, %c0_i32 : i32, i32
  }
  func.func @transform_1(%arg0: i32) -> (i32, i32) {
    %c0_i32 = arith.constant 0 : i32
    %c0_i32_0 = arith.constant 0 : i32
    %c0_i32_1 = arith.constant 0 : i32
    return %c0_i32, %c0_i32_0 : i32, i32
  }
}

module attributes {stable_mosaic.version = 14 : i64} {
  func.func @_combine_kernel(%arg0: memref<32x100x128xf32, #tpu.memory_space<vmem>>, %arg1: memref<8x128xf32, #tpu.memory_space<vmem>>, %arg2: memref<100x128xf32, #tpu.memory_space<vmem>>, %arg3: memref<100xi32, #tpu.memory_space<vmem>>, %arg4: memref<1x1xf32, #tpu.memory_space<smem>>) attributes {dimension_semantics = [], scalar_prefetch = 0 : i64, scratch_operands = 0 : i64, tpu.core_type = #tpu.core_type<tc>} {
    %get3A = arith.constant 0 : index
    %get3A_0 = arith.constant 0 : index
    %get3A_1 = arith.constant 0 : index
    %get3A_2 = vector.load %arg0[%get3A, %get3A_0, %get3A_1] : memref<32x100x128xf32, #tpu.memory_space<vmem>>, vector<32x100x128xf32>
    %reduce_sum3A = arith.constant dense<0.000000e+00> : vector<100x128xf32>
    %reduce_sum3A_3 = vector.multi_reduction <add>, %get3A_2, %reduce_sum3A [0] : vector<32x100x128xf32> to vector<100x128xf32>
    %get3A_4 = arith.constant 0 : index
    %get3A_5 = vector.load %arg3[%get3A_4] : memref<100xi32, #tpu.memory_space<vmem>>, vector<100xi32>
    %broadcast_in_dim3A = vector.shape_cast %get3A_5 : vector<100xi32> to vector<100x1xi32>
    %iota3A = tpu.iota {dimensions = array<i32: 1>} : vector<100x100xi32>
    %eq3A = vector.broadcast %broadcast_in_dim3A : vector<100x1xi32> to vector<100x100xi32>
    %eq3A_6 = arith.cmpi eq, %eq3A, %iota3A : vector<100x100xi32>
    %convert_element_type3A = arith.extui %eq3A_6 : vector<100x100xi1> to vector<100x100xi32>
    %convert_element_type3A_7 = arith.sitofp %convert_element_type3A : vector<100x100xi32> to vector<100x100xf32>
    %broadcast_in_dim3A_8 = vector.shape_cast %get3A_5 : vector<100xi32> to vector<100x1xi32>
    %iota3A_9 = tpu.iota {dimensions = array<i32: 1>} : vector<100x128xi32>
    %eq3A_10 = vector.broadcast %broadcast_in_dim3A_8 : vector<100x1xi32> to vector<100x128xi32>
    %eq3A_11 = arith.cmpi eq, %eq3A_10, %iota3A_9 : vector<100x128xi32>
    %convert_element_type3A_12 = arith.extui %eq3A_11 : vector<100x128xi1> to vector<100x128xi32>
    %convert_element_type3A_13 = arith.sitofp %convert_element_type3A_12 : vector<100x128xi32> to vector<100x128xf32>
    %get3A_14 = arith.constant 0 : index
    %get3A_15 = arith.constant 0 : index
    %get3A_16 = vector.load %arg1[%get3A_14, %get3A_15] : memref<8x128xf32, #tpu.memory_space<vmem>>, vector<1x128xf32>
    %broadcast_in_dim3A_17 = vector.shape_cast %get3A_16 : vector<1x128xf32> to vector<1x128xf32>
    %broadcast_in_dim3A_18 = vector.broadcast %broadcast_in_dim3A_17 : vector<1x128xf32> to vector<128x128xf32>
    %iota3A_19 = tpu.iota {dimensions = array<i32: 0>} : vector<128x128xi32>
    %iota3A_20 = tpu.iota {dimensions = array<i32: 1>} : vector<128x128xi32>
    %eq3A_21 = arith.cmpi eq, %iota3A_19, %iota3A_20 : vector<128x128xi32>
    %jit3A = arith.constant 0.000000e+00 : f32
    %broadcast_in_dim3A_22 = vector.broadcast %jit3A : f32 to vector<128x128xf32>
    %select_n3A = arith.select %eq3A_21, %broadcast_in_dim3A_18, %broadcast_in_dim3A_22 : vector<128x128xi1>, vector<128x128xf32>
    %reduce_sum3A_23 = arith.constant dense<0.000000e+00> : vector<128xf32>
    %reduce_sum3A_24 = vector.multi_reduction <add>, %select_n3A, %reduce_sum3A_23 [1] : vector<128x128xf32> to vector<128xf32>
    %broadcast_in_dim3A_25 = vector.shape_cast %reduce_sum3A_24 : vector<128xf32> to vector<128x1xf32>
    %dot_general3A = arith.constant dense<0.000000e+00> : vector<100x128xf32>
    %dot_general3A_26 = tpu.matmul %convert_element_type3A_7, %reduce_sum3A_3, %dot_general3A {dimension_numbers = #tpu.dot_dimension_numbers<[1], [0], [0], [1], [0, 0, 1, 1], [], []>, precision = #tpu.contract_precision<fp32>, transpose_lhs_hint = false} : vector<100x100xf32>, vector<100x128xf32>, vector<100x128xf32> -> vector<100x128xf32>
    %dot_general3A_27 = arith.constant dense<0.000000e+00> : vector<100x1xf32>
    %dot_general3A_28 = tpu.matmul %convert_element_type3A_13, %broadcast_in_dim3A_25, %dot_general3A_27 {dimension_numbers = #tpu.dot_dimension_numbers<[1], [0], [0], [1], [0, 0, 1, 1], [], []>, precision = #tpu.contract_precision<fp32>, transpose_lhs_hint = false} : vector<100x128xf32>, vector<128x1xf32>, vector<100x1xf32> -> vector<100x1xf32>
    %max3A = arith.constant 1.000000e+00 : f32
    %max3A_29 = vector.broadcast %max3A : f32 to vector<100x1xf32>
    %max3A_30 = arith.maximumf %dot_general3A_28, %max3A_29 : vector<100x1xf32>
    %div3A = vector.broadcast %max3A_30 : vector<100x1xf32> to vector<100x128xf32>
    %div3A_31 = arith.divf %dot_general3A_26, %div3A : vector<100x128xf32>
    %gt3A = arith.constant 0.000000e+00 : f32
    %gt3A_32 = vector.broadcast %gt3A : f32 to vector<100x1xf32>
    %gt3A_33 = arith.cmpf ogt, %dot_general3A_28, %gt3A_32 : vector<100x1xf32>
    %convert_element_type3A_34 = arith.extui %gt3A_33 : vector<100x1xi1> to vector<100x1xi32>
    %convert_element_type3A_35 = arith.sitofp %convert_element_type3A_34 : vector<100x1xi32> to vector<100x1xf32>
    %get3A_36 = arith.constant 0 : index
    %get3A_37 = arith.constant 0 : index
    %get3A_38 = vector.load %arg2[%get3A_36, %get3A_37] : memref<100x128xf32, #tpu.memory_space<vmem>>, vector<100x128xf32>
    %sub3A = arith.subf %get3A_38, %div3A_31 : vector<100x128xf32>
    %integer_pow3A = arith.mulf %sub3A, %sub3A : vector<100x128xf32>
    %reduce_sum3A_39 = arith.constant dense<0.000000e+00> : vector<100xf32>
    %reduce_sum3A_40 = vector.multi_reduction <add>, %integer_pow3A, %reduce_sum3A_39 [1] : vector<100x128xf32> to vector<100xf32>
    %broadcast_in_dim3A_41 = vector.shape_cast %reduce_sum3A_40 : vector<100xf32> to vector<100x1xf32>
    %mul3A = arith.mulf %broadcast_in_dim3A_41, %convert_element_type3A_35 : vector<100x1xf32>
    %reduce_sum3A_42 = vector.shape_cast %convert_element_type3A_35 : vector<100x1xf32> to vector<1x100x1xf32>
    %reduce_sum3A_43 = arith.constant dense<0.000000e+00> : vector<1xf32>
    %reduce_sum3A_44 = vector.multi_reduction <add>, %reduce_sum3A_42, %reduce_sum3A_43 [1, 2] : vector<1x100x1xf32> to vector<1xf32>
    %reduce_sum3A_45 = vector.shape_cast %reduce_sum3A_44 : vector<1xf32> to vector<1x1x1xf32>
    %reduce_sum3A_46 = vector.extract %reduce_sum3A_45[0, 0, 0] : f32 from vector<1x1x1xf32>
    %mul3A_47 = arith.constant 1.280000e+02 : f32
    %mul3A_48 = arith.mulf %reduce_sum3A_46, %mul3A_47 : f32
    %max3A_49 = arith.constant 1.000000e+00 : f32
    %max3A_50 = arith.maximumf %mul3A_48, %max3A_49 : f32
    %reduce_sum3A_51 = vector.shape_cast %mul3A : vector<100x1xf32> to vector<1x100x1xf32>
    %reduce_sum3A_52 = arith.constant dense<0.000000e+00> : vector<1xf32>
    %reduce_sum3A_53 = vector.multi_reduction <add>, %reduce_sum3A_51, %reduce_sum3A_52 [1, 2] : vector<1x100x1xf32> to vector<1xf32>
    %reduce_sum3A_54 = vector.shape_cast %reduce_sum3A_53 : vector<1xf32> to vector<1x1x1xf32>
    %reduce_sum3A_55 = vector.extract %reduce_sum3A_54[0, 0, 0] : f32 from vector<1x1x1xf32>
    %div3A_56 = arith.divf %reduce_sum3A_55, %max3A_50 : f32
    %swap3A = arith.constant 0 : index
    %swap3A_57 = arith.constant 0 : index
    %swap3A_58 = memref.load %arg4[%swap3A, %swap3A_57] : memref<1x1xf32, #tpu.memory_space<smem>>
    memref.store %div3A_56, %arg4[%swap3A, %swap3A_57] : memref<1x1xf32, #tpu.memory_space<smem>>
    return
  }
}

</mosaic_0001>

<sc_bundles>
// kernel: kernel.5.cloned.1.call-start
scs
__scs_entry_jumppad:
0x0: {  	(pc) =	sbr.rel $0x88, $3  }
0x1: {  	(tag) =	ssettag $0x0;
	lr =	simm.s32 $0x1  }
0x2: {  	[smem:$0x3F9D] =	sst lr;
	_ =	strace $0xD0000000  }
0x3: {  	_ = 	snop  }
0x4: {  	_ = 	snop  }
0x5: {  	_ = 	snop  }
0x6: {  	_ = 	snop  }
0x7: {  	_ = 	snop  }
__scs_overlays_trampoline_lowered:
0x8: {  	[smem:$0x3FAC] =	sst s0  }
0x9: {  	[smem:$0x3FAD] =	sst s1  }
0xa: {  	[smem:$0x3FAE] =	sst s2  }
0xb: {  	[smem:$0x3FAF] =	sst s3  }
0xc: {  	[smem:$0x3FB0] =	sst s4  }
0xd: {  	[smem:$0x3FB1] =	sst s5  }
0xe: {  	[smem:$0x3FB2] =	sst s6  }
0xf: {  	[smem:$0x3FB3] =	sst s7  }
0x10: {  	[smem:$0x3FB4] =	sst s8  }
0x11: {  	[smem:$0x3FB5] =	sst s9;
	s0 =	simm.s32 @!p0 $0x0  }
0x12: {  	s1 =	sld [smem:$0x3F9B];
	s0 =	simm.s32 @p0 $0x1  }
0x13: {  	[smem:$0x3FB6] =	sst s0;
	s0 =	simm.s32 @!p1 $0x0  }
0x14: {  	s2 =	sld [smem:$0x3F9A];
	s0 =	simm.s32 @p1 $0x1  }
0x15: {  	[smem:$0x3FB7] =	sst s0;
	s0 =	simm.s32 @!p2 $0x0  }
0x16: {  	s3 =	sld [smem:$0x3FDB];
	s0 =	simm.s32 @p2 $0x1  }
0x17: {  	s4 =	simm.s32 $0x1BF5;
	[smem:$0x3FB9] =	sst s0  }
0x18: {  	s0 =	sld [smem:$0x3F9C];
	_ =	swait.ge [sflag:s4], $0x0  }
0x19: {  	s7 =	sld [smem:$0x3F9D]  }
0x1a: {  	s8 =	sadd.s32 $0xFFFFE003, lr  }
0x1b: {  	s9 =	sadd.s32 $0xFFFFFEF7, lr;
	s5 =	simm.s32 $0xFFFFFFFF;
	p2 =	slt.u32 s8, $0xFFFFF086  }
0x1c: {  	p1 =	slt.u32 s9, $0xF7A;
	s5 =	simm.s32 @!p2 $0x0  }
0x1d: {  	s5 =	simm.s32 @p1 $0x1;
	p0 =	seq.s32 s7, s2  }
0x1e: {  	s7 =	smul.u32 @!p0 $0xF7A, s2;
	p2 =	seq.s32 @!p0 s5, $0x0  }
0x1f: {  	s9 =	smul.u32 $0xF7A, s1;
	s8 =	simm.s32 @!p0 $0x1BF5;
	p2 =	por !p2, p0  }
0x20: {  	[sflag:s8] =	ssyncset.s32 @!p0 $0xFFFFF086;
	s6 =	sadd.s32 @!p0 s3, s7;
	s7 =	simm.s32 @!p0 $0x108  }
0x21: {  	s3 =	sadd.s32 s3, s9;
	s6 =	sadd.s32 @!p0 $0x88, s6;
	s7 =	simm.s32 @p2 $0x1082  }
0x22: {  	[simem:s7], [sflag:s8] =	dma.local @!p0 [hbm:s6], $0xF7A  }
0x23: {  	s9 =	sor.u32 $0xD0000000, s2;
	s6 =	simm.s32 $0x108;
	_ =	swait.ge @!p0 [sflag:s8], $0x0  }
0x24: {  	s3 =	sadd.s32 $0x88, s3;
	s6 =	simm.s32 @!p1 $0x1082;
	[sflag:s4] =	ssyncset.s32 $0xFFFFF086  }
0x25: {  	[simem:s6], [sflag:s4] =	dma.local [hbm:s3], $0xF7A  }
0x26: {  	[smem:$0x3F9D] =	sst s1;
	(tag) =	ssettag s2;
	_ =	strace s9  }
0x27: {  	s1 =	sld [smem:$0x3FAD]  }
0x28: {  	s2 =	sld [smem:$0x3FAE]  }
0x29: {  	s4 =	sld [smem:$0x3FB0]  }
0x2a: {  	p0 =	seq.s32 s5, $0x0;
	s5 =	sld [smem:$0x3FB1]  }
0x2b: {  	s6 =	sld [smem:$0x3FB2]  }
0x2c: {  	s7 =	sld [smem:$0x3FB3]  }
0x2d: {  	s3 =	simm.s32 $0x108;
	s8 =	sld [smem:$0x3FB4]  }
0x2e: {  	s3 =	simm.s32 @!p0 $0x1082;
	s9 =	sld [smem:$0x3FB5]  }
0x2f: {  	lr =	sadd.s32 s0, s3;
	s0 =	sld [smem:$0x3FAC]  }
0x30: {  	s3 =	sld [smem:$0x3FAF]  }
0x31: {  	[smem:$0x3FB8] =	sst s10  }
0x32: {  	s10 =	sld [smem:$0x3FB6];
	_ =	sdelay $0x3  }
0x33: {  	p0 =	seq.s32 s10, $0x1;
	s10 =	sld [smem:$0x3FB8];
	_ =	sdelay $0x3  }
0x34: {  	[smem:$0x3FB8] =	sst s10  }
0x35: {  	s10 =	sld [smem:$0x3FB7];
	_ =	sdelay $0x3  }
0x36: {  	p1 =	seq.s32 s10, $0x1;
	s10 =	sld [smem:$0x3FB8];
	_ =	sdelay $0x3  }
0x37: {  	[smem:$0x3FB8] =	sst s10  }
0x38: {  	s10 =	sld [smem:$0x3FB9]  }
0x39: {  	_ = 	snop;
	(pc) =	sbr.ind lr, $3  }
0x3a: {  	_ = 	snop  }
0x3b: {  	_ = 	snop  }
0x3c: {  	p2 =	seq.s32 s10, $0x1;
	s10 =	sld [smem:$0x3FB8]  }
0x3d: {  	_ =	shalt  }
0x3e: {  	_ =	shalt  }
0x3f: {  	_ =	shalt  }
0x40: {  	_ =	shalt  }
0x41: {  	_ =	shalt  }
0x42: {  	_ =	shalt  }
0x43: {  	_ =	shalt  }
0x44: {  	_ =	shalt  }
0x45: {  	_ =	shalt  }
0x46: {  	_ =	shalt  }
0x47: {  	_ =	shalt  }
0x48: {  	_ =	shalt  }
0x49: {  	_ =	shalt  }
0x4a: {  	_ =	shalt  }
0x4b: {  	_ =	shalt  }
0x4c: {  	_ =	shalt  }
0x4d: {  	_ =	shalt  }
0x4e: {  	_ =	shalt  }
0x4f: {  	_ =	shalt  }
0x50: {  	_ =	shalt  }
0x51: {  	_ =	shalt  }
0x52: {  	_ =	shalt  }
0x53: {  	_ =	shalt  }
0x54: {  	_ =	shalt  }
0x55: {  	_ =	shalt  }
0x56: {  	_ =	shalt  }
0x57: {  	_ =	shalt  }
0x58: {  	_ =	shalt  }
0x59: {  	_ =	shalt  }
0x5a: {  	_ =	shalt  }
0x5b: {  	_ =	shalt  }
0x5c: {  	_ =	shalt  }
0x5d: {  	_ =	shalt  }
0x5e: {  	_ =	shalt  }
0x5f: {  	_ =	shalt  }
0x60: {  	_ =	shalt  }
0x61: {  	_ =	shalt  }
0x62: {  	_ =	shalt  }
0x63: {  	_ =	shalt  }
0x64: {  	_ =	shalt  }
0x65: {  	_ =	shalt  }
0x66: {  	_ =	shalt  }
0x67: {  	_ =	shalt  }
0x68: {  	_ =	shalt  }
0x69: {  	_ =	shalt  }
0x6a: {  	_ =	shalt  }
0x6b: {  	_ =	shalt  }
0x6c: {  	_ =	shalt  }
0x6d: {  	_ =	shalt  }
0x6e: {  	_ =	shalt  }
0x6f: {  	_ =	shalt  }
0x70: {  	_ =	shalt  }
0x71: {  	_ =	shalt  }
0x72: {  	_ =	shalt  }
0x73: {  	_ =	shalt  }
0x74: {  	_ =	shalt  }
0x75: {  	_ =	shalt  }
0x76: {  	_ =	shalt  }
0x77: {  	_ =	shalt  }
0x78: {  	_ =	shalt  }
0x79: {  	_ =	shalt  }
0x7a: {  	_ =	shalt  }
0x7b: {  	_ =	shalt  }
0x7c: {  	_ =	shalt  }
0x7d: {  	_ =	shalt  }
0x7e: {  	_ =	shalt  }
0x7f: {  	_ =	shalt  }
0x80: {  	_ =	shalt  }
0x81: {  	_ =	shalt  }
0x82: {  	_ =	shalt  }
0x83: {  	_ =	shalt  }
0x84: {  	_ =	shalt  }
0x85: {  	_ =	shalt  }
0x86: {  	_ =	shalt  }
0x87: {  	_ =	shalt  }
.Lfunc_end0:
.L_simem_size_0:
called_computation_lowered:
.L_overlay_start_0:
0x88: {  	s2 =	sld [smem:$0x3FD9]  }
0x89: {  	s3 =	sld [smem:$0x3FFE];
	_ =	sdelay $0x1  }
0x8a: {  	s1 =	srdreg.scid  }
0x8b: {  	s0 =	sand.u32 $0x1, s1  }
0x8c: {  	s17 =	sshll.u32 s0, $0xA;
	s2 =	sadd.s32 s3, s2  }
0x8d: {  	s2 =	sadd.s32 s2, s17  }
0x8e: {  	[smem:$0x3FC4] =	sst s2  }
0x8f: {  	_ = 	snop  }
0x90: {  	s2 =	sld [smem:$0x3FC7];
	(tm) =	ssettm $0x1  }
0x91: {  	s18 =	sld [smem:$0x3FFB];
	_ =	sdelay $0x3  }
0x92: {  	_ =	strace s18  }
0x93: {  	s3 =	sld [smem:$0x3FFC];
	_ =	sdelay $0x3  }
0x94: {  	_ =	strace s3  }
0x95: {  	s3 =	sld [smem:$0x3FFD];
	_ =	sdelay $0x3  }
0x96: {  	_ =	strace s3  }
0x97: {  	_ =	strace $0x8FFFFFFF  }
0x98: {  	s19 =	sld [smem:$0x3FDB];
	_ =	sdelay $0x1  }
0x99: {  	s4 =	simm.s32 $_scs_section_size  }
0x9a: {  	s5 =	simm.s32 $_size__tile_overlayer_lowered;
	s6 =	simm.s32 $_tile_overlayer_lowered  }
0x9b: {  	s22 =	simm.s32 $0x1BFF;
	s21 =	sshll.u32 s6, $0x1;
	s3 =	sadd.s32 s4, s19  }
0x9c: {  	s7 =	simm.s32 $0x0;
	s20 =	sshll.u32 s5, $0x1;
	s5 =	sadd.s32 s21, s3  }
0x9d: {  	[timem:s7], [sflag:s22] =	dma.local [hbm:s5], s20  }
0x9e: {  	_ =	swait.ge [sflag:s22], s20  }
0x9f: {  	s4 =	ssub.s32 $0x0, s20;
	[sflag:s22] =	ssyncset.done $0x0  }
0xa0: {  	[sflag:s22] =	ssyncadd.s32 s4;
	_ =	sdelay $0x1  }
0xa1: {  	s23 =	simm.s32 $0x1B8B  }
0xa2: {  	_ =	swait.ge [sflag:s23], $0x1  }
0xa3: {  	[sflag:s23] =	ssyncset.done $0x0  }
0xa4: {  	s25 =	simm.s32 $0x1B8E;
	s24 =	sld [smem:$0x3FFE];
	[sflag:s23] =	ssyncadd.s32 $0xFFFFFFFF  }
0xa5: {  	s26 =	simm.s32 $execute0_lowered;
	[smem:$0x3FD2] =	sst s25  }
0xa6: {  	s5 =	sshll.u32 s26, $0x1;
	_ =	strace $0x80000046;
	[dreg:$0x1] =	wrdreg $0xFFFFFFFF  }
0xa7: {  	s28 =	simm.s32 $_size_execute0_lowered;
	s3 =	sadd.s32 s3, s5;
	[dreg:$0x0] =	wrdreg $0x0  }
0xa8: {  	s5 =	sshll.u32 s28, $0x1;
	[dreg:$0x2] =	wrdreg s3  }
0xa9: {  	[dreg:$0x3] =	wrdreg s5  }
0xaa: {  	[dreg:$0x4] =	wrdreg $0xC0  }
0xab: {  	_ =	task [dreg:s7], $0x5FFFF  }
0xac: {  	[dreg:$0x1] =	wrdreg $0xFFFFFFFF  }
0xad: {  	[dreg:$0x0] =	wrdreg $0x60  }
0xae: {  	[dreg:$0x2] =	wrdreg s2  }
0xaf: {  	[dreg:$0x3] =	wrdreg s24  }
0xb0: {  	[dreg:$0x4] =	wrdreg $0x198000  }
0xb1: {  	[dreg:$0x5] =	wrdreg $0x9  }
0xb2: {  	_ =	task.clear_ibuf [dreg:s7], $0x6FFFF;
	_ =	strace $0x90000046  }
0xb3: {  	s29 =	simm.s32 $0x9;
	_ =	strace $0x80000048  }
0xb4: {  	_ =	swait.ge [sflag:s29], $0x1  }
0xb5: {  	[sflag:s29] =	ssyncadd.s32 $0xFFFFFFFF  }
0xb6: {  	_ =	strace $0x90000048  }
0xb7: {  	_ =	sfence  }
0xb8: {  	s30 =	sld [smem:$0x0];
	_ =	sdelay $0x2  }
0xb9: {  	s31 =	sshll.u32 s1, $0xD;
	s1 =	sshrl.u32 s1, $0x2  }
0xba: {  	s3 =	sand.u32 $0x4000, s31;
	s1 =	sadd.s32 s1, s30  }
0xbb: {  	s0 =	sor.u32 s3, s0;
	s1 =	sshll.u32 s1, $0x11  }
0xbc: {  	s0 =	sor.u32 s1, s0  }
0xbd: {  	s0 =	sadd.s32 $0x8F2B, s0  }
0xbe: {  	[sflag:s0] =	ssyncadd.remote.s32 $0x1  }
0xbf: {  	_ =	sfence.sel $0xFFFF  }
0xc0: {  	[dreg:$0x0] =	wrdreg $0xFFFFFFFF;
	(pc) =	sbr.abs _section_cstart, $3  }
0xc1: {  	[dreg:$0x1] =	wrdreg $0xFFFFFFFF  }
0xc2: {  	_ =	task.clear_ibuf [dreg:s7], $0x2FFFF;
	_ =	strace $0x9FFFFFFF  }
0xc3: {  	(tm) =	ssettm $0x7FFFFFFF  }
tec
execute0_lowered:
.L_overlay_start_1:
0x0: {  	(tag) =	ssettag $0x1  }
0x1: {  	s0 =	rddreg [dreg:$0x0]  }
0x2: {  	s3 =	rddreg [dreg:$0x1]  }
0x3: {  	s1 =	rddreg [dreg:$0x2]  }
0x4: {  	s4 =	srdreg.scid;
	s2 =	simm.s32 $0x0;
	s5 =	stileid.u32  }
0x5: {  	s29 =	simm.s32 $0x50;
	s30 =	simm.s32 $0x1A;
	s31 =	simm.s32 $0x1B  }
0x6: {  	s4 =	sand.u32 $0x1, s4;
	[smem:$0x7FF] =	sst s2;
	s25 =	smul.u32 $0x27100, s5  }
0x7: {  	s8 =	sadd.s32 $0xA00, s3;
	s9 =	sadd.s32 $0xA800, s3;
	s7 =	smul.u32 $0x6400, s4  }
0x8: {  	p0 =	sne.s32 s5, $0x0;
	s6 =	sshll.u32 s4, $0x4;
	s23 =	smul.u32 $0x271000, s4  }
0x9: {  	s13 =	ssub.s32 $0x2, s4;
	s4 =	smul.u32 $0x4E20, s4;
	s6 =	sor.u32 s5, s6  }
0xa: {  	_ =	strace $0x80000047;
	[dreg:$0x4] =	wrdreg s9;
	s28 =	smul.u32 $0x2710, s6  }
0xb: {  	s11 =	sshrl.u32 s13, $0x1;
	s3 =	sadd.s32 s7, s3;
	s10 =	smul.u32 $0x4E2, s6  }
0xc: {  	s6 =	smul.u32 $0x27100, s6;
	s7 =	ssub.s32 s13, s11;
	s4 =	sadd.s32 s4, s8  }
0xd: {  	s3 =	sadd.s32 $0x10C00, s3;
	s12 =	sadd.s32 $0x50, s28;
	s10 =	sadd.s32 s8, s10  }
0xe: {  	s6 =	sadd.s32 s0, s6;
	s17 =	sadd.s32 $0xA0, s28;
	[dreg:$0xf] =	wrdreg s3  }
0xf: {  	s18 =	sadd.s32 $0xF0, s28;
	s9 =	sadd.s32 $0x140, s28;
	[dreg:$0x5] =	wrdreg s10  }
0x10: {  	s28 =	smul.u32 $0x4E2, s5;
	s14 =	sshrl.u32 s12, $0x3;
	[dreg:$0x6] =	wrdreg s6  }
0x11: {  	s16 =	sshll.u32 s12, $0x4;
	s19 =	sshrl.u32 s17, $0x3;
	s20 =	sshrl.u32 s18, $0x3  }
0x12: {  	s22 =	sshll.u32 s18, $0x4;
	s24 =	sshrl.u32 s9, $0x3;
	s26 =	sshll.u32 s9, $0x4  }
0x13: {  	s18 =	sshrl.u32 @!p0 s1, $0x3;
	s15 =	sadd.s32 s8, s14;
	s6 =	sadd.s32 s0, s16  }
0x14: {  	s11 =	sadd.s32 s8, s19;
	s21 =	sadd.s32 s8, s20;
	[dreg:$0x7] =	wrdreg s15  }
0x15: {  	s3 =	sadd.s32 s28, s4;
	s19 =	simm.s32 $0x1D;
	[dreg:$0x8] =	wrdreg s6  }
0x16: {  	s20 =	simm.s32 $0x1E;
	s6 =	sshll.u32 s17, $0x4;
	[dreg:$0x9] =	wrdreg s11  }
0x17: {  	[dreg:$0xb] =	wrdreg s21;
	s15 =	smax.u32 s7, $0x1;
	s6 =	sadd.s32 s0, s6  }
0x18: {  	s17 =	sadd.s32 $0x32, s3;
	[dreg:$0xa] =	wrdreg s6;
	s6 =	sadd.s32 s0, s22  }
0x19: {  	s21 =	simm.s32 $0x15;
	[dreg:$0xc] =	wrdreg s6;
	s6 =	sadd.s32 s8, s24  }
0x1a: {  	s22 =	simm.s32 $0x16;
	s24 =	simm.s32 $0x18;
	[dreg:$0xd] =	wrdreg s6  }
0x1b: {  	s6 =	sadd.s32 s0, s26;
	s0 =	sadd.s32 s23, s0;
	s23 =	simm.s32 $0x17  }
0x1c: {  	s26 =	simm.s32 $0x0;
	[dreg:$0xe] =	wrdreg s6;
	s0 =	sadd.s32 s25, s0  }
0x1d: {  	s25 =	simm.s32 $0x19;
	s6 =	sadd.s32 $0x1900, s0;
	s0 =	simm.s32 $0x1C  }
.LBB2_1:
0x1e: {  	s3 =	simm.s32 @!p0 $0x1C1F;
	s4 =	rddreg [dreg:$0x4]  }
0x1f: {  	[spmem:s18], [sflag:s3] =	dma.local @!p0 [hbm:s4], $0x6400  }
0x20: {  	s3 =	simm.s32 @!p0 $0x1F  }
0x21: {  	_ =	swait.ge @!p0 [sflag:s3], $0x6400  }
0x22: {  	[sflag:s3] =	ssyncset.done @!p0 $0x0  }
0x23: {  	[sflag:s3] =	ssyncadd.s32 @!p0 $0xFFFF9C00  }
0x24: {  	[bflag:$0x0] =	sbarrier.arrive $0xFFFF  }
0x25: {  	s4 =	rddreg [dreg:$0x5]  }
0x26: {  	[tilespmem:s2], [sflag:$0x1] =	stream.linear.gather [hbm4b:s4+s2], $0x50, $0x38;
	[tilespmem:$0x1CA00] =	vst v63  }
0x27: {  	s7 =	simm.s32 $0x800;
	s5 =	rddreg [dreg:$0x6]  }
0x28: {  	[tilespmem:s7], [sflag:$0xB] =	stream.linear.gather [hbm4b:s5+s2], $0x2800, $0x38;
	[tilespmem:$0x1CA00] =	vst v63  }
0x29: {  	s9 =	simm.s32 $0x80;
	s11 =	simm.s32 $0x3000;
	s8 =	rddreg [dreg:$0x7]  }
0x2a: {  	[tilespmem:s9], [sflag:$0x2] =	stream.linear.gather [hbm4b:s8+s2], $0x50, $0x38;
	[tilespmem:$0x1CA00] =	vst v63  }
0x2b: {  	s13 =	simm.s32 $0x100;
	s16 =	simm.s32 $0x5800;
	s10 =	rddreg [dreg:$0x8]  }
0x2c: {  	[tilespmem:s11], [sflag:$0xC] =	stream.linear.gather [hbm4b:s10+s2], $0x2800, $0x38;
	[tilespmem:$0x1CA00] =	vst v63  }
0x2d: {  	p1 =	por $0x0, $0x0;
	s12 =	rddreg [dreg:$0x9];
	s10 =	smul.u32 $0xCD, s2  }
0x2e: {  	[tilespmem:s13], [sflag:$0x3] =	stream.linear.gather [hbm4b:s12+s2], $0x50, $0x38;
	[tilespmem:$0x1CA00] =	vst v63  }
0x2f: {  	s14 =	rddreg [dreg:$0xa];
	s4 =	simm.s32 $0x5;
	s3 =	sshrl.u32 s10, $0xB  }
0x30: {  	s4 =	smul.u32 @!p1 $0xCD, s4;
	s5 =	rddreg [dreg:$0xb];
	s3 =	sand.u32 $0x1F, s3  }
0x31: {  	[tilespmem:s16], [sflag:$0xD] =	stream.linear.gather [hbm4b:s14+s2], $0x2800, $0x38;
	[tilespmem:$0x1CA00] =	vst v63  }
0x32: {  	s7 =	simm.s32 $0x180;
	s4 =	sshrl.u32 @!p1 s4, $0xB;
	s3 =	smul.u32 $0xA, s3  }
0x33: {  	[tilespmem:s7], [sflag:$0x4] =	stream.linear.gather [hbm4b:s5+s2], $0x50, $0x38;
	[tilespmem:$0x1CA00] =	vst v63  }
0x34: {  	s8 =	rddreg [dreg:$0xc];
	s9 =	simm.s32 $0x8000;
	s3 =	ssub.s32 $0x0, s3  }
0x35: {  	[tilespmem:s9], [sflag:$0xE] =	stream.linear.gather [hbm4b:s8+s2], $0x2800, $0x38;
	[tilespmem:$0x1CA00] =	vst v63  }
0x36: {  	s11 =	rddreg [dreg:$0xd];
	s5 =	simm.s32 $0x200;
	s3 =	sand.u32 $0xFF, s3  }
0x37: {  	[tilespmem:s5], [sflag:$0x5] =	stream.linear.gather [hbm4b:s11+s2], $0x50, $0x38;
	[tilespmem:$0x1CA00] =	vst v63  }
0x38: {  	s12 =	rddreg [dreg:$0xe];
	s13 =	simm.s32 $0xA800;
	s14 =	sadd.s32 $0x1, s3  }
0x39: {  	[tilespmem:s13], [sflag:$0xF] =	stream.linear.gather [hbm4b:s12+s2], $0x2800, $0x38;
	[tilespmem:$0x1CA00] =	vst v63  }
0x3a: {  	p2 =	por @!p1 $0x1, $0x1;
	s4 =	sand.u32 @!p1 $0x1F, s4;
	_ =	swait.ge [sflag:s14], $0x50  }
0x3b: {  	p2 =	por p2, p1;
	s4 =	smul.u32 @!p1 $0xA, s4;
	[sflag:s14] =	ssyncset.done $0x0  }
0x3c: {  	s7 =	smul.u32 $0xA000, s3;
	s16 =	sadd.s32 $0xB, s3;
	[sflag:s14] =	ssyncadd.s32 $0xFFFFFFB0  }
0x3d: {  	s4 =	ssub.s32 @!p1 $0x5, s4;
	s8 =	sshll.u32 s3, $0x7;
	_ =	swait.ge [sflag:s16], $0x2800  }
0x3e: {  	s3 =	sadd.s32 $0x15, s3;
	s7 =	sshrl.u32 s7, $0x2;
	[sflag:s16] =	ssyncset.done $0x0  }
0x3f: {  	s9 =	sand.u32 @!p1 $0xFF, s4;
	s7 =	sadd.s32 $0x800, s7;
	[sflag:s16] =	ssyncadd.s32 $0xFFFFD800  }
0x40: {  	[spmem:s1] =	stream.indirect.scatter.add.f32 [tilespmem:s7], [sflag:s3], $0x80, s8, s29, $0xb8;
	[tilespmem:$0x1CA00] =	vst v63  }
0x41: {  	s4 =	simm.s32 $0x1;
	s3 =	sadd.s32 @!p2 $0x15, s9  }
0x42: {  	s28 =	sadd.s32 $0xA, s17;
	s10 =	smul.u32 $0xCD, s4;
	_ =	swait.ge @!p2 [sflag:s3], $0x2800  }
0x43: {  	s5 =	sshll.u32 @!p1 s9, $0x7;
	s8 =	simm.s32 @!p1 $0x0;
	[sflag:s3] =	ssyncset.done @!p2 $0x0  }
0x44: {  	s7 =	smul.u32 @!p1 $0xA000, s9;
	[sflag:s3] =	ssyncadd.s32 @!p2 $0xFFFFD800;
	s3 =	sadd.s32 @!p1 $0x1, s9  }
0x45: {  	[tilespmem:s5], [sflag:s3] =	stream.linear.gather @!p1 [hbm4b:s17+s8], $0x50, $0x38;
	[tilespmem:$0x1CA00] =	vst v63  }
0x46: {  	s16 =	smov.u32 s6;
	s9 =	sadd.s32 @!p1 $0xB, s9;
	s3 =	sshrl.u32 @!p1 s7, $0x2  }
0x47: {  	s5 =	simm.s32 $0x2;
	s11 =	sadd.s32 @!p1 $0x800, s3;
	s3 =	smov.u32 s6  }
.LBB2_2:
0x48: {  	s10 =	sshrl.u32 s10, $0xB;
	s16 =	sadd.s32 $0x500, s16  }
0x49: {  	s12 =	smov.u32 s5;
	s5 =	sadd.s32 $0x1, s5;
	s7 =	smov.u32 s28  }
0x4a: {  	[tilespmem:s11], [sflag:s9] =	stream.linear.gather @!p1 [hbm4b:s3+s8], $0x2800, $0x38;
	[tilespmem:$0x1CA00] =	vst v63  }
0x4b: {  	p2 =	sne.s32 s5, $0x7D;
	s8 =	sand.u32 $0x1F, s10;
	s3 =	smov.u32 s16  }
0x4c: {  	s8 =	smul.u32 $0xA, s8;
	_ =	sdelay $0x1  }
0x4d: {  	s9 =	sadd.s32 $0x5, s4;
	p1 =	sgt.u32 s4, $0x77;
	s8 =	ssub.s32 s4, s8  }
0x4e: {  	s10 =	smul.u32 @!p1 $0xCD, s9;
	p3 =	slt.u32 @!p1 s4, $0x5;
	s8 =	sand.u32 $0xFF, s8  }
0x4f: {  	s4 =	smov.u32 s12;
	s11 =	sadd.s32 $0x1, s8;
	s13 =	smul.u32 $0xA000, s8  }
0x50: {  	s28 =	sadd.s32 $0xA, s28;
	s10 =	sshrl.u32 @!p1 s10, $0xB;
	_ =	swait.ge [sflag:s11], $0x50  }
0x51: {  	s10 =	sand.u32 @!p1 $0x1F, s10;
	s12 =	sshrl.u32 s13, $0x2;
	[sflag:s11] =	ssyncset.done $0x0  }
0x52: {  	s10 =	smul.u32 @!p1 $0xA, s10;
	[sflag:s11] =	ssyncadd.s32 $0xFFFFFFB0;
	s11 =	sadd.s32 $0xB, s8  }
0x53: {  	p3 =	por p3, p1;
	s13 =	sshll.u32 s8, $0x7;
	_ =	swait.ge [sflag:s11], $0x2800  }
0x54: {  	s9 =	ssub.s32 @!p1 s9, s10;
	s8 =	sadd.s32 $0x15, s8;
	[sflag:s11] =	ssyncset.done $0x0  }
0x55: {  	s10 =	sadd.s32 $0x800, s12;
	[sflag:s11] =	ssyncadd.s32 $0xFFFFD800;
	s11 =	sand.u32 @!p1 $0xFF, s9  }
0x56: {  	[spmem:s1] =	stream.indirect.scatter.add.f32 [tilespmem:s10], [sflag:s8], $0x80, s13, s29, $0xb8;
	[tilespmem:$0x1CA00] =	vst v63  }
0x57: {  	s13 =	smul.u32 @!p1 $0xA000, s11  }
.Ltmp0:
0x58: {  	s12 =	sadd.s32 @!p3 $0x15, s11;
	s8 =	simm.s32 @!p1 $0x0;
	(pc) =	sbr.rel @p2 .LBB2_2-.Ltmp0, $4  }
0x59: {  	s10 =	smul.u32 $0xCD, s4;
	s9 =	sadd.s32 @!p1 $0xB, s11;
	_ =	swait.ge @!p3 [sflag:s12], $0x2800  }
0x5a: {  	s14 =	sshll.u32 @!p1 s11, $0x7;
	s13 =	sshrl.u32 @!p1 s13, $0x2;
	[sflag:s12] =	ssyncset.done @!p3 $0x0  }
0x5b: {  	[sflag:s12] =	ssyncadd.s32 @!p3 $0xFFFFD800;
	s12 =	sadd.s32 @!p1 $0x1, s11;
	s11 =	sadd.s32 @!p1 $0x800, s13  }
0x5c: {  	[tilespmem:s14], [sflag:s12] =	stream.linear.gather @!p1 [hbm4b:s7+s8], $0x50, $0x38;
	[tilespmem:$0x1CA00] =	vst v63  }
0x5d: {  	s5 =	sshrl.u32 s10, $0xB  }
0x5e: {  	s5 =	sand.u32 $0x1F, s5  }
0x5f: {  	s5 =	smul.u32 $0xA, s5  }
0x60: {  	[tilespmem:s11], [sflag:s9] =	stream.linear.gather @!p1 [hbm4b:s3+s8], $0x2800, $0x38;
	[tilespmem:$0x1CA00] =	vst v63  }
0x61: {  	p1 =	sgt.u32 s4, $0x77;
	s13 =	ssub.s32 s4, s5;
	s5 =	sadd.s32 $0x5, s4  }
0x62: {  	s3 =	sand.u32 $0xFF, s13;
	s7 =	smul.u32 @!p1 $0xCD, s5  }
0x63: {  	p2 =	slt.u32 @!p1 s4, $0x5;
	s14 =	sadd.s32 $0x1, s3  }
0x64: {  	p2 =	por p2, p1;
	_ =	swait.ge [sflag:s14], $0x50;
	s4 =	sshrl.u32 @!p1 s7, $0xB  }
0x65: {  	s10 =	smul.u32 $0xA000, s3;
	[sflag:s14] =	ssyncset.done $0x0;
	s4 =	sand.u32 @!p1 $0x1F, s4  }
0x66: {  	s12 =	sadd.s32 $0xB, s3;
	[sflag:s14] =	ssyncadd.s32 $0xFFFFFFB0;
	s4 =	smul.u32 @!p1 $0xA, s4  }
0x67: {  	s13 =	sshll.u32 s3, $0x7;
	s3 =	sadd.s32 $0x15, s3;
	_ =	swait.ge [sflag:s12], $0x2800  }
0x68: {  	s11 =	sshrl.u32 s10, $0x2;
	[sflag:s12] =	ssyncset.done $0x0;
	s4 =	ssub.s32 @!p1 s5, s4  }
0x69: {  	s14 =	sadd.s32 $0x800, s11;
	[sflag:s12] =	ssyncadd.s32 $0xFFFFD800;
	s4 =	sand.u32 @!p1 $0xFF, s4  }
0x6a: {  	[spmem:s1] =	stream.indirect.scatter.add.f32 [tilespmem:s14], [sflag:s3], $0x80, s13, s29, $0xb8;
	[tilespmem:$0x1CA00] =	vst v63  }
0x6b: {  	s3 =	sadd.s32 @!p2 $0x15, s4  }
0x6c: {  	s5 =	smul.u32 @!p1 $0xA000, s4;
	_ =	swait.ge @!p2 [sflag:s3], $0x2800  }
0x6d: {  	s7 =	simm.s32 @!p1 $0x0;
	s8 =	sshll.u32 @!p1 s4, $0x7;
	[sflag:s3] =	ssyncset.done @!p2 $0x0  }
0x6e: {  	s5 =	sshrl.u32 @!p1 s5, $0x2;
	[sflag:s3] =	ssyncadd.s32 @!p2 $0xFFFFD800;
	s3 =	sadd.s32 @!p1 $0x1, s4  }
0x6f: {  	[tilespmem:s8], [sflag:s3] =	stream.linear.gather @!p1 [hbm4b:s28+s7], $0x50, $0x38;
	[tilespmem:$0x1CA00] =	vst v63  }
0x70: {  	s4 =	sadd.s32 @!p1 $0xB, s4;
	s5 =	sadd.s32 @!p1 $0x800, s5;
	s3 =	sadd.s32 $0x500, s16  }
0x71: {  	[tilespmem:s5], [sflag:s4] =	stream.linear.gather @!p1 [hbm4b:s3+s7], $0x2800, $0x38;
	[tilespmem:$0x1CA00] =	vst v63  }
0x72: {  	_ =	swait.ge [sflag:s30], $0x2800  }
0x73: {  	[sflag:s30] =	ssyncset.done $0x0  }
0x74: {  	[sflag:s30] =	ssyncadd.s32 $0xFFFFD800  }
0x75: {  	_ =	swait.ge [sflag:s31], $0x2800  }
0x76: {  	[sflag:s31] =	ssyncset.done $0x0  }
0x77: {  	[sflag:s31] =	ssyncadd.s32 $0xFFFFD800  }
0x78: {  	_ =	swait.ge [sflag:s0], $0x2800  }
0x79: {  	[sflag:s0] =	ssyncset.done $0x0  }
0x7a: {  	[sflag:s0] =	ssyncadd.s32 $0xFFFFD800  }
0x7b: {  	_ =	swait.ge [sflag:s19], $0x2800  }
0x7c: {  	[sflag:s19] =	ssyncset.done $0x0  }
0x7d: {  	[sflag:s19] =	ssyncadd.s32 $0xFFFFD800  }
0x7e: {  	_ =	swait.ge [sflag:s20], $0x2800  }
0x7f: {  	[sflag:s20] =	ssyncset.done $0x0  }
0x80: {  	[sflag:s20] =	ssyncadd.s32 $0xFFFFD800  }
0x81: {  	_ =	swait.ge [sflag:s21], $0x2800  }
0x82: {  	[sflag:s21] =	ssyncset.done $0x0  }
0x83: {  	[sflag:s21] =	ssyncadd.s32 $0xFFFFD800  }
0x84: {  	_ =	swait.ge [sflag:s22], $0x2800  }
0x85: {  	[sflag:s22] =	ssyncset.done $0x0  }
0x86: {  	[sflag:s22] =	ssyncadd.s32 $0xFFFFD800  }
0x87: {  	_ =	swait.ge [sflag:s23], $0x2800  }
0x88: {  	[sflag:s23] =	ssyncset.done $0x0  }
0x89: {  	[sflag:s23] =	ssyncadd.s32 $0xFFFFD800  }
0x8a: {  	_ =	swait.ge [sflag:s24], $0x2800  }
0x8b: {  	[sflag:s24] =	ssyncset.done $0x0  }
0x8c: {  	[sflag:s24] =	ssyncadd.s32 $0xFFFFD800  }
0x8d: {  	_ =	swait.ge [sflag:s25], $0x2800  }
0x8e: {  	[sflag:s25] =	ssyncset.done $0x0  }
0x8f: {  	[sflag:s25] =	ssyncadd.s32 $0xFFFFD800  }
0x90: {  	s26 =	sadd.s32 $0x1, s26;
	[bflag:$0x0] =	sbarrier.arrive $0xFFFF  }
0x91: {  	s3 =	simm.s32 @!p0 $0x1C1F;
	p1 =	sne.s32 s26, s15;
	s4 =	rddreg [dreg:$0xf]  }
0x92: {  	[hbm:s4], [sflag:s3] =	dma.local @!p0 [spmem:s18], $0x6400  }
.Ltmp1:
0x93: {  	_ = 	snop;
	(pc) =	sbr.rel @p1 .LBB2_1-.Ltmp1, $4  }
0x94: {  	s3 =	simm.s32 @!p0 $0x1F  }
0x95: {  	_ =	swait.ge @!p0 [sflag:s3], $0x6400  }
0x96: {  	[sflag:s3] =	ssyncset.done @!p0 $0x0  }
0x97: {  	[sflag:s3] =	ssyncadd.s32 @!p0 $0xFFFF9C00  }
0x98: {  	_ =	sfence.sel $0x180000  }
0x99: {  	[bflag:$0x0] =	sbarrier.arrive $0xFFFF  }
0x9a: {  	_ =	strace $0x90000047  }
0x9b: {  	[bflag:$0x2] =	sbarrier.arrive $0xFFFF  }
0x9c: {  	s0 =	rddreg [dreg:$0x3]  }
0x9d: {  	s0 =	sadd.s32 @!p0 $0x100000, s0  }
0x9e: {  	[sflag:s0] =	ssyncadd.tile.s32 @!p0 $0x1;
	_ =	shalt  }
.Lfunc_end2:
_tile_overlayer_lowered:
.L_overlay_start_2:
0x9f: {  	(tag) =	ssettag $0x2  }
0xa0: {  	s0 =	rddreg [dreg:$0x0];
	s2 =	stileid.u32  }
0xa1: {  	s1 =	rddreg [dreg:$0x1];
	p0 =	sne.s32 s2, $0x0  }
0xa2: {  	s3 =	rddreg [dreg:$0x2];
	[bflag:$0x3] =	sbarrier.arrive $0xFFFF;
	s2 =	simm.s32 @!p0 $0x1C1F  }
0xa3: {  	[timem:s3], [sflag:s2] =	dma.local @!p0 [hbm:s0], s1  }
0xa4: {  	s0 =	simm.s32 @!p0 $0x1F  }
0xa5: {  	_ =	swait.ge @!p0 [sflag:s0], s1  }
0xa6: {  	s1 =	ssub.s32 @!p0 $0x0, s1;
	[sflag:s0] =	ssyncset.done @!p0 $0x0  }
0xa7: {  	[sflag:s0] =	ssyncadd.s32 @!p0 s1  }
0xa8: {  	[bflag:$0x3] =	sbarrier.arrive $0xFFFF  }
0xa9: {  	_ =	shalt  }

</sc_bundles>
